<compile_context>
chip_gen: v7x
topology: tpu7x:2x2x1
jax: 0.10.2.dev20260603
libtpu: 0.0.44.dev20260713+nightly
codegen_flags: <defaults>
</compile_context>

<pallas_src>
import functools

import jax
import jax.numpy as jnp
from jax.experimental import pallas as pl
from jax.experimental.pallas import tpu as pltpu
from jax.experimental.pallas import tpu_sc as plsc

N, D, E, TOPK, FF = 2048, 768, 8, 2, 1536
BN = 256
BLK = 128
MAXS = 4096 + E * BLK
NBLK = MAXS // BLK
EPAD = 128

NW = 32
GW = MAXS // NW
GCH = 80
CW = N // NW
CCH = 32

_SC_MESH = plsc.VectorSubcoreMesh(core_axis_name="c", subcore_axis_name="s")


def _attn_router_kernel(x_ref, noise_ref, aw_ref, ab_ref, rw_ref,
                        h_ref, ti_ref, tw_ref):
    x = x_ref[...]
    attn = jax.lax.dot_general(x, aw_ref[...], (((1,), (0,)), ((), ())),
                               preferred_element_type=jnp.float32)
    h = x + (attn + ab_ref[...] + noise_ref[...])
    h_ref[...] = h
    logits = jax.lax.dot_general(h, rw_ref[...], (((1,), (0,)), ((), ())),
                                 preferred_element_type=jnp.float32)
    col = jax.lax.broadcasted_iota(jnp.int32, (BN, EPAD), 1)
    neg = jnp.float32(-1e30)
    masked = jnp.where(col < E, logits, neg)
    m1 = jnp.max(masked, axis=1, keepdims=True)
    i1 = jnp.min(jnp.where(masked == m1, col, EPAD), axis=1, keepdims=True)
    masked2 = jnp.where(col == i1, neg, masked)
    m2 = jnp.max(masked2, axis=1, keepdims=True)
    i2 = jnp.min(jnp.where(masked2 == m2, col, EPAD), axis=1, keepdims=True)
    ti_ref[...] = jnp.concatenate([i1, i2], axis=1)
    w1r = jax.nn.sigmoid(m1 - m2)
    w2r = jax.nn.sigmoid(m2 - m1)
    tw_ref[...] = jnp.concatenate([w1r, w2r], axis=1)


@functools.partial(
    pl.kernel, mesh=_SC_MESH,
    out_type=jax.ShapeDtypeStruct((MAXS, D), jnp.float32),
    scratch_types=[
        pltpu.VMEM((CW,), jnp.int32),
        pltpu.VMEM((CW,), jnp.int32),
        pltpu.VMEM((CW, D), jnp.float32),
        pltpu.SemaphoreType.DMA,
        pltpu.SemaphoreType.DMA,
    ],
)
def _dispatch_scatter(h_hbm, inv0_hbm, inv1_hbm, xg_hbm,
                      idx0_v, idx1_v, hv, sem0, sem1):
    wid = jax.lax.axis_index("c") * 16 + jax.lax.axis_index("s")
    base = wid * CW

    pltpu.sync_copy(inv0_hbm.at[pl.ds(base, CW)], idx0_v)
    pltpu.sync_copy(inv1_hbm.at[pl.ds(base, CW)], idx1_v)
    pltpu.sync_copy(h_hbm.at[pl.ds(base, CW)], hv)
    s0 = pltpu.async_copy(hv, xg_hbm.at[idx0_v], sem0)
    s1 = pltpu.async_copy(hv, xg_hbm.at[idx1_v], sem1)
    s0.wait()
    s1.wait()


def _ffn_kernel(be_ref, xg_ref, w1_ref, w2_ref, wgt_ref, yg_ref):
    a = jax.lax.dot_general(xg_ref[...].astype(jnp.bfloat16), w1_ref[0],
                            (((1,), (0,)), ((), ())),
                            preferred_element_type=jnp.float32)
    act = (a * jax.nn.sigmoid(a)).astype(jnp.bfloat16)
    y = jax.lax.dot_general(act, w2_ref[0], (((1,), (0,)), ((), ())),
                            preferred_element_type=jnp.float32)
    yg_ref[...] = y * wgt_ref[0]


@functools.partial(
    pl.kernel, mesh=_SC_MESH,
    out_type=jax.ShapeDtypeStruct((N, D), jnp.float32),
    scratch_types=[
        pltpu.VMEM((CCH,), jnp.int32),
        pltpu.VMEM((CCH,), jnp.int32),
        pltpu.VMEM((CCH, D), jnp.float32),
        pltpu.VMEM((CCH, D), jnp.float32),
        pltpu.VMEM((CCH, D), jnp.float32),
        pltpu.SemaphoreType.DMA,
    ],
)
def _combine(h_hbm, yg_hbm, inv0_hbm, inv1_hbm, out_hbm,
             idx0_v, idx1_v, acc_v, r0_v, r1_v, sem):
    wid = jax.lax.axis_index("c") * 16 + jax.lax.axis_index("s")
    base = wid * CW

    def chunk(ci, _):
        off = base + ci * CCH
        pltpu.sync_copy(inv0_hbm.at[pl.ds(off, CCH)], idx0_v)
        cp0 = pltpu.async_copy(yg_hbm.at[idx0_v], r0_v, sem)
        pltpu.sync_copy(inv1_hbm.at[pl.ds(off, CCH)], idx1_v)
        cp1 = pltpu.async_copy(yg_hbm.at[idx1_v], r1_v, sem)
        pltpu.sync_copy(h_hbm.at[pl.ds(off, CCH)], acc_v)
        cp0.wait()
        cp1.wait()

        def add_row(t, _):
            for l in range(D // 16):
                s = pl.ds(l * 16, 16)
                acc_v[t, s] = acc_v[t, s] + r0_v[t, s] + r1_v[t, s]
            return 0

        jax.lax.fori_loop(0, CCH, add_row, 0)
        pltpu.sync_copy(acc_v, out_hbm.at[pl.ds(off, CCH)])
        return 0

    jax.lax.fori_loop(0, CW // CCH, chunk, 0)


@functools.partial(jax.jit, static_argnums=())
def kernel(hidden_states, attn_W, attn_b, router_W, w1, w2):
    x = hidden_states.reshape(N, D)
    noise = (jax.random.normal(jax.random.key(1), hidden_states.shape,
                               hidden_states.dtype) * 0.0001).reshape(N, D)
    rw_pad = jnp.zeros((D, EPAD), jnp.float32).at[:, :E].set(router_W)

    h, ti, tw = pl.pallas_call(
        _attn_router_kernel,
        grid=(N // BN,),
        in_specs=[
            pl.BlockSpec((BN, D), lambda i: (i, 0)),
            pl.BlockSpec((BN, D), lambda i: (i, 0)),
            pl.BlockSpec((D, D), lambda i: (0, 0)),
            pl.BlockSpec((1, D), lambda i: (0, 0)),
            pl.BlockSpec((D, EPAD), lambda i: (0, 0)),
        ],
        out_specs=[
            pl.BlockSpec((BN, D), lambda i: (i, 0)),
            pl.BlockSpec((BN, TOPK), lambda i: (i, 0)),
            pl.BlockSpec((BN, TOPK), lambda i: (i, 0)),
        ],
        out_shape=[
            jax.ShapeDtypeStruct((N, D), jnp.float32),
            jax.ShapeDtypeStruct((N, TOPK), jnp.int32),
            jax.ShapeDtypeStruct((N, TOPK), jnp.float32),
        ],
    )(x, noise, attn_W, attn_b.reshape(1, D), rw_pad)

    ef = ti.reshape(-1)
    onehot = (ef[:, None] == jnp.arange(E, dtype=jnp.int32)[None, :]).astype(jnp.int32)
    csum = jnp.cumsum(onehot, axis=0)
    rank = jnp.take_along_axis(csum, ef[:, None], axis=1)[:, 0] - 1
    counts = csum[-1]
    padded = ((counts + BLK - 1) // BLK) * BLK
    ends = jnp.cumsum(padded)
    offs = ends - padded
    slot = offs[ef] + rank
    wgt_of_slot = jnp.zeros((MAXS,), jnp.float32).at[slot].set(tw.reshape(-1))
    total = ends[-1]
    bstart = jnp.arange(NBLK, dtype=jnp.int32) * BLK
    be = jnp.searchsorted(ends, bstart, side='right').astype(jnp.int32)
    block_expert = jnp.where(bstart < total, be, -1)
    inv = slot.reshape(N, TOPK)
    inv0 = inv[:, 0].astype(jnp.int32)
    inv1 = inv[:, 1].astype(jnp.int32)

    wgt3 = wgt_of_slot.reshape(NBLK, BLK, 1)

    xg = _dispatch_scatter(h, inv0, inv1)

    yg = pl.pallas_call(
        _ffn_kernel,
        grid_spec=pltpu.PrefetchScalarGridSpec(
            num_scalar_prefetch=1,
            grid=(NBLK,),
            in_specs=[
                pl.BlockSpec((BLK, D), lambda b, be_r: (b, 0)),
                pl.BlockSpec((1, D, FF),
                             lambda b, be_r: (jnp.maximum(be_r[b], 0), 0, 0)),
                pl.BlockSpec((1, FF, D),
                             lambda b, be_r: (jnp.maximum(be_r[b], 0), 0, 0)),
                pl.BlockSpec((1, BLK, 1), lambda b, be_r: (b, 0, 0)),
            ],
            out_specs=pl.BlockSpec((BLK, D), lambda b, be_r: (b, 0)),
        ),
        out_shape=jax.ShapeDtypeStruct((MAXS, D), jnp.float32),
    )(block_expert, xg, w1.astype(jnp.bfloat16), w2.astype(jnp.bfloat16), wgt3)

    out = _combine(h, yg, inv0, inv1)
    return out.reshape(hidden_states.shape)

# --- scband reference (transcript-rebuilt; emitter-appended) ---
"""Pipeline reference for scband-simple-decoder-layer-88038239633781 (READ-ONLY COPY).

The authoritative reference and input builder live on the scoring server;
editing this copy changes nothing except your own understanding.
"""

import jax, jax.numpy as jnp
import numpy as np

B, S, D = 1, 2048, 768
E, TOPK, FF = 8, 2, 1536

def setup_inputs(seed: int = 0) -> dict:
    key = jax.random.key(seed)
    ks = jax.random.split(key, 8)
    hidden_states = jax.random.normal(ks[0], (B, S, D), dtype=jnp.float32)
    attn_W = jax.random.normal(ks[1], (D, D), dtype=jnp.float32) * (1.0 / np.sqrt(D))
    attn_b = jnp.zeros((D,), dtype=jnp.float32)
    router_W = jax.random.normal(ks[2], (D, E), dtype=jnp.float32) * (1.0 / np.sqrt(D))
    w1 = jax.random.normal(ks[3], (E, D, FF), dtype=jnp.float32) * (1.0 / np.sqrt(D))
    w2 = jax.random.normal(ks[4], (E, FF, D), dtype=jnp.float32) * (1.0 / np.sqrt(FF))
    return {"hidden_states": hidden_states, "attn_W": attn_W, "attn_b": attn_b, "router_W": router_W, "w1": w1, "w2": w2}

def reference(hidden_states, attn_W, attn_b, router_W, w1, w2):
    # _NoisyLinear: linear + tiny fixed-seed noise (simulates flash-attn nondeterminism)
    noise = jax.random.normal(jax.random.key(1), hidden_states.shape, hidden_states.dtype) * 0.0001
    attn_out = jnp.einsum('bsd,df->bsf', hidden_states, attn_W) + attn_b + noise
    h = hidden_states + attn_out
    # MoE block (eager): top-k routing with renormalized softmax weights
    x2d = h.reshape(-1, D)  # [N, D]
    N = x2d.shape[0]
    router_logits = x2d @ router_W  # [N, E]
    probs = jax.nn.softmax(router_logits, axis=-1)
    topv, topi = jax.lax.top_k(probs, TOPK)  # [N, k]
    topv = topv / jnp.sum(topv, axis=-1, keepdims=True)
    combine = jnp.zeros((N, E), dtype=x2d.dtype).at[jnp.arange(N)[:, None], topi].add(topv)  # [N, E]
    eh = jnp.einsum('nd,edf->enf', x2d, w1)  # [E, N, FF]
    eh = jax.nn.silu(eh)
    ey = jnp.einsum('enf,efd->end', eh, w2)  # [E, N, D]
    moe_out = jnp.einsum('ne,end->nd', combine, ey).reshape(h.shape)
    return h + moe_out

if __name__ == "__main__":
    import jax
    _d = setup_inputs()
    print(jax.jit(kernel)(*tuple(_d.values())))

</pallas_src>

<mosaic_0001>
#map = affine_map<(d0, d1) -> (0, 0)>
#map1 = affine_map<(d0, d1) -> (0)>
module attributes {stable_mosaic.version = 14 : i64} {
  func.func @_dispatch_scatter(%arg0: i32, %arg1: i32, %arg2: memref<2048x768xf32, #tpu.memory_space<hbm>>, %arg3: memref<2048xi32, #tpu.memory_space<hbm>>, %arg4: memref<2048xi32, #tpu.memory_space<hbm>>, %arg5: memref<5120x768xf32, #tpu.memory_space<hbm>>, %arg6: memref<64xi32, #tpu.memory_space<vmem>>, %arg7: memref<64xi32, #tpu.memory_space<vmem>>, %arg8: memref<64x768xf32, #tpu.memory_space<vmem>>, %arg9: memref<!tpu.dma_semaphore, #tpu.memory_space<semaphore_mem>>, %arg10: memref<!tpu.dma_semaphore, #tpu.memory_space<semaphore_mem>>) attributes {dimension_semantics = [#tpu.dimension_semantics<core_parallel>, #tpu.dimension_semantics<subcore_parallel>], iteration_bounds = array<i64: 2, 16>, scalar_prefetch = 0 : i64, scratch_operands = 5 : i64, tpu.core_type = #tpu.core_type<sc_vector_subcore>, window_params = [{transform_indices = #map}, {transform_indices = #map1}, {transform_indices = #map1}, {transform_indices = #map}]} {
    %mul3A = arith.constant 16 : i32
    %mul3A_0 = arith.muli %arg0, %mul3A : i32
    %add3A = arith.addi %mul3A_0, %arg1 : i32
    %mul3A_1 = arith.constant 64 : i32
    %mul3A_2 = arith.muli %add3A, %mul3A_1 : i32
    "tpu.region"() ({
      %run_scoped3A = tpu.sem_alloc : memref<!tpu.dma_semaphore, #tpu.memory_space<semaphore_mem>>
      %dma_start3A_13 = tpu.memref_slice %arg3[%mul3A_2] : memref<2048xi32, #tpu.memory_space<hbm>> -> memref<64xi32, #tpu.memory_space<hbm>>
      %dma_start3A_14 = tpu.memref_slice %arg3[%mul3A_2] : memref<2048xi32, #tpu.memory_space<hbm>> -> memref<64xi32, #tpu.memory_space<hbm>>
      tpu.enqueue_dma source(%dma_start3A_14 : memref<64xi32, #tpu.memory_space<hbm>>) target(%arg6 : memref<64xi32, #tpu.memory_space<vmem>>) target_semaphore(%run_scoped3A : memref<!tpu.dma_semaphore, #tpu.memory_space<semaphore_mem>>)
      %dma_wait3A_15 = tpu.memref_slice %arg3[%mul3A_2] : memref<2048xi32, #tpu.memory_space<hbm>> -> memref<64xi32, #tpu.memory_space<hbm>>
      %dma_wait3A_16 = tpu.memref_slice %arg3[%mul3A_2] : memref<2048xi32, #tpu.memory_space<hbm>> -> memref<64xi32, #tpu.memory_space<hbm>>
      tpu.wait_dma2 semaphore(%run_scoped3A : memref<!tpu.dma_semaphore, #tpu.memory_space<semaphore_mem>>) src(%dma_wait3A_16 : memref<64xi32, #tpu.memory_space<hbm>>) dst(%arg6 : memref<64xi32, #tpu.memory_space<vmem>>)
      tpu.yield
    }) : () -> ()
    "tpu.region"() ({
      %run_scoped3A = tpu.sem_alloc : memref<!tpu.dma_semaphore, #tpu.memory_space<semaphore_mem>>
      %dma_start3A_13 = tpu.memref_slice %arg4[%mul3A_2] : memref<2048xi32, #tpu.memory_space<hbm>> -> memref<64xi32, #tpu.memory_space<hbm>>
      %dma_start3A_14 = tpu.memref_slice %arg4[%mul3A_2] : memref<2048xi32, #tpu.memory_space<hbm>> -> memref<64xi32, #tpu.memory_space<hbm>>
      tpu.enqueue_dma source(%dma_start3A_14 : memref<64xi32, #tpu.memory_space<hbm>>) target(%arg7 : memref<64xi32, #tpu.memory_space<vmem>>) target_semaphore(%run_scoped3A : memref<!tpu.dma_semaphore, #tpu.memory_space<semaphore_mem>>)
      %dma_wait3A_15 = tpu.memref_slice %arg4[%mul3A_2] : memref<2048xi32, #tpu.memory_space<hbm>> -> memref<64xi32, #tpu.memory_space<hbm>>
      %dma_wait3A_16 = tpu.memref_slice %arg4[%mul3A_2] : memref<2048xi32, #tpu.memory_space<hbm>> -> memref<64xi32, #tpu.memory_space<hbm>>
      tpu.wait_dma2 semaphore(%run_scoped3A : memref<!tpu.dma_semaphore, #tpu.memory_space<semaphore_mem>>) src(%dma_wait3A_16 : memref<64xi32, #tpu.memory_space<hbm>>) dst(%arg7 : memref<64xi32, #tpu.memory_space<vmem>>)
      tpu.yield
    }) : () -> ()
    "tpu.region"() ({
      %run_scoped3A = tpu.sem_alloc : memref<!tpu.dma_semaphore, #tpu.memory_space<semaphore_mem>>
      %dma_start3A_13 = arith.constant 0 : i32
      %dma_start3A_14 = tpu.memref_slice %arg2[%mul3A_2, %dma_start3A_13] : memref<2048x768xf32, #tpu.memory_space<hbm>> -> memref<64x768xf32, #tpu.memory_space<hbm>>
      %dma_start3A_15 = arith.constant 0 : i32
      %dma_start3A_16 = tpu.memref_slice %arg2[%mul3A_2, %dma_start3A_15] : memref<2048x768xf32, #tpu.memory_space<hbm>> -> memref<64x768xf32, #tpu.memory_space<hbm>>
      tpu.enqueue_dma source(%dma_start3A_16 : memref<64x768xf32, #tpu.memory_space<hbm>>) target(%arg8 : memref<64x768xf32, #tpu.memory_space<vmem>>) target_semaphore(%run_scoped3A : memref<!tpu.dma_semaphore, #tpu.memory_space<semaphore_mem>>)
      %dma_wait3A_17 = arith.constant 0 : i32
      %dma_wait3A_18 = tpu.memref_slice %arg2[%mul3A_2, %dma_wait3A_17] : memref<2048x768xf32, #tpu.memory_space<hbm>> -> memref<64x768xf32, #tpu.memory_space<hbm>>
      %dma_wait3A_19 = arith.constant 0 : i32
      %dma_wait3A_20 = tpu.memref_slice %arg2[%mul3A_2, %dma_wait3A_19] : memref<2048x768xf32, #tpu.memory_space<hbm>> -> memref<64x768xf32, #tpu.memory_space<hbm>>
      tpu.wait_dma2 semaphore(%run_scoped3A : memref<!tpu.dma_semaphore, #tpu.memory_space<semaphore_mem>>) src(%dma_wait3A_20 : memref<64x768xf32, #tpu.memory_space<hbm>>) dst(%arg8 : memref<64x768xf32, #tpu.memory_space<vmem>>)
      tpu.yield
    }) : () -> ()
    %dma_start3A = arith.constant 0 : i32
    %dma_start3A_3 = arith.constant 0 : i32
    %dma_start3A_4 = tpu.memref_slice %arg5[%dma_start3A, %dma_start3A_3] : memref<5120x768xf32, #tpu.memory_space<hbm>> -> memref<5120x768xf32, #tpu.memory_space<hbm>>
    tpu.enqueue_indirect_dma source(%arg8 : memref<64x768xf32, #tpu.memory_space<vmem>>) target(%dma_start3A_4 : memref<5120x768xf32, #tpu.memory_space<hbm>>) offsets(%arg6 : memref<64xi32, #tpu.memory_space<vmem>>) semaphore(%arg9 : memref<!tpu.dma_semaphore, #tpu.memory_space<semaphore_mem>>)
    %dma_start3A_5 = arith.constant 0 : i32
    %dma_start3A_6 = arith.constant 0 : i32
    %dma_start3A_7 = tpu.memref_slice %arg5[%dma_start3A_5, %dma_start3A_6] : memref<5120x768xf32, #tpu.memory_space<hbm>> -> memref<5120x768xf32, #tpu.memory_space<hbm>>
    tpu.enqueue_indirect_dma source(%arg8 : memref<64x768xf32, #tpu.memory_space<vmem>>) target(%dma_start3A_7 : memref<5120x768xf32, #tpu.memory_space<hbm>>) offsets(%arg7 : memref<64xi32, #tpu.memory_space<vmem>>) semaphore(%arg10 : memref<!tpu.dma_semaphore, #tpu.memory_space<semaphore_mem>>)
    %dma_wait3A = arith.constant 0 : i32
    %dma_wait3A_8 = arith.constant 0 : i32
    %dma_wait3A_9 = tpu.memref_slice %arg5[%dma_wait3A, %dma_wait3A_8] : memref<5120x768xf32, #tpu.memory_space<hbm>> -> memref<5120x768xf32, #tpu.memory_space<hbm>>
    tpu.wait_indirect_dma semaphore(%arg9 : memref<!tpu.dma_semaphore, #tpu.memory_space<semaphore_mem>>) src(%arg8 : memref<64x768xf32, #tpu.memory_space<vmem>>) dst(%dma_wait3A_9 : memref<5120x768xf32, #tpu.memory_space<hbm>>)
    %dma_wait3A_10 = arith.constant 0 : i32
    %dma_wait3A_11 = arith.constant 0 : i32
    %dma_wait3A_12 = tpu.memref_slice %arg5[%dma_wait3A_10, %dma_wait3A_11] : memref<5120x768xf32, #tpu.memory_space<hbm>> -> memref<5120x768xf32, #tpu.memory_space<hbm>>
    tpu.wait_indirect_dma semaphore(%arg10 : memref<!tpu.dma_semaphore, #tpu.memory_space<semaphore_mem>>) src(%arg8 : memref<64x768xf32, #tpu.memory_space<vmem>>) dst(%dma_wait3A_12 : memref<5120x768xf32, #tpu.memory_space<hbm>>)
    return
  }
}

#map = affine_map<(d0, d1) -> (0, 0)>
#map1 = affine_map<(d0, d1) -> (0)>
module attributes {stable_mosaic.version = 14 : i64} {
  func.func @_combine(%arg0: i32, %arg1: i32, %arg2: memref<2048x768xf32, #tpu.memory_space<hbm>>, %arg3: memref<5120x768xf32, #tpu.memory_space<hbm>>, %arg4: memref<2048xi32, #tpu.memory_space<hbm>>, %arg5: memref<2048xi32, #tpu.memory_space<hbm>>, %arg6: memref<2048x768xf32, #tpu.memory_space<hbm>>, %arg7: memref<32xi32, #tpu.memory_space<vmem>>, %arg8: memref<32xi32, #tpu.memory_space<vmem>>, %arg9: memref<32x768xf32, #tpu.memory_space<vmem>>, %arg10: memref<32x768xf32, #tpu.memory_space<vmem>>, %arg11: memref<32x768xf32, #tpu.memory_space<vmem>>, %arg12: memref<!tpu.dma_semaphore, #tpu.memory_space<semaphore_mem>>) attributes {dimension_semantics = [#tpu.dimension_semantics<core_parallel>, #tpu.dimension_semantics<subcore_parallel>], iteration_bounds = array<i64: 2, 16>, scalar_prefetch = 0 : i64, scratch_operands = 6 : i64, tpu.core_type = #tpu.core_type<sc_vector_subcore>, window_params = [{transform_indices = #map}, {transform_indices = #map}, {transform_indices = #map1}, {transform_indices = #map1}, {transform_indices = #map}]} {
    %mul3A = arith.constant 16 : i32
    %mul3A_0 = arith.muli %arg0, %mul3A : i32
    %add3A = arith.addi %mul3A_0, %arg1 : i32
    %mul3A_1 = arith.constant 64 : i32
    %mul3A_2 = arith.muli %add3A, %mul3A_1 : i32
    %scan3A = arith.constant 0 : i32
    %scan3A_3 = arith.constant 0 : i32
    %scan3A_4 = arith.constant 2 : i32
    %scan3A_5 = arith.addi %scan3A_3, %scan3A_4 : i32
    %scan3A_6 = arith.constant 1 : i32
    %scan3A_7 = scf.for %scan3A_9 = %scan3A_3 to %scan3A_5 step %scan3A_6 iter_args(%scan3A_10 = %scan3A) -> (i32)  : i32 {
      %mul3A_11 = arith.constant 32 : i32
      %mul3A_12 = arith.muli %scan3A_9, %mul3A_11 : i32
      %add3A_13 = arith.addi %mul3A_2, %mul3A_12 : i32
      "tpu.region"() ({
        %run_scoped3A = tpu.sem_alloc : memref<!tpu.dma_semaphore, #tpu.memory_space<semaphore_mem>>
        %dma_start3A_32 = tpu.memref_slice %arg4[%add3A_13] : memref<2048xi32, #tpu.memory_space<hbm>> -> memref<32xi32, #tpu.memory_space<hbm>>
        %dma_start3A_33 = tpu.memref_slice %arg4[%add3A_13] : memref<2048xi32, #tpu.memory_space<hbm>> -> memref<32xi32, #tpu.memory_space<hbm>>
        tpu.enqueue_dma source(%dma_start3A_33 : memref<32xi32, #tpu.memory_space<hbm>>) target(%arg7 : memref<32xi32, #tpu.memory_space<vmem>>) target_semaphore(%run_scoped3A : memref<!tpu.dma_semaphore, #tpu.memory_space<semaphore_mem>>)
        %dma_wait3A_34 = tpu.memref_slice %arg4[%add3A_13] : memref<2048xi32, #tpu.memory_space<hbm>> -> memref<32xi32, #tpu.memory_space<hbm>>
        %dma_wait3A_35 = tpu.memref_slice %arg4[%add3A_13] : memref<2048xi32, #tpu.memory_space<hbm>> -> memref<32xi32, #tpu.memory_space<hbm>>
        tpu.wait_dma2 semaphore(%run_scoped3A : memref<!tpu.dma_semaphore, #tpu.memory_space<semaphore_mem>>) src(%dma_wait3A_35 : memref<32xi32, #tpu.memory_space<hbm>>) dst(%arg7 : memref<32xi32, #tpu.memory_space<vmem>>)
        tpu.yield
      }) : () -> ()
      %dma_start3A = arith.constant 0 : i32
      %dma_start3A_14 = arith.constant 0 : i32
      %dma_start3A_15 = tpu.memref_slice %arg3[%dma_start3A, %dma_start3A_14] : memref<5120x768xf32, #tpu.memory_space<hbm>> -> memref<5120x768xf32, #tpu.memory_space<hbm>>
      tpu.enqueue_indirect_dma source(%dma_start3A_15 : memref<5120x768xf32, #tpu.memory_space<hbm>>) target(%arg10 : memref<32x768xf32, #tpu.memory_space<vmem>>) offsets(%arg7 : memref<32xi32, #tpu.memory_space<vmem>>) semaphore(%arg12 : memref<!tpu.dma_semaphore, #tpu.memory_space<semaphore_mem>>)
      "tpu.region"() ({
        %run_scoped3A = tpu.sem_alloc : memref<!tpu.dma_semaphore, #tpu.memory_space<semaphore_mem>>
        %dma_start3A_32 = tpu.memref_slice %arg5[%add3A_13] : memref<2048xi32, #tpu.memory_space<hbm>> -> memref<32xi32, #tpu.memory_space<hbm>>
        %dma_start3A_33 = tpu.memref_slice %arg5[%add3A_13] : memref<2048xi32, #tpu.memory_space<hbm>> -> memref<32xi32, #tpu.memory_space<hbm>>
        tpu.enqueue_dma source(%dma_start3A_33 : memref<32xi32, #tpu.memory_space<hbm>>) target(%arg8 : memref<32xi32, #tpu.memory_space<vmem>>) target_semaphore(%run_scoped3A : memref<!tpu.dma_semaphore, #tpu.memory_space<semaphore_mem>>)
        %dma_wait3A_34 = tpu.memref_slice %arg5[%add3A_13] : memref<2048xi32, #tpu.memory_space<hbm>> -> memref<32xi32, #tpu.memory_space<hbm>>
        %dma_wait3A_35 = tpu.memref_slice %arg5[%add3A_13] : memref<2048xi32, #tpu.memory_space<hbm>> -> memref<32xi32, #tpu.memory_space<hbm>>
        tpu.wait_dma2 semaphore(%run_scoped3A : memref<!tpu.dma_semaphore, #tpu.memory_space<semaphore_mem>>) src(%dma_wait3A_35 : memref<32xi32, #tpu.memory_space<hbm>>) dst(%arg8 : memref<32xi32, #tpu.memory_space<vmem>>)
        tpu.yield
      }) : () -> ()
      %dma_start3A_16 = arith.constant 0 : i32
      %dma_start3A_17 = arith.constant 0 : i32
      %dma_start3A_18 = tpu.memref_slice %arg3[%dma_start3A_16, %dma_start3A_17] : memref<5120x768xf32, #tpu.memory_space<hbm>> -> memref<5120x768xf32, #tpu.memory_space<hbm>>
      tpu.enqueue_indirect_dma source(%dma_start3A_18 : memref<5120x768xf32, #tpu.memory_space<hbm>>) target(%arg11 : memref<32x768xf32, #tpu.memory_space<vmem>>) offsets(%arg8 : memref<32xi32, #tpu.memory_space<vmem>>) semaphore(%arg12 : memref<!tpu.dma_semaphore, #tpu.memory_space<semaphore_mem>>)
      "tpu.region"() ({
        %run_scoped3A = tpu.sem_alloc : memref<!tpu.dma_semaphore, #tpu.memory_space<semaphore_mem>>
        %dma_start3A_32 = arith.constant 0 : i32
        %dma_start3A_33 = tpu.memref_slice %arg2[%add3A_13, %dma_start3A_32] : memref<2048x768xf32, #tpu.memory_space<hbm>> -> memref<32x768xf32, #tpu.memory_space<hbm>>
        %dma_start3A_34 = arith.constant 0 : i32
        %dma_start3A_35 = tpu.memref_slice %arg2[%add3A_13, %dma_start3A_34] : memref<2048x768xf32, #tpu.memory_space<hbm>> -> memref<32x768xf32, #tpu.memory_space<hbm>>
        tpu.enqueue_dma source(%dma_start3A_35 : memref<32x768xf32, #tpu.memory_space<hbm>>) target(%arg9 : memref<32x768xf32, #tpu.memory_space<vmem>>) target_semaphore(%run_scoped3A : memref<!tpu.dma_semaphore, #tpu.memory_space<semaphore_mem>>)
        %dma_wait3A_36 = arith.constant 0 : i32
        %dma_wait3A_37 = tpu.memref_slice %arg2[%add3A_13, %dma_wait3A_36] : memref<2048x768xf32, #tpu.memory_space<hbm>> -> memref<32x768xf32, #tpu.memory_space<hbm>>
        %dma_wait3A_38 = arith.constant 0 : i32
        %dma_wait3A_39 = tpu.memref_slice %arg2[%add3A_13, %dma_wait3A_38] : memref<2048x768xf32, #tpu.memory_space<hbm>> -> memref<32x768xf32, #tpu.memory_space<hbm>>
        tpu.wait_dma2 semaphore(%run_scoped3A : memref<!tpu.dma_semaphore, #tpu.memory_space<semaphore_mem>>) src(%dma_wait3A_39 : memref<32x768xf32, #tpu.memory_space<hbm>>) dst(%arg9 : memref<32x768xf32, #tpu.memory_space<vmem>>)
        tpu.yield
      }) : () -> ()
      %dma_wait3A = arith.constant 0 : i32
      %dma_wait3A_19 = arith.constant 0 : i32
      %dma_wait3A_20 = tpu.memref_slice %arg3[%dma_wait3A, %dma_wait3A_19] : memref<5120x768xf32, #tpu.memory_space<hbm>> -> memref<5120x768xf32, #tpu.memory_space<hbm>>
      tpu.wait_indirect_dma semaphore(%arg12 : memref<!tpu.dma_semaphore, #tpu.memory_space<semaphore_mem>>) src(%dma_wait3A_20 : memref<5120x768xf32, #tpu.memory_space<hbm>>) dst(%arg10 : memref<32x768xf32, #tpu.memory_space<vmem>>)
      %dma_wait3A_21 = arith.constant 0 : i32
      %dma_wait3A_22 = arith.constant 0 : i32
      %dma_wait3A_23 = tpu.memref_slice %arg3[%dma_wait3A_21, %dma_wait3A_22] : memref<5120x768xf32, #tpu.memory_space<hbm>> -> memref<5120x768xf32, #tpu.memory_space<hbm>>
      tpu.wait_indirect_dma semaphore(%arg12 : memref<!tpu.dma_semaphore, #tpu.memory_space<semaphore_mem>>) src(%dma_wait3A_23 : memref<5120x768xf32, #tpu.memory_space<hbm>>) dst(%arg11 : memref<32x768xf32, #tpu.memory_space<vmem>>)
      %scan3A_24 = arith.constant 0 : i32
      %scan3A_25 = arith.constant 0 : i32
      %scan3A_26 = arith.constant 32 : i32
      %scan3A_27 = arith.addi %scan3A_25, %scan3A_26 : i32
      %scan3A_28 = arith.constant 1 : i32
      %scan3A_29 = scf.for %scan3A_32 = %scan3A_25 to %scan3A_27 step %scan3A_28 iter_args(%scan3A_33 = %scan3A_24) -> (i32)  : i32 {
        %get3A = arith.index_cast %scan3A_32 : i32 to index
        %get3A_34 = arith.constant 0 : index
        %get3A_35 = tpu.vector_load %arg9[%get3A, %get3A_34] {strides = array<i32>} : memref<32x768xf32, #tpu.memory_space<vmem>>, vector<1x16xf32>,
        %get3A_36 = vector.shape_cast %get3A_35 : vector<1x16xf32> to vector<16xf32>
        %get3A_37 = arith.index_cast %scan3A_32 : i32 to index
        %get3A_38 = arith.constant 0 : index
        %get3A_39 = tpu.vector_load %arg10[%get3A_37, %get3A_38] {strides = array<i32>} : memref<32x768xf32, #tpu.memory_space<vmem>>, vector<1x16xf32>,
        %get3A_40 = vector.shape_cast %get3A_39 : vector<1x16xf32> to vector<16xf32>
        %add3A_41 = arith.addf %get3A_36, %get3A_40 : vector<16xf32>
        %get3A_42 = arith.index_cast %scan3A_32 : i32 to index
        %get3A_43 = arith.constant 0 : index
        %get3A_44 = tpu.vector_load %arg11[%get3A_42, %get3A_43] {strides = array<i32>} : memref<32x768xf32, #tpu.memory_space<vmem>>, vector<1x16xf32>,
        %get3A_45 = vector.shape_cast %get3A_44 : vector<1x16xf32> to vector<16xf32>
        %add3A_46 = arith.addf %add3A_41, %get3A_45 : vector<16xf32>
        %swap3A = arith.index_cast %scan3A_32 : i32 to index
        %swap3A_47 = arith.constant 0 : index
        %swap3A_48 = tpu.vector_load %arg9[%swap3A, %swap3A_47] {strides = array<i32>} : memref<32x768xf32, #tpu.memory_space<vmem>>, vector<1x16xf32>,
        %swap3A_49 = vector.shape_cast %swap3A_48 : vector<1x16xf32> to vector<16xf32>
        %swap3A_50 = vector.shape_cast %add3A_46 : vector<16xf32> to vector<1x16xf32>
        tpu.vector_store %arg9[%swap3A, %swap3A_47], %swap3A_50 {strides = array<i32>} : memref<32x768xf32, #tpu.memory_space<vmem>>, vector<1x16xf32>,
        %get3A_51 = arith.index_cast %scan3A_32 : i32 to index
        %get3A_52 = arith.constant 16 : index
        %get3A_53 = tpu.vector_load %arg9[%get3A_51, %get3A_52] {strides = array<i32>} : memref<32x768xf32, #tpu.memory_space<vmem>>, vector<1x16xf32>,
        %get3A_54 = vector.shape_cast %get3A_53 : vector<1x16xf32> to vector<16xf32>
        %get3A_55 = arith.index_cast %scan3A_32 : i32 to index
        %get3A_56 = arith.constant 16 : index
        %get3A_57 = tpu.vector_load %arg10[%get3A_55, %get3A_56] {strides = array<i32>} : memref<32x768xf32, #tpu.memory_space<vmem>>, vector<1x16xf32>,
        %get3A_58 = vector.shape_cast %get3A_57 : vector<1x16xf32> to vector<16xf32>
        %add3A_59 = arith.addf %get3A_54, %get3A_58 : vector<16xf32>
        %get3A_60 = arith.index_cast %scan3A_32 : i32 to index
        %get3A_61 = arith.constant 16 : index
        %get3A_62 = tpu.vector_load %arg11[%get3A_60, %get3A_61] {strides = array<i32>} : memref<32x768xf32, #tpu.memory_space<vmem>>, vector<1x16xf32>,
        %get3A_63 = vector.shape_cast %get3A_62 : vector<1x16xf32> to vector<16xf32>
        %add3A_64 = arith.addf %add3A_59, %get3A_63 : vector<16xf32>
        %swap3A_65 = arith.index_cast %scan3A_32 : i32 to index
        %swap3A_66 = arith.constant 16 : index
        %swap3A_67 = tpu.vector_load %arg9[%swap3A_65, %swap3A_66] {strides = array<i32>} : memref<32x768xf32, #tpu.memory_space<vmem>>, vector<1x16xf32>,
        %swap3A_68 = vector.shape_cast %swap3A_67 : vector<1x16xf32> to vector<16xf32>
        %swap3A_69 = vector.shape_cast %add3A_64 : vector<16xf32> to vector<1x16xf32>
        tpu.vector_store %arg9[%swap3A_65, %swap3A_66], %swap3A_69 {strides = array<i32>} : memref<32x768xf32, #tpu.memory_space<vmem>>, vector<1x16xf32>,
        %get3A_70 = arith.index_cast %scan3A_32 : i32 to index
        %get3A_71 = arith.constant 32 : index
        %get3A_72 = tpu.vector_load %arg9[%get3A_70, %get3A_71] {strides = array<i32>} : memref<32x768xf32, #tpu.memory_space<vmem>>, vector<1x16xf32>,
        %get3A_73 = vector.shape_cast %get3A_72 : vector<1x16xf32> to vector<16xf32>
        %get3A_74 = arith.index_cast %scan3A_32 : i32 to index
        %get3A_75 = arith.constant 32 : index
        %get3A_76 = tpu.vector_load %arg10[%get3A_74, %get3A_75] {strides = array<i32>} : memref<32x768xf32, #tpu.memory_space<vmem>>, vector<1x16xf32>,
        %get3A_77 = vector.shape_cast %get3A_76 : vector<1x16xf32> to vector<16xf32>
        %add3A_78 = arith.addf %get3A_73, %get3A_77 : vector<16xf32>
        %get3A_79 = arith.index_cast %scan3A_32 : i32 to index
        %get3A_80 = arith.constant 32 : index
        %get3A_81 = tpu.vector_load %arg11[%get3A_79, %get3A_80] {strides = array<i32>} : memref<32x768xf32, #tpu.memory_space<vmem>>, vector<1x16xf32>,
        %get3A_82 = vector.shape_cast %get3A_81 : vector<1x16xf32> to vector<16xf32>
        %add3A_83 = arith.addf %add3A_78, %get3A_82 : vector<16xf32>
        %swap3A_84 = arith.index_cast %scan3A_32 : i32 to index
        %swap3A_85 = arith.constant 32 : index
        %swap3A_86 = tpu.vector_load %arg9[%swap3A_84, %swap3A_85] {strides = array<i32>} : memref<32x768xf32, #tpu.memory_space<vmem>>, vector<1x16xf32>,
        %swap3A_87 = vector.shape_cast %swap3A_86 : vector<1x16xf32> to vector<16xf32>
        %swap3A_88 = vector.shape_cast %add3A_83 : vector<16xf32> to vector<1x16xf32>
        tpu.vector_store %arg9[%swap3A_84, %swap3A_85], %swap3A_88 {strides = array<i32>} : memref<32x768xf32, #tpu.memory_space<vmem>>, vector<1x16xf32>,
        %get3A_89 = arith.index_cast %scan3A_32 : i32 to index
        %get3A_90 = arith.constant 48 : index
        %get3A_91 = tpu.vector_load %arg9[%get3A_89, %get3A_90] {strides = array<i32>} : memref<32x768xf32, #tpu.memory_space<vmem>>, vector<1x16xf32>,
        %get3A_92 = vector.shape_cast %get3A_91 : vector<1x16xf32> to vector<16xf32>
        %get3A_93 = arith.index_cast %scan3A_32 : i32 to index
        %get3A_94 = arith.constant 48 : index
        %get3A_95 = tpu.vector_load %arg10[%get3A_93, %get3A_94] {strides = array<i32>} : memref<32x768xf32, #tpu.memory_space<vmem>>, vector<1x16xf32>,
        %get3A_96 = vector.shape_cast %get3A_95 : vector<1x16xf32> to vector<16xf32>
        %add3A_97 = arith.addf %get3A_92, %get3A_96 : vector<16xf32>
        %get3A_98 = arith.index_cast %scan3A_32 : i32 to index
        %get3A_99 = arith.constant 48 : index
        %get3A_100 = tpu.vector_load %arg11[%get3A_98, %get3A_99] {strides = array<i32>} : memref<32x768xf32, #tpu.memory_space<vmem>>, vector<1x16xf32>,
        %get3A_101 = vector.shape_cast %get3A_100 : vector<1x16xf32> to vector<16xf32>
        %add3A_102 = arith.addf %add3A_97, %get3A_101 : vector<16xf32>
        %swap3A_103 = arith.index_cast %scan3A_32 : i32 to index
        %swap3A_104 = arith.constant 48 : index
        %swap3A_105 = tpu.vector_load %arg9[%swap3A_103, %swap3A_104] {strides = array<i32>} : memref<32x768xf32, #tpu.memory_space<vmem>>, vector<1x16xf32>,
        %swap3A_106 = vector.shape_cast %swap3A_105 : vector<1x16xf32> to vector<16xf32>
        %swap3A_107 = vector.shape_cast %add3A_102 : vector<16xf32> to vector<1x16xf32>
        tpu.vector_store %arg9[%swap3A_103, %swap3A_104], %swap3A_107 {strides = array<i32>} : memref<32x768xf32, #tpu.memory_space<vmem>>, vector<1x16xf32>,
        %get3A_108 = arith.index_cast %scan3A_32 : i32 to index
        %get3A_109 = arith.constant 64 : index
        %get3A_110 = tpu.vector_load %arg9[%get3A_108, %get3A_109] {strides = array<i32>} : memref<32x768xf32, #tpu.memory_space<vmem>>, vector<1x16xf32>,
        %get3A_111 = vector.shape_cast %get3A_110 : vector<1x16xf32> to vector<16xf32>
        %get3A_112 = arith.index_cast %scan3A_32 : i32 to index
        %get3A_113 = arith.constant 64 : index
        %get3A_114 = tpu.vector_load %arg10[%get3A_112, %get3A_113] {strides = array<i32>} : memref<32x768xf32, #tpu.memory_space<vmem>>, vector<1x16xf32>,
        %get3A_115 = vector.shape_cast %get3A_114 : vector<1x16xf32> to vector<16xf32>
        %add3A_116 = arith.addf %get3A_111, %get3A_115 : vector<16xf32>
        %get3A_117 = arith.index_cast %scan3A_32 : i32 to index
        %get3A_118 = arith.constant 64 : index
        %get3A_119 = tpu.vector_load %arg11[%get3A_117, %get3A_118] {strides = array<i32>} : memref<32x768xf32, #tpu.memory_space<vmem>>, vector<1x16xf32>,
        %get3A_120 = vector.shape_cast %get3A_119 : vector<1x16xf32> to vector<16xf32>
        %add3A_121 = arith.addf %add3A_116, %get3A_120 : vector<16xf32>
        %swap3A_122 = arith.index_cast %scan3A_32 : i32 to index
        %swap3A_123 = arith.constant 64 : index
        %swap3A_124 = tpu.vector_load %arg9[%swap3A_122, %swap3A_123] {strides = array<i32>} : memref<32x768xf32, #tpu.memory_space<vmem>>, vector<1x16xf32>,
        %swap3A_125 = vector.shape_cast %swap3A_124 : vector<1x16xf32> to vector<16xf32>
        %swap3A_126 = vector.shape_cast %add3A_121 : vector<16xf32> to vector<1x16xf32>
        tpu.vector_store %arg9[%swap3A_122, %swap3A_123], %swap3A_126 {strides = array<i32>} : memref<32x768xf32, #tpu.memory_space<vmem>>, vector<1x16xf32>,
        %get3A_127 = arith.index_cast %scan3A_32 : i32 to index
        %get3A_128 = arith.constant 80 : index
        %get3A_129 = tpu.vector_load %arg9[%get3A_127, %get3A_128] {strides = array<i32>} : memref<32x768xf32, #tpu.memory_space<vmem>>, vector<1x16xf32>,
        %get3A_130 = vector.shape_cast %get3A_129 : vector<1x16xf32> to vector<16xf32>
        %get3A_131 = arith.index_cast %scan3A_32 : i32 to index
        %get3A_132 = arith.constant 80 : index
        %get3A_133 = tpu.vector_load %arg10[%get3A_131, %get3A_132] {strides = array<i32>} : memref<32x768xf32, #tpu.memory_space<vmem>>, vector<1x16xf32>,
        %get3A_134 = vector.shape_cast %get3A_133 : vector<1x16xf32> to vector<16xf32>
        %add3A_135 = arith.addf %get3A_130, %get3A_134 : vector<16xf32>
        %get3A_136 = arith.index_cast %scan3A_32 : i32 to index
        %get3A_137 = arith.constant 80 : index
        %get3A_138 = tpu.vector_load %arg11[%get3A_136, %get3A_137] {strides = array<i32>} : memref<32x768xf32, #tpu.memory_space<vmem>>, vector<1x16xf32>,
        %get3A_139 = vector.shape_cast %get3A_138 : vector<1x16xf32> to vector<16xf32>
        %add3A_140 = arith.addf %add3A_135, %get3A_139 : vector<16xf32>
        %swap3A_141 = arith.index_cast %scan3A_32 : i32 to index
        %swap3A_142 = arith.constant 80 : index
        %swap3A_143 = tpu.vector_load %arg9[%swap3A_141, %swap3A_142] {strides = array<i32>} : memref<32x768xf32, #tpu.memory_space<vmem>>, vector<1x16xf32>,
        %swap3A_144 = vector.shape_cast %swap3A_143 : vector<1x16xf32> to vector<16xf32>
        %swap3A_145 = vector.shape_cast %add3A_140 : vector<16xf32> to vector<1x16xf32>
        tpu.vector_store %arg9[%swap3A_141, %swap3A_142], %swap3A_145 {strides = array<i32>} : memref<32x768xf32, #tpu.memory_space<vmem>>, vector<1x16xf32>,
        %get3A_146 = arith.index_cast %scan3A_32 : i32 to index
        %get3A_147 = arith.constant 96 : index
        %get3A_148 = tpu.vector_load %arg9[%get3A_146, %get3A_147] {strides = array<i32>} : memref<32x768xf32, #tpu.memory_space<vmem>>, vector<1x16xf32>,
        %get3A_149 = vector.shape_cast %get3A_148 : vector<1x16xf32> to vector<16xf32>
        %get3A_150 = arith.index_cast %scan3A_32 : i32 to index
        %get3A_151 = arith.constant 96 : index
        %get3A_152 = tpu.vector_load %arg10[%get3A_150, %get3A_151] {strides = array<i32>} : memref<32x768xf32, #tpu.memory_space<vmem>>, vector<1x16xf32>,
        %get3A_153 = vector.shape_cast %get3A_152 : vector<1x16xf32> to vector<16xf32>
        %add3A_154 = arith.addf %get3A_149, %get3A_153 : vector<16xf32>
        %get3A_155 = arith.index_cast %scan3A_32 : i32 to index
        %get3A_156 = arith.constant 96 : index
        %get3A_157 = tpu.vector_load %arg11[%get3A_155, %get3A_156] {strides = array<i32>} : memref<32x768xf32, #tpu.memory_space<vmem>>, vector<1x16xf32>,
        %get3A_158 = vector.shape_cast %get3A_157 : vector<1x16xf32> to vector<16xf32>
        %add3A_159 = arith.addf %add3A_154, %get3A_158 : vector<16xf32>
        %swap3A_160 = arith.index_cast %scan3A_32 : i32 to index
        %swap3A_161 = arith.constant 96 : index
        %swap3A_162 = tpu.vector_load %arg9[%swap3A_160, %swap3A_161] {strides = array<i32>} : memref<32x768xf32, #tpu.memory_space<vmem>>, vector<1x16xf32>,
        %swap3A_163 = vector.shape_cast %swap3A_162 : vector<1x16xf32> to vector<16xf32>
        %swap3A_164 = vector.shape_cast %add3A_159 : vector<16xf32> to vector<1x16xf32>
        tpu.vector_store %arg9[%swap3A_160, %swap3A_161], %swap3A_164 {strides = array<i32>} : memref<32x768xf32, #tpu.memory_space<vmem>>, vector<1x16xf32>,
        %get3A_165 = arith.index_cast %scan3A_32 : i32 to index
        %get3A_166 = arith.constant 112 : index
        %get3A_167 = tpu.vector_load %arg9[%get3A_165, %get3A_166] {strides = array<i32>} : memref<32x768xf32, #tpu.memory_space<vmem>>, vector<1x16xf32>,
        %get3A_168 = vector.shape_cast %get3A_167 : vector<1x16xf32> to vector<16xf32>
        %get3A_169 = arith.index_cast %scan3A_32 : i32 to index
        %get3A_170 = arith.constant 112 : index
        %get3A_171 = tpu.vector_load %arg10[%get3A_169, %get3A_170] {strides = array<i32>} : memref<32x768xf32, #tpu.memory_space<vmem>>, vector<1x16xf32>,
        %get3A_172 = vector.shape_cast %get3A_171 : vector<1x16xf32> to vector<16xf32>
        %add3A_173 = arith.addf %get3A_168, %get3A_172 : vector<16xf32>
        %get3A_174 = arith.index_cast %scan3A_32 : i32 to index
        %get3A_175 = arith.constant 112 : index
        %get3A_176 = tpu.vector_load %arg11[%get3A_174, %get3A_175] {strides = array<i32>} : memref<32x768xf32, #tpu.memory_space<vmem>>, vector<1x16xf32>,
        %get3A_177 = vector.shape_cast %get3A_176 : vector<1x16xf32> to vector<16xf32>
        %add3A_178 = arith.addf %add3A_173, %get3A_177 : vector<16xf32>
        %swap3A_179 = arith.index_cast %scan3A_32 : i32 to index
        %swap3A_180 = arith.constant 112 : index
        %swap3A_181 = tpu.vector_load %arg9[%swap3A_179, %swap3A_180] {strides = array<i32>} : memref<32x768xf32, #tpu.memory_space<vmem>>, vector<1x16xf32>,
        %swap3A_182 = vector.shape_cast %swap3A_181 : vector<1x16xf32> to vector<16xf32>
        %swap3A_183 = vector.shape_cast %add3A_178 : vector<16xf32> to vector<1x16xf32>
        tpu.vector_store %arg9[%swap3A_179, %swap3A_180], %swap3A_183 {strides = array<i32>} : memref<32x768xf32, #tpu.memory_space<vmem>>, vector<1x16xf32>,
        %get3A_184 = arith.index_cast %scan3A_32 : i32 to index
        %get3A_185 = arith.constant 128 : index
        %get3A_186 = tpu.vector_load %arg9[%get3A_184, %get3A_185] {strides = array<i32>} : memref<32x768xf32, #tpu.memory_space<vmem>>, vector<1x16xf32>,
        %get3A_187 = vector.shape_cast %get3A_186 : vector<1x16xf32> to vector<16xf32>
        %get3A_188 = arith.index_cast %scan3A_32 : i32 to index
        %get3A_189 = arith.constant 128 : index
        %get3A_190 = tpu.vector_load %arg10[%get3A_188, %get3A_189] {strides = array<i32>} : memref<32x768xf32, #tpu.memory_space<vmem>>, vector<1x16xf32>,
        %get3A_191 = vector.shape_cast %get3A_190 : vector<1x16xf32> to vector<16xf32>
        %add3A_192 = arith.addf %get3A_187, %get3A_191 : vector<16xf32>
        %get3A_193 = arith.index_cast %scan3A_32 : i32 to index
        %get3A_194 = arith.constant 128 : index
        %get3A_195 = tpu.vector_load %arg11[%get3A_193, %get3A_194] {strides = array<i32>} : memref<32x768xf32, #tpu.memory_space<vmem>>, vector<1x16xf32>,
        %get3A_196 = vector.shape_cast %get3A_195 : vector<1x16xf32> to vector<16xf32>
        %add3A_197 = arith.addf %add3A_192, %get3A_196 : vector<16xf32>
        %swap3A_198 = arith.index_cast %scan3A_32 : i32 to index
        %swap3A_199 = arith.constant 128 : index
        %swap3A_200 = tpu.vector_load %arg9[%swap3A_198, %swap3A_199] {strides = array<i32>} : memref<32x768xf32, #tpu.memory_space<vmem>>, vector<1x16xf32>,
        %swap3A_201 = vector.shape_cast %swap3A_200 : vector<1x16xf32> to vector<16xf32>
        %swap3A_202 = vector.shape_cast %add3A_197 : vector<16xf32> to vector<1x16xf32>
        tpu.vector_store %arg9[%swap3A_198, %swap3A_199], %swap3A_202 {strides = array<i32>} : memref<32x768xf32, #tpu.memory_space<vmem>>, vector<1x16xf32>,
        %get3A_203 = arith.index_cast %scan3A_32 : i32 to index
        %get3A_204 = arith.constant 144 : index
        %get3A_205 = tpu.vector_load %arg9[%get3A_203, %get3A_204] {strides = array<i32>} : memref<32x768xf32, #tpu.memory_space<vmem>>, vector<1x16xf32>,
        %get3A_206 = vector.shape_cast %get3A_205 : vector<1x16xf32> to vector<16xf32>
        %get3A_207 = arith.index_cast %scan3A_32 : i32 to index
        %get3A_208 = arith.constant 144 : index
        %get3A_209 = tpu.vector_load %arg10[%get3A_207, %get3A_208] {strides = array<i32>} : memref<32x768xf32, #tpu.memory_space<vmem>>, vector<1x16xf32>,
        %get3A_210 = vector.shape_cast %get3A_209 : vector<1x16xf32> to vector<16xf32>
        %add3A_211 = arith.addf %get3A_206, %get3A_210 : vector<16xf32>
        %get3A_212 = arith.index_cast %scan3A_32 : i32 to index
        %get3A_213 = arith.constant 144 : index
        %get3A_214 = tpu.vector_load %arg11[%get3A_212, %get3A_213] {strides = array<i32>} : memref<32x768xf32, #tpu.memory_space<vmem>>, vector<1x16xf32>,
        %get3A_215 = vector.shape_cast %get3A_214 : vector<1x16xf32> to vector<16xf32>
        %add3A_216 = arith.addf %add3A_211, %get3A_215 : vector<16xf32>
        %swap3A_217 = arith.index_cast %scan3A_32 : i32 to index
        %swap3A_218 = arith.constant 144 : index
        %swap3A_219 = tpu.vector_load %arg9[%swap3A_217, %swap3A_218] {strides = array<i32>} : memref<32x768xf32, #tpu.memory_space<vmem>>, vector<1x16xf32>,
        %swap3A_220 = vector.shape_cast %swap3A_219 : vector<1x16xf32> to vector<16xf32>
        %swap3A_221 = vector.shape_cast %add3A_216 : vector<16xf32> to vector<1x16xf32>
        tpu.vector_store %arg9[%swap3A_217, %swap3A_218], %swap3A_221 {strides = array<i32>} : memref<32x768xf32, #tpu.memory_space<vmem>>, vector<1x16xf32>,
        %get3A_222 = arith.index_cast %scan3A_32 : i32 to index
        %get3A_223 = arith.constant 160 : index
        %get3A_224 = tpu.vector_load %arg9[%get3A_222, %get3A_223] {strides = array<i32>} : memref<32x768xf32, #tpu.memory_space<vmem>>, vector<1x16xf32>,
        %get3A_225 = vector.shape_cast %get3A_224 : vector<1x16xf32> to vector<16xf32>
        %get3A_226 = arith.index_cast %scan3A_32 : i32 to index
        %get3A_227 = arith.constant 160 : index
        %get3A_228 = tpu.vector_load %arg10[%get3A_226, %get3A_227] {strides = array<i32>} : memref<32x768xf32, #tpu.memory_space<vmem>>, vector<1x16xf32>,
        %get3A_229 = vector.shape_cast %get3A_228 : vector<1x16xf32> to vector<16xf32>
        %add3A_230 = arith.addf %get3A_225, %get3A_229 : vector<16xf32>
        %get3A_231 = arith.index_cast %scan3A_32 : i32 to index
        %get3A_232 = arith.constant 160 : index
        %get3A_233 = tpu.vector_load %arg11[%get3A_231, %get3A_232] {strides = array<i32>} : memref<32x768xf32, #tpu.memory_space<vmem>>, vector<1x16xf32>,
        %get3A_234 = vector.shape_cast %get3A_233 : vector<1x16xf32> to vector<16xf32>
        %add3A_235 = arith.addf %add3A_230, %get3A_234 : vector<16xf32>
        %swap3A_236 = arith.index_cast %scan3A_32 : i32 to index
        %swap3A_237 = arith.constant 160 : index
        %swap3A_238 = tpu.vector_load %arg9[%swap3A_236, %swap3A_237] {strides = array<i32>} : memref<32x768xf32, #tpu.memory_space<vmem>>, vector<1x16xf32>,
        %swap3A_239 = vector.shape_cast %swap3A_238 : vector<1x16xf32> to vector<16xf32>
        %swap3A_240 = vector.shape_cast %add3A_235 : vector<16xf32> to vector<1x16xf32>
        tpu.vector_store %arg9[%swap3A_236, %swap3A_237], %swap3A_240 {strides = array<i32>} : memref<32x768xf32, #tpu.memory_space<vmem>>, vector<1x16xf32>,
        %get3A_241 = arith.index_cast %scan3A_32 : i32 to index
        %get3A_242 = arith.constant 176 : index
        %get3A_243 = tpu.vector_load %arg9[%get3A_241, %get3A_242] {strides = array<i32>} : memref<32x768xf32, #tpu.memory_space<vmem>>, vector<1x16xf32>,
        %get3A_244 = vector.shape_cast %get3A_243 : vector<1x16xf32> to vector<16xf32>
        %get3A_245 = arith.index_cast %scan3A_32 : i32 to index
        %get3A_246 = arith.constant 176 : index
        %get3A_247 = tpu.vector_load %arg10[%get3A_245, %get3A_246] {strides = array<i32>} : memref<32x768xf32, #tpu.memory_space<vmem>>, vector<1x16xf32>,
        %get3A_248 = vector.shape_cast %get3A_247 : vector<1x16xf32> to vector<16xf32>
        %add3A_249 = arith.addf %get3A_244, %get3A_248 : vector<16xf32>
        %get3A_250 = arith.index_cast %scan3A_32 : i32 to index
        %get3A_251 = arith.constant 176 : index
        %get3A_252 = tpu.vector_load %arg11[%get3A_250, %get3A_251] {strides = array<i32>} : memref<32x768xf32, #tpu.memory_space<vmem>>, vector<1x16xf32>,
        %get3A_253 = vector.shape_cast %get3A_252 : vector<1x16xf32> to vector<16xf32>
        %add3A_254 = arith.addf %add3A_249, %get3A_253 : vector<16xf32>
        %swap3A_255 = arith.index_cast %scan3A_32 : i32 to index
        %swap3A_256 = arith.constant 176 : index
        %swap3A_257 = tpu.vector_load %arg9[%swap3A_255, %swap3A_256] {strides = array<i32>} : memref<32x768xf32, #tpu.memory_space<vmem>>, vector<1x16xf32>,
        %swap3A_258 = vector.shape_cast %swap3A_257 : vector<1x16xf32> to vector<16xf32>
        %swap3A_259 = vector.shape_cast %add3A_254 : vector<16xf32> to vector<1x16xf32>
        tpu.vector_store %arg9[%swap3A_255, %swap3A_256], %swap3A_259 {strides = array<i32>} : memref<32x768xf32, #tpu.memory_space<vmem>>, vector<1x16xf32>,
        %get3A_260 = arith.index_cast %scan3A_32 : i32 to index
        %get3A_261 = arith.constant 192 : index
        %get3A_262 = tpu.vector_load %arg9[%get3A_260, %get3A_261] {strides = array<i32>} : memref<32x768xf32, #tpu.memory_space<vmem>>, vector<1x16xf32>,
        %get3A_263 = vector.shape_cast %get3A_262 : vector<1x16xf32> to vector<16xf32>
        %get3A_264 = arith.index_cast %scan3A_32 : i32 to index
        %get3A_265 = arith.constant 192 : index
        %get3A_266 = tpu.vector_load %arg10[%get3A_264, %get3A_265] {strides = array<i32>} : memref<32x768xf32, #tpu.memory_space<vmem>>, vector<1x16xf32>,
        %get3A_267 = vector.shape_cast %get3A_266 : vector<1x16xf32> to vector<16xf32>
        %add3A_268 = arith.addf %get3A_263, %get3A_267 : vector<16xf32>
        %get3A_269 = arith.index_cast %scan3A_32 : i32 to index
        %get3A_270 = arith.constant 192 : index
        %get3A_271 = tpu.vector_load %arg11[%get3A_269, %get3A_270] {strides = array<i32>} : memref<32x768xf32, #tpu.memory_space<vmem>>, vector<1x16xf32>,
        %get3A_272 = vector.shape_cast %get3A_271 : vector<1x16xf32> to vector<16xf32>
        %add3A_273 = arith.addf %add3A_268, %get3A_272 : vector<16xf32>
        %swap3A_274 = arith.index_cast %scan3A_32 : i32 to index
        %swap3A_275 = arith.constant 192 : index
        %swap3A_276 = tpu.vector_load %arg9[%swap3A_274, %swap3A_275] {strides = array<i32>} : memref<32x768xf32, #tpu.memory_space<vmem>>, vector<1x16xf32>,
        %swap3A_277 = vector.shape_cast %swap3A_276 : vector<1x16xf32> to vector<16xf32>
        %swap3A_278 = vector.shape_cast %add3A_273 : vector<16xf32> to vector<1x16xf32>
        tpu.vector_store %arg9[%swap3A_274, %swap3A_275], %swap3A_278 {strides = array<i32>} : memref<32x768xf32, #tpu.memory_space<vmem>>, vector<1x16xf32>,
        %get3A_279 = arith.index_cast %scan3A_32 : i32 to index
        %get3A_280 = arith.constant 208 : index
        %get3A_281 = tpu.vector_load %arg9[%get3A_279, %get3A_280] {strides = array<i32>} : memref<32x768xf32, #tpu.memory_space<vmem>>, vector<1x16xf32>,
        %get3A_282 = vector.shape_cast %get3A_281 : vector<1x16xf32> to vector<16xf32>
        %get3A_283 = arith.index_cast %scan3A_32 : i32 to index
        %get3A_284 = arith.constant 208 : index
        %get3A_285 = tpu.vector_load %arg10[%get3A_283, %get3A_284] {strides = array<i32>} : memref<32x768xf32, #tpu.memory_space<vmem>>, vector<1x16xf32>,
        %get3A_286 = vector.shape_cast %get3A_285 : vector<1x16xf32> to vector<16xf32>
        %add3A_287 = arith.addf %get3A_282, %get3A_286 : vector<16xf32>
        %get3A_288 = arith.index_cast %scan3A_32 : i32 to index
        %get3A_289 = arith.constant 208 : index
        %get3A_290 = tpu.vector_load %arg11[%get3A_288, %get3A_289] {strides = array<i32>} : memref<32x768xf32, #tpu.memory_space<vmem>>, vector<1x16xf32>,
        %get3A_291 = vector.shape_cast %get3A_290 : vector<1x16xf32> to vector<16xf32>
        %add3A_292 = arith.addf %add3A_287, %get3A_291 : vector<16xf32>
        %swap3A_293 = arith.index_cast %scan3A_32 : i32 to index
        %swap3A_294 = arith.constant 208 : index
        %swap3A_295 = tpu.vector_load %arg9[%swap3A_293, %swap3A_294] {strides = array<i32>} : memref<32x768xf32, #tpu.memory_space<vmem>>, vector<1x16xf32>,
        %swap3A_296 = vector.shape_cast %swap3A_295 : vector<1x16xf32> to vector<16xf32>
        %swap3A_297 = vector.shape_cast %add3A_292 : vector<16xf32> to vector<1x16xf32>
        tpu.vector_store %arg9[%swap3A_293, %swap3A_294], %swap3A_297 {strides = array<i32>} : memref<32x768xf32, #tpu.memory_space<vmem>>, vector<1x16xf32>,
        %get3A_298 = arith.index_cast %scan3A_32 : i32 to index
        %get3A_299 = arith.constant 224 : index
        %get3A_300 = tpu.vector_load %arg9[%get3A_298, %get3A_299] {strides = array<i32>} : memref<32x768xf32, #tpu.memory_space<vmem>>, vector<1x16xf32>,
        %get3A_301 = vector.shape_cast %get3A_300 : vector<1x16xf32> to vector<16xf32>
        %get3A_302 = arith.index_cast %scan3A_32 : i32 to index
        %get3A_303 = arith.constant 224 : index
        %get3A_304 = tpu.vector_load %arg10[%get3A_302, %get3A_303] {strides = array<i32>} : memref<32x768xf32, #tpu.memory_space<vmem>>, vector<1x16xf32>,
        %get3A_305 = vector.shape_cast %get3A_304 : vector<1x16xf32> to vector<16xf32>
        %add3A_306 = arith.addf %get3A_301, %get3A_305 : vector<16xf32>
        %get3A_307 = arith.index_cast %scan3A_32 : i32 to index
        %get3A_308 = arith.constant 224 : index
        %get3A_309 = tpu.vector_load %arg11[%get3A_307, %get3A_308] {strides = array<i32>} : memref<32x768xf32, #tpu.memory_space<vmem>>, vector<1x16xf32>,
        %get3A_310 = vector.shape_cast %get3A_309 : vector<1x16xf32> to vector<16xf32>
        %add3A_311 = arith.addf %add3A_306, %get3A_310 : vector<16xf32>
        %swap3A_312 = arith.index_cast %scan3A_32 : i32 to index
        %swap3A_313 = arith.constant 224 : index
        %swap3A_314 = tpu.vector_load %arg9[%swap3A_312, %swap3A_313] {strides = array<i32>} : memref<32x768xf32, #tpu.memory_space<vmem>>, vector<1x16xf32>,
        %swap3A_315 = vector.shape_cast %swap3A_314 : vector<1x16xf32> to vector<16xf32>
        %swap3A_316 = vector.shape_cast %add3A_311 : vector<16xf32> to vector<1x16xf32>
        tpu.vector_store %arg9[%swap3A_312, %swap3A_313], %swap3A_316 {strides = array<i32>} : memref<32x768xf32, #tpu.memory_space<vmem>>, vector<1x16xf32>,
        %get3A_317 = arith.index_cast %scan3A_32 : i32 to index
        %get3A_318 = arith.constant 240 : index
        %get3A_319 = tpu.vector_load %arg9[%get3A_317, %get3A_318] {strides = array<i32>} : memref<32x768xf32, #tpu.memory_space<vmem>>, vector<1x16xf32>,
        %get3A_320 = vector.shape_cast %get3A_319 : vector<1x16xf32> to vector<16xf32>
        %get3A_321 = arith.index_cast %scan3A_32 : i32 to index
        %get3A_322 = arith.constant 240 : index
        %get3A_323 = tpu.vector_load %arg10[%get3A_321, %get3A_322] {strides = array<i32>} : memref<32x768xf32, #tpu.memory_space<vmem>>, vector<1x16xf32>,
        %get3A_324 = vector.shape_cast %get3A_323 : vector<1x16xf32> to vector<16xf32>
        %add3A_325 = arith.addf %get3A_320, %get3A_324 : vector<16xf32>
        %get3A_326 = arith.index_cast %scan3A_32 : i32 to index
        %get3A_327 = arith.constant 240 : index
        %get3A_328 = tpu.vector_load %arg11[%get3A_326, %get3A_327] {strides = array<i32>} : memref<32x768xf32, #tpu.memory_space<vmem>>, vector<1x16xf32>,
        %get3A_329 = vector.shape_cast %get3A_328 : vector<1x16xf32> to vector<16xf32>
        %add3A_330 = arith.addf %add3A_325, %get3A_329 : vector<16xf32>
        %swap3A_331 = arith.index_cast %scan3A_32 : i32 to index
        %swap3A_332 = arith.constant 240 : index
        %swap3A_333 = tpu.vector_load %arg9[%swap3A_331, %swap3A_332] {strides = array<i32>} : memref<32x768xf32, #tpu.memory_space<vmem>>, vector<1x16xf32>,
        %swap3A_334 = vector.shape_cast %swap3A_333 : vector<1x16xf32> to vector<16xf32>
        %swap3A_335 = vector.shape_cast %add3A_330 : vector<16xf32> to vector<1x16xf32>
        tpu.vector_store %arg9[%swap3A_331, %swap3A_332], %swap3A_335 {strides = array<i32>} : memref<32x768xf32, #tpu.memory_space<vmem>>, vector<1x16xf32>,
        %get3A_336 = arith.index_cast %scan3A_32 : i32 to index
        %get3A_337 = arith.constant 256 : index
        %get3A_338 = tpu.vector_load %arg9[%get3A_336, %get3A_337] {strides = array<i32>} : memref<32x768xf32, #tpu.memory_space<vmem>>, vector<1x16xf32>,
        %get3A_339 = vector.shape_cast %get3A_338 : vector<1x16xf32> to vector<16xf32>
        %get3A_340 = arith.index_cast %scan3A_32 : i32 to index
        %get3A_341 = arith.constant 256 : index
        %get3A_342 = tpu.vector_load %arg10[%get3A_340, %get3A_341] {strides = array<i32>} : memref<32x768xf32, #tpu.memory_space<vmem>>, vector<1x16xf32>,
        %get3A_343 = vector.shape_cast %get3A_342 : vector<1x16xf32> to vector<16xf32>
        %add3A_344 = arith.addf %get3A_339, %get3A_343 : vector<16xf32>
        %get3A_345 = arith.index_cast %scan3A_32 : i32 to index
        %get3A_346 = arith.constant 256 : index
        %get3A_347 = tpu.vector_load %arg11[%get3A_345, %get3A_346] {strides = array<i32>} : memref<32x768xf32, #tpu.memory_space<vmem>>, vector<1x16xf32>,
        %get3A_348 = vector.shape_cast %get3A_347 : vector<1x16xf32> to vector<16xf32>
        %add3A_349 = arith.addf %add3A_344, %get3A_348 : vector<16xf32>
        %swap3A_350 = arith.index_cast %scan3A_32 : i32 to index
        %swap3A_351 = arith.constant 256 : index
        %swap3A_352 = tpu.vector_load %arg9[%swap3A_350, %swap3A_351] {strides = array<i32>} : memref<32x768xf32, #tpu.memory_space<vmem>>, vector<1x16xf32>,
        %swap3A_353 = vector.shape_cast %swap3A_352 : vector<1x16xf32> to vector<16xf32>
        %swap3A_354 = vector.shape_cast %add3A_349 : vector<16xf32> to vector<1x16xf32>
        tpu.vector_store %arg9[%swap3A_350, %swap3A_351], %swap3A_354 {strides = array<i32>} : memref<32x768xf32, #tpu.memory_space<vmem>>, vector<1x16xf32>,
        %get3A_355 = arith.index_cast %scan3A_32 : i32 to index
        %get3A_356 = arith.constant 272 : index
        %get3A_357 = tpu.vector_load %arg9[%get3A_355, %get3A_356] {strides = array<i32>} : memref<32x768xf32, #tpu.memory_space<vmem>>, vector<1x16xf32>,
        %get3A_358 = vector.shape_cast %get3A_357 : vector<1x16xf32> to vector<16xf32>
        %get3A_359 = arith.index_cast %scan3A_32 : i32 to index
        %get3A_360 = arith.constant 272 : index
        %get3A_361 = tpu.vector_load %arg10[%get3A_359, %get3A_360] {strides = array<i32>} : memref<32x768xf32, #tpu.memory_space<vmem>>, vector<1x16xf32>,
        %get3A_362 = vector.shape_cast %get3A_361 : vector<1x16xf32> to vector<16xf32>
        %add3A_363 = arith.addf %get3A_358, %get3A_362 : vector<16xf32>
        %get3A_364 = arith.index_cast %scan3A_32 : i32 to index
        %get3A_365 = arith.constant 272 : index
        %get3A_366 = tpu.vector_load %arg11[%get3A_364, %get3A_365] {strides = array<i32>} : memref<32x768xf32, #tpu.memory_space<vmem>>, vector<1x16xf32>,
        %get3A_367 = vector.shape_cast %get3A_366 : vector<1x16xf32> to vector<16xf32>
        %add3A_368 = arith.addf %add3A_363, %get3A_367 : vector<16xf32>
        %swap3A_369 = arith.index_cast %scan3A_32 : i32 to index
        %swap3A_370 = arith.constant 272 : index
        %swap3A_371 = tpu.vector_load %arg9[%swap3A_369, %swap3A_370] {strides = array<i32>} : memref<32x768xf32, #tpu.memory_space<vmem>>, vector<1x16xf32>,
        %swap3A_372 = vector.shape_cast %swap3A_371 : vector<1x16xf32> to vector<16xf32>
        %swap3A_373 = vector.shape_cast %add3A_368 : vector<16xf32> to vector<1x16xf32>
        tpu.vector_store %arg9[%swap3A_369, %swap3A_370], %swap3A_373 {strides = array<i32>} : memref<32x768xf32, #tpu.memory_space<vmem>>, vector<1x16xf32>,
        %get3A_374 = arith.index_cast %scan3A_32 : i32 to index
        %get3A_375 = arith.constant 288 : index
        %get3A_376 = tpu.vector_load %arg9[%get3A_374, %get3A_375] {strides = array<i32>} : memref<32x768xf32, #tpu.memory_space<vmem>>, vector<1x16xf32>,
        %get3A_377 = vector.shape_cast %get3A_376 : vector<1x16xf32> to vector<16xf32>
        %get3A_378 = arith.index_cast %scan3A_32 : i32 to index
        %get3A_379 = arith.constant 288 : index
        %get3A_380 = tpu.vector_load %arg10[%get3A_378, %get3A_379] {strides = array<i32>} : memref<32x768xf32, #tpu.memory_space<vmem>>, vector<1x16xf32>,
        %get3A_381 = vector.shape_cast %get3A_380 : vector<1x16xf32> to vector<16xf32>
        %add3A_382 = arith.addf %get3A_377, %get3A_381 : vector<16xf32>
        %get3A_383 = arith.index_cast %scan3A_32 : i32 to index
        %get3A_384 = arith.constant 288 : index
        %get3A_385 = tpu.vector_load %arg11[%get3A_383, %get3A_384] {strides = array<i32>} : memref<32x768xf32, #tpu.memory_space<vmem>>, vector<1x16xf32>,
        %get3A_386 = vector.shape_cast %get3A_385 : vector<1x16xf32> to vector<16xf32>
        %add3A_387 = arith.addf %add3A_382, %get3A_386 : vector<16xf32>
        %swap3A_388 = arith.index_cast %scan3A_32 : i32 to index
        %swap3A_389 = arith.constant 288 : index
        %swap3A_390 = tpu.vector_load %arg9[%swap3A_388, %swap3A_389] {strides = array<i32>} : memref<32x768xf32, #tpu.memory_space<vmem>>, vector<1x16xf32>,
        %swap3A_391 = vector.shape_cast %swap3A_390 : vector<1x16xf32> to vector<16xf32>
        %swap3A_392 = vector.shape_cast %add3A_387 : vector<16xf32> to vector<1x16xf32>
        tpu.vector_store %arg9[%swap3A_388, %swap3A_389], %swap3A_392 {strides = array<i32>} : memref<32x768xf32, #tpu.memory_space<vmem>>, vector<1x16xf32>,
        %get3A_393 = arith.index_cast %scan3A_32 : i32 to index
        %get3A_394 = arith.constant 304 : index
        %get3A_395 = tpu.vector_load %arg9[%get3A_393, %get3A_394] {strides = array<i32>} : memref<32x768xf32, #tpu.memory_space<vmem>>, vector<1x16xf32>,
        %get3A_396 = vector.shape_cast %get3A_395 : vector<1x16xf32> to vector<16xf32>
        %get3A_397 = arith.index_cast %scan3A_32 : i32 to index
        %get3A_398 = arith.constant 304 : index
        %get3A_399 = tpu.vector_load %arg10[%get3A_397, %get3A_398] {strides = array<i32>} : memref<32x768xf32, #tpu.memory_space<vmem>>, vector<1x16xf32>,
        %get3A_400 = vector.shape_cast %get3A_399 : vector<1x16xf32> to vector<16xf32>
        %add3A_401 = arith.addf %get3A_396, %get3A_400 : vector<16xf32>
        %get3A_402 = arith.index_cast %scan3A_32 : i32 to index
        %get3A_403 = arith.constant 304 : index
        %get3A_404 = tpu.vector_load %arg11[%get3A_402, %get3A_403] {strides = array<i32>} : memref<32x768xf32, #tpu.memory_space<vmem>>, vector<1x16xf32>,
        %get3A_405 = vector.shape_cast %get3A_404 : vector<1x16xf32> to vector<16xf32>
        %add3A_406 = arith.addf %add3A_401, %get3A_405 : vector<16xf32>
        %swap3A_407 = arith.index_cast %scan3A_32 : i32 to index
        %swap3A_408 = arith.constant 304 : index
        %swap3A_409 = tpu.vector_load %arg9[%swap3A_407, %swap3A_408] {strides = array<i32>} : memref<32x768xf32, #tpu.memory_space<vmem>>, vector<1x16xf32>,
        %swap3A_410 = vector.shape_cast %swap3A_409 : vector<1x16xf32> to vector<16xf32>
        %swap3A_411 = vector.shape_cast %add3A_406 : vector<16xf32> to vector<1x16xf32>
        tpu.vector_store %arg9[%swap3A_407, %swap3A_408], %swap3A_411 {strides = array<i32>} : memref<32x768xf32, #tpu.memory_space<vmem>>, vector<1x16xf32>,
        %get3A_412 = arith.index_cast %scan3A_32 : i32 to index
        %get3A_413 = arith.constant 320 : index
        %get3A_414 = tpu.vector_load %arg9[%get3A_412, %get3A_413] {strides = array<i32>} : memref<32x768xf32, #tpu.memory_space<vmem>>, vector<1x16xf32>,
        %get3A_415 = vector.shape_cast %get3A_414 : vector<1x16xf32> to vector<16xf32>
        %get3A_416 = arith.index_cast %scan3A_32 : i32 to index
        %get3A_417 = arith.constant 320 : index
        %get3A_418 = tpu.vector_load %arg10[%get3A_416, %get3A_417] {strides = array<i32>} : memref<32x768xf32, #tpu.memory_space<vmem>>, vector<1x16xf32>,
        %get3A_419 = vector.shape_cast %get3A_418 : vector<1x16xf32> to vector<16xf32>
        %add3A_420 = arith.addf %get3A_415, %get3A_419 : vector<16xf32>
        %get3A_421 = arith.index_cast %scan3A_32 : i32 to index
        %get3A_422 = arith.constant 320 : index
        %get3A_423 = tpu.vector_load %arg11[%get3A_421, %get3A_422] {strides = array<i32>} : memref<32x768xf32, #tpu.memory_space<vmem>>, vector<1x16xf32>,
        %get3A_424 = vector.shape_cast %get3A_423 : vector<1x16xf32> to vector<16xf32>
        %add3A_425 = arith.addf %add3A_420, %get3A_424 : vector<16xf32>
        %swap3A_426 = arith.index_cast %scan3A_32 : i32 to index
        %swap3A_427 = arith.constant 320 : index
        %swap3A_428 = tpu.vector_load %arg9[%swap3A_426, %swap3A_427] {strides = array<i32>} : memref<32x768xf32, #tpu.memory_space<vmem>>, vector<1x16xf32>,
        %swap3A_429 = vector.shape_cast %swap3A_428 : vector<1x16xf32> to vector<16xf32>
        %swap3A_430 = vector.shape_cast %add3A_425 : vector<16xf32> to vector<1x16xf32>
        tpu.vector_store %arg9[%swap3A_426, %swap3A_427], %swap3A_430 {strides = array<i32>} : memref<32x768xf32, #tpu.memory_space<vmem>>, vector<1x16xf32>,
        %get3A_431 = arith.index_cast %scan3A_32 : i32 to index
        %get3A_432 = arith.constant 336 : index
        %get3A_433 = tpu.vector_load %arg9[%get3A_431, %get3A_432] {strides = array<i32>} : memref<32x768xf32, #tpu.memory_space<vmem>>, vector<1x16xf32>,
        %get3A_434 = vector.shape_cast %get3A_433 : vector<1x16xf32> to vector<16xf32>
        %get3A_435 = arith.index_cast %scan3A_32 : i32 to index
        %get3A_436 = arith.constant 336 : index
        %get3A_437 = tpu.vector_load %arg10[%get3A_435, %get3A_436] {strides = array<i32>} : memref<32x768xf32, #tpu.memory_space<vmem>>, vector<1x16xf32>,
        %get3A_438 = vector.shape_cast %get3A_437 : vector<1x16xf32> to vector<16xf32>
        %add3A_439 = arith.addf %get3A_434, %get3A_438 : vector<16xf32>
        %get3A_440 = arith.index_cast %scan3A_32 : i32 to index
        %get3A_441 = arith.constant 336 : index
        %get3A_442 = tpu.vector_load %arg11[%get3A_440, %get3A_441] {strides = array<i32>} : memref<32x768xf32, #tpu.memory_space<vmem>>, vector<1x16xf32>,
        %get3A_443 = vector.shape_cast %get3A_442 : vector<1x16xf32> to vector<16xf32>
        %add3A_444 = arith.addf %add3A_439, %get3A_443 : vector<16xf32>
        %swap3A_445 = arith.index_cast %scan3A_32 : i32 to index
        %swap3A_446 = arith.constant 336 : index
        %swap3A_447 = tpu.vector_load %arg9[%swap3A_445, %swap3A_446] {strides = array<i32>} : memref<32x768xf32, #tpu.memory_space<vmem>>, vector<1x16xf32>,
        %swap3A_448 = vector.shape_cast %swap3A_447 : vector<1x16xf32> to vector<16xf32>
        %swap3A_449 = vector.shape_cast %add3A_444 : vector<16xf32> to vector<1x16xf32>
        tpu.vector_store %arg9[%swap3A_445, %swap3A_446], %swap3A_449 {strides = array<i32>} : memref<32x768xf32, #tpu.memory_space<vmem>>, vector<1x16xf32>,
        %get3A_450 = arith.index_cast %scan3A_32 : i32 to index
        %get3A_451 = arith.constant 352 : index
        %get3A_452 = tpu.vector_load %arg9[%get3A_450, %get3A_451] {strides = array<i32>} : memref<32x768xf32, #tpu.memory_space<vmem>>, vector<1x16xf32>,
        %get3A_453 = vector.shape_cast %get3A_452 : vector<1x16xf32> to vector<16xf32>
        %get3A_454 = arith.index_cast %scan3A_32 : i32 to index
        %get3A_455 = arith.constant 352 : index
        %get3A_456 = tpu.vector_load %arg10[%get3A_454, %get3A_455] {strides = array<i32>} : memref<32x768xf32, #tpu.memory_space<vmem>>, vector<1x16xf32>,
        %get3A_457 = vector.shape_cast %get3A_456 : vector<1x16xf32> to vector<16xf32>
        %add3A_458 = arith.addf %get3A_453, %get3A_457 : vector<16xf32>
        %get3A_459 = arith.index_cast %scan3A_32 : i32 to index
        %get3A_460 = arith.constant 352 : index
        %get3A_461 = tpu.vector_load %arg11[%get3A_459, %get3A_460] {strides = array<i32>} : memref<32x768xf32, #tpu.memory_space<vmem>>, vector<1x16xf32>,
        %get3A_462 = vector.shape_cast %get3A_461 : vector<1x16xf32> to vector<16xf32>
        %add3A_463 = arith.addf %add3A_458, %get3A_462 : vector<16xf32>
        %swap3A_464 = arith.index_cast %scan3A_32 : i32 to index
        %swap3A_465 = arith.constant 352 : index
        %swap3A_466 = tpu.vector_load %arg9[%swap3A_464, %swap3A_465] {strides = array<i32>} : memref<32x768xf32, #tpu.memory_space<vmem>>, vector<1x16xf32>,
        %swap3A_467 = vector.shape_cast %swap3A_466 : vector<1x16xf32> to vector<16xf32>
        %swap3A_468 = vector.shape_cast %add3A_463 : vector<16xf32> to vector<1x16xf32>
        tpu.vector_store %arg9[%swap3A_464, %swap3A_465], %swap3A_468 {strides = array<i32>} : memref<32x768xf32, #tpu.memory_space<vmem>>, vector<1x16xf32>,
        %get3A_469 = arith.index_cast %scan3A_32 : i32 to index
        %get3A_470 = arith.constant 368 : index
        %get3A_471 = tpu.vector_load %arg9[%get3A_469, %get3A_470] {strides = array<i32>} : memref<32x768xf32, #tpu.memory_space<vmem>>, vector<1x16xf32>,
        %get3A_472 = vector.shape_cast %get3A_471 : vector<1x16xf32> to vector<16xf32>
        %get3A_473 = arith.index_cast %scan3A_32 : i32 to index
        %get3A_474 = arith.constant 368 : index
        %get3A_475 = tpu.vector_load %arg10[%get3A_473, %get3A_474] {strides = array<i32>} : memref<32x768xf32, #tpu.memory_space<vmem>>, vector<1x16xf32>,
        %get3A_476 = vector.shape_cast %get3A_475 : vector<1x16xf32> to vector<16xf32>
        %add3A_477 = arith.addf %get3A_472, %get3A_476 : vector<16xf32>
        %get3A_478 = arith.index_cast %scan3A_32 : i32 to index
        %get3A_479 = arith.constant 368 : index
        %get3A_480 = tpu.vector_load %arg11[%get3A_478, %get3A_479] {strides = array<i32>} : memref<32x768xf32, #tpu.memory_space<vmem>>, vector<1x16xf32>,
        %get3A_481 = vector.shape_cast %get3A_480 : vector<1x16xf32> to vector<16xf32>
        %add3A_482 = arith.addf %add3A_477, %get3A_481 : vector<16xf32>
        %swap3A_483 = arith.index_cast %scan3A_32 : i32 to index
        %swap3A_484 = arith.constant 368 : index
        %swap3A_485 = tpu.vector_load %arg9[%swap3A_483, %swap3A_484] {strides = array<i32>} : memref<32x768xf32, #tpu.memory_space<vmem>>, vector<1x16xf32>,
        %swap3A_486 = vector.shape_cast %swap3A_485 : vector<1x16xf32> to vector<16xf32>
        %swap3A_487 = vector.shape_cast %add3A_482 : vector<16xf32> to vector<1x16xf32>
        tpu.vector_store %arg9[%swap3A_483, %swap3A_484], %swap3A_487 {strides = array<i32>} : memref<32x768xf32, #tpu.memory_space<vmem>>, vector<1x16xf32>,
        %get3A_488 = arith.index_cast %scan3A_32 : i32 to index
        %get3A_489 = arith.constant 384 : index
        %get3A_490 = tpu.vector_load %arg9[%get3A_488, %get3A_489] {strides = array<i32>} : memref<32x768xf32, #tpu.memory_space<vmem>>, vector<1x16xf32>,
        %get3A_491 = vector.shape_cast %get3A_490 : vector<1x16xf32> to vector<16xf32>
        %get3A_492 = arith.index_cast %scan3A_32 : i32 to index
        %get3A_493 = arith.constant 384 : index
        %get3A_494 = tpu.vector_load %arg10[%get3A_492, %get3A_493] {strides = array<i32>} : memref<32x768xf32, #tpu.memory_space<vmem>>, vector<1x16xf32>,
        %get3A_495 = vector.shape_cast %get3A_494 : vector<1x16xf32> to vector<16xf32>
        %add3A_496 = arith.addf %get3A_491, %get3A_495 : vector<16xf32>
        %get3A_497 = arith.index_cast %scan3A_32 : i32 to index
        %get3A_498 = arith.constant 384 : index
        %get3A_499 = tpu.vector_load %arg11[%get3A_497, %get3A_498] {strides = array<i32>} : memref<32x768xf32, #tpu.memory_space<vmem>>, vector<1x16xf32>,
        %get3A_500 = vector.shape_cast %get3A_499 : vector<1x16xf32> to vector<16xf32>
        %add3A_501 = arith.addf %add3A_496, %get3A_500 : vector<16xf32>
        %swap3A_502 = arith.index_cast %scan3A_32 : i32 to index
        %swap3A_503 = arith.constant 384 : index
        %swap3A_504 = tpu.vector_load %arg9[%swap3A_502, %swap3A_503] {strides = array<i32>} : memref<32x768xf32, #tpu.memory_space<vmem>>, vector<1x16xf32>,
        %swap3A_505 = vector.shape_cast %swap3A_504 : vector<1x16xf32> to vector<16xf32>
        %swap3A_506 = vector.shape_cast %add3A_501 : vector<16xf32> to vector<1x16xf32>
        tpu.vector_store %arg9[%swap3A_502, %swap3A_503], %swap3A_506 {strides = array<i32>} : memref<32x768xf32, #tpu.memory_space<vmem>>, vector<1x16xf32>,
        %get3A_507 = arith.index_cast %scan3A_32 : i32 to index
        %get3A_508 = arith.constant 400 : index
        %get3A_509 = tpu.vector_load %arg9[%get3A_507, %get3A_508] {strides = array<i32>} : memref<32x768xf32, #tpu.memory_space<vmem>>, vector<1x16xf32>,
        %get3A_510 = vector.shape_cast %get3A_509 : vector<1x16xf32> to vector<16xf32>
        %get3A_511 = arith.index_cast %scan3A_32 : i32 to index
        %get3A_512 = arith.constant 400 : index
        %get3A_513 = tpu.vector_load %arg10[%get3A_511, %get3A_512] {strides = array<i32>} : memref<32x768xf32, #tpu.memory_space<vmem>>, vector<1x16xf32>,
        %get3A_514 = vector.shape_cast %get3A_513 : vector<1x16xf32> to vector<16xf32>
        %add3A_515 = arith.addf %get3A_510, %get3A_514 : vector<16xf32>
        %get3A_516 = arith.index_cast %scan3A_32 : i32 to index
        %get3A_517 = arith.constant 400 : index
        %get3A_518 = tpu.vector_load %arg11[%get3A_516, %get3A_517] {strides = array<i32>} : memref<32x768xf32, #tpu.memory_space<vmem>>, vector<1x16xf32>,
        %get3A_519 = vector.shape_cast %get3A_518 : vector<1x16xf32> to vector<16xf32>
        %add3A_520 = arith.addf %add3A_515, %get3A_519 : vector<16xf32>
        %swap3A_521 = arith.index_cast %scan3A_32 : i32 to index
        %swap3A_522 = arith.constant 400 : index
        %swap3A_523 = tpu.vector_load %arg9[%swap3A_521, %swap3A_522] {strides = array<i32>} : memref<32x768xf32, #tpu.memory_space<vmem>>, vector<1x16xf32>,
        %swap3A_524 = vector.shape_cast %swap3A_523 : vector<1x16xf32> to vector<16xf32>
        %swap3A_525 = vector.shape_cast %add3A_520 : vector<16xf32> to vector<1x16xf32>
        tpu.vector_store %arg9[%swap3A_521, %swap3A_522], %swap3A_525 {strides = array<i32>} : memref<32x768xf32, #tpu.memory_space<vmem>>, vector<1x16xf32>,
        %get3A_526 = arith.index_cast %scan3A_32 : i32 to index
        %get3A_527 = arith.constant 416 : index
        %get3A_528 = tpu.vector_load %arg9[%get3A_526, %get3A_527] {strides = array<i32>} : memref<32x768xf32, #tpu.memory_space<vmem>>, vector<1x16xf32>,
        %get3A_529 = vector.shape_cast %get3A_528 : vector<1x16xf32> to vector<16xf32>
        %get3A_530 = arith.index_cast %scan3A_32 : i32 to index
        %get3A_531 = arith.constant 416 : index
        %get3A_532 = tpu.vector_load %arg10[%get3A_530, %get3A_531] {strides = array<i32>} : memref<32x768xf32, #tpu.memory_space<vmem>>, vector<1x16xf32>,
        %get3A_533 = vector.shape_cast %get3A_532 : vector<1x16xf32> to vector<16xf32>
        %add3A_534 = arith.addf %get3A_529, %get3A_533 : vector<16xf32>
        %get3A_535 = arith.index_cast %scan3A_32 : i32 to index
        %get3A_536 = arith.constant 416 : index
        %get3A_537 = tpu.vector_load %arg11[%get3A_535, %get3A_536] {strides = array<i32>} : memref<32x768xf32, #tpu.memory_space<vmem>>, vector<1x16xf32>,
        %get3A_538 = vector.shape_cast %get3A_537 : vector<1x16xf32> to vector<16xf32>
        %add3A_539 = arith.addf %add3A_534, %get3A_538 : vector<16xf32>
        %swap3A_540 = arith.index_cast %scan3A_32 : i32 to index
        %swap3A_541 = arith.constant 416 : index
        %swap3A_542 = tpu.vector_load %arg9[%swap3A_540, %swap3A_541] {strides = array<i32>} : memref<32x768xf32, #tpu.memory_space<vmem>>, vector<1x16xf32>,
        %swap3A_543 = vector.shape_cast %swap3A_542 : vector<1x16xf32> to vector<16xf32>
        %swap3A_544 = vector.shape_cast %add3A_539 : vector<16xf32> to vector<1x16xf32>
        tpu.vector_store %arg9[%swap3A_540, %swap3A_541], %swap3A_544 {strides = array<i32>} : memref<32x768xf32, #tpu.memory_space<vmem>>, vector<1x16xf32>,
        %get3A_545 = arith.index_cast %scan3A_32 : i32 to index
        %get3A_546 = arith.constant 432 : index
        %get3A_547 = tpu.vector_load %arg9[%get3A_545, %get3A_546] {strides = array<i32>} : memref<32x768xf32, #tpu.memory_space<vmem>>, vector<1x16xf32>,
        %get3A_548 = vector.shape_cast %get3A_547 : vector<1x16xf32> to vector<16xf32>
        %get3A_549 = arith.index_cast %scan3A_32 : i32 to index
        %get3A_550 = arith.constant 432 : index
        %get3A_551 = tpu.vector_load %arg10[%get3A_549, %get3A_550] {strides = array<i32>} : memref<32x768xf32, #tpu.memory_space<vmem>>, vector<1x16xf32>,
        %get3A_552 = vector.shape_cast %get3A_551 : vector<1x16xf32> to vector<16xf32>
        %add3A_553 = arith.addf %get3A_548, %get3A_552 : vector<16xf32>
        %get3A_554 = arith.index_cast %scan3A_32 : i32 to index
        %get3A_555 = arith.constant 432 : index
        %get3A_556 = tpu.vector_load %arg11[%get3A_554, %get3A_555] {strides = array<i32>} : memref<32x768xf32, #tpu.memory_space<vmem>>, vector<1x16xf32>,
        %get3A_557 = vector.shape_cast %get3A_556 : vector<1x16xf32> to vector<16xf32>
        %add3A_558 = arith.addf %add3A_553, %get3A_557 : vector<16xf32>
        %swap3A_559 = arith.index_cast %scan3A_32 : i32 to index
        %swap3A_560 = arith.constant 432 : index
        %swap3A_561 = tpu.vector_load %arg9[%swap3A_559, %swap3A_560] {strides = array<i32>} : memref<32x768xf32, #tpu.memory_space<vmem>>, vector<1x16xf32>,
        %swap3A_562 = vector.shape_cast %swap3A_561 : vector<1x16xf32> to vector<16xf32>
        %swap3A_563 = vector.shape_cast %add3A_558 : vector<16xf32> to vector<1x16xf32>
        tpu.vector_store %arg9[%swap3A_559, %swap3A_560], %swap3A_563 {strides = array<i32>} : memref<32x768xf32, #tpu.memory_space<vmem>>, vector<1x16xf32>,
        %get3A_564 = arith.index_cast %scan3A_32 : i32 to index
        %get3A_565 = arith.constant 448 : index
        %get3A_566 = tpu.vector_load %arg9[%get3A_564, %get3A_565] {strides = array<i32>} : memref<32x768xf32, #tpu.memory_space<vmem>>, vector<1x16xf32>,
        %get3A_567 = vector.shape_cast %get3A_566 : vector<1x16xf32> to vector<16xf32>
        %get3A_568 = arith.index_cast %scan3A_32 : i32 to index
        %get3A_569 = arith.constant 448 : index
        %get3A_570 = tpu.vector_load %arg10[%get3A_568, %get3A_569] {strides = array<i32>} : memref<32x768xf32, #tpu.memory_space<vmem>>, vector<1x16xf32>,
        %get3A_571 = vector.shape_cast %get3A_570 : vector<1x16xf32> to vector<16xf32>
        %add3A_572 = arith.addf %get3A_567, %get3A_571 : vector<16xf32>
        %get3A_573 = arith.index_cast %scan3A_32 : i32 to index
        %get3A_574 = arith.constant 448 : index
        %get3A_575 = tpu.vector_load %arg11[%get3A_573, %get3A_574] {strides = array<i32>} : memref<32x768xf32, #tpu.memory_space<vmem>>, vector<1x16xf32>,
        %get3A_576 = vector.shape_cast %get3A_575 : vector<1x16xf32> to vector<16xf32>
        %add3A_577 = arith.addf %add3A_572, %get3A_576 : vector<16xf32>
        %swap3A_578 = arith.index_cast %scan3A_32 : i32 to index
        %swap3A_579 = arith.constant 448 : index
        %swap3A_580 = tpu.vector_load %arg9[%swap3A_578, %swap3A_579] {strides = array<i32>} : memref<32x768xf32, #tpu.memory_space<vmem>>, vector<1x16xf32>,
        %swap3A_581 = vector.shape_cast %swap3A_580 : vector<1x16xf32> to vector<16xf32>
        %swap3A_582 = vector.shape_cast %add3A_577 : vector<16xf32> to vector<1x16xf32>
        tpu.vector_store %arg9[%swap3A_578, %swap3A_579], %swap3A_582 {strides = array<i32>} : memref<32x768xf32, #tpu.memory_space<vmem>>, vector<1x16xf32>,
        %get3A_583 = arith.index_cast %scan3A_32 : i32 to index
        %get3A_584 = arith.constant 464 : index
        %get3A_585 = tpu.vector_load %arg9[%get3A_583, %get3A_584] {strides = array<i32>} : memref<32x768xf32, #tpu.memory_space<vmem>>, vector<1x16xf32>,
        %get3A_586 = vector.shape_cast %get3A_585 : vector<1x16xf32> to vector<16xf32>
        %get3A_587 = arith.index_cast %scan3A_32 : i32 to index
        %get3A_588 = arith.constant 464 : index
        %get3A_589 = tpu.vector_load %arg10[%get3A_587, %get3A_588] {strides = array<i32>} : memref<32x768xf32, #tpu.memory_space<vmem>>, vector<1x16xf32>,
        %get3A_590 = vector.shape_cast %get3A_589 : vector<1x16xf32> to vector<16xf32>
        %add3A_591 = arith.addf %get3A_586, %get3A_590 : vector<16xf32>
        %get3A_592 = arith.index_cast %scan3A_32 : i32 to index
        %get3A_593 = arith.constant 464 : index
        %get3A_594 = tpu.vector_load %arg11[%get3A_592, %get3A_593] {strides = array<i32>} : memref<32x768xf32, #tpu.memory_space<vmem>>, vector<1x16xf32>,
        %get3A_595 = vector.shape_cast %get3A_594 : vector<1x16xf32> to vector<16xf32>
        %add3A_596 = arith.addf %add3A_591, %get3A_595 : vector<16xf32>
        %swap3A_597 = arith.index_cast %scan3A_32 : i32 to index
        %swap3A_598 = arith.constant 464 : index
        %swap3A_599 = tpu.vector_load %arg9[%swap3A_597, %swap3A_598] {strides = array<i32>} : memref<32x768xf32, #tpu.memory_space<vmem>>, vector<1x16xf32>,
        %swap3A_600 = vector.shape_cast %swap3A_599 : vector<1x16xf32> to vector<16xf32>
        %swap3A_601 = vector.shape_cast %add3A_596 : vector<16xf32> to vector<1x16xf32>
        tpu.vector_store %arg9[%swap3A_597, %swap3A_598], %swap3A_601 {strides = array<i32>} : memref<32x768xf32, #tpu.memory_space<vmem>>, vector<1x16xf32>,
        %get3A_602 = arith.index_cast %scan3A_32 : i32 to index
        %get3A_603 = arith.constant 480 : index
        %get3A_604 = tpu.vector_load %arg9[%get3A_602, %get3A_603] {strides = array<i32>} : memref<32x768xf32, #tpu.memory_space<vmem>>, vector<1x16xf32>,
        %get3A_605 = vector.shape_cast %get3A_604 : vector<1x16xf32> to vector<16xf32>
        %get3A_606 = arith.index_cast %scan3A_32 : i32 to index
        %get3A_607 = arith.constant 480 : index
        %get3A_608 = tpu.vector_load %arg10[%get3A_606, %get3A_607] {strides = array<i32>} : memref<32x768xf32, #tpu.memory_space<vmem>>, vector<1x16xf32>,
        %get3A_609 = vector.shape_cast %get3A_608 : vector<1x16xf32> to vector<16xf32>
        %add3A_610 = arith.addf %get3A_605, %get3A_609 : vector<16xf32>
        %get3A_611 = arith.index_cast %scan3A_32 : i32 to index
        %get3A_612 = arith.constant 480 : index
        %get3A_613 = tpu.vector_load %arg11[%get3A_611, %get3A_612] {strides = array<i32>} : memref<32x768xf32, #tpu.memory_space<vmem>>, vector<1x16xf32>,
        %get3A_614 = vector.shape_cast %get3A_613 : vector<1x16xf32> to vector<16xf32>
        %add3A_615 = arith.addf %add3A_610, %get3A_614 : vector<16xf32>
        %swap3A_616 = arith.index_cast %scan3A_32 : i32 to index
        %swap3A_617 = arith.constant 480 : index
        %swap3A_618 = tpu.vector_load %arg9[%swap3A_616, %swap3A_617] {strides = array<i32>} : memref<32x768xf32, #tpu.memory_space<vmem>>, vector<1x16xf32>,
        %swap3A_619 = vector.shape_cast %swap3A_618 : vector<1x16xf32> to vector<16xf32>
        %swap3A_620 = vector.shape_cast %add3A_615 : vector<16xf32> to vector<1x16xf32>
        tpu.vector_store %arg9[%swap3A_616, %swap3A_617], %swap3A_620 {strides = array<i32>} : memref<32x768xf32, #tpu.memory_space<vmem>>, vector<1x16xf32>,
        %get3A_621 = arith.index_cast %scan3A_32 : i32 to index
        %get3A_622 = arith.constant 496 : index
        %get3A_623 = tpu.vector_load %arg9[%get3A_621, %get3A_622] {strides = array<i32>} : memref<32x768xf32, #tpu.memory_space<vmem>>, vector<1x16xf32>,
        %get3A_624 = vector.shape_cast %get3A_623 : vector<1x16xf32> to vector<16xf32>
        %get3A_625 = arith.index_cast %scan3A_32 : i32 to index
        %get3A_626 = arith.constant 496 : index
        %get3A_627 = tpu.vector_load %arg10[%get3A_625, %get3A_626] {strides = array<i32>} : memref<32x768xf32, #tpu.memory_space<vmem>>, vector<1x16xf32>,
        %get3A_628 = vector.shape_cast %get3A_627 : vector<1x16xf32> to vector<16xf32>
        %add3A_629 = arith.addf %get3A_624, %get3A_628 : vector<16xf32>
        %get3A_630 = arith.index_cast %scan3A_32 : i32 to index
        %get3A_631 = arith.constant 496 : index
        %get3A_632 = tpu.vector_load %arg11[%get3A_630, %get3A_631] {strides = array<i32>} : memref<32x768xf32, #tpu.memory_space<vmem>>, vector<1x16xf32>,
        %get3A_633 = vector.shape_cast %get3A_632 : vector<1x16xf32> to vector<16xf32>
        %add3A_634 = arith.addf %add3A_629, %get3A_633 : vector<16xf32>
        %swap3A_635 = arith.index_cast %scan3A_32 : i32 to index
        %swap3A_636 = arith.constant 496 : index
        %swap3A_637 = tpu.vector_load %arg9[%swap3A_635, %swap3A_636] {strides = array<i32>} : memref<32x768xf32, #tpu.memory_space<vmem>>, vector<1x16xf32>,
        %swap3A_638 = vector.shape_cast %swap3A_637 : vector<1x16xf32> to vector<16xf32>
        %swap3A_639 = vector.shape_cast %add3A_634 : vector<16xf32> to vector<1x16xf32>
        tpu.vector_store %arg9[%swap3A_635, %swap3A_636], %swap3A_639 {strides = array<i32>} : memref<32x768xf32, #tpu.memory_space<vmem>>, vector<1x16xf32>,
        %get3A_640 = arith.index_cast %scan3A_32 : i32 to index
        %get3A_641 = arith.constant 512 : index
        %get3A_642 = tpu.vector_load %arg9[%get3A_640, %get3A_641] {strides = array<i32>} : memref<32x768xf32, #tpu.memory_space<vmem>>, vector<1x16xf32>,
        %get3A_643 = vector.shape_cast %get3A_642 : vector<1x16xf32> to vector<16xf32>
        %get3A_644 = arith.index_cast %scan3A_32 : i32 to index
        %get3A_645 = arith.constant 512 : index
        %get3A_646 = tpu.vector_load %arg10[%get3A_644, %get3A_645] {strides = array<i32>} : memref<32x768xf32, #tpu.memory_space<vmem>>, vector<1x16xf32>,
        %get3A_647 = vector.shape_cast %get3A_646 : vector<1x16xf32> to vector<16xf32>
        %add3A_648 = arith.addf %get3A_643, %get3A_647 : vector<16xf32>
        %get3A_649 = arith.index_cast %scan3A_32 : i32 to index
        %get3A_650 = arith.constant 512 : index
        %get3A_651 = tpu.vector_load %arg11[%get3A_649, %get3A_650] {strides = array<i32>} : memref<32x768xf32, #tpu.memory_space<vmem>>, vector<1x16xf32>,
        %get3A_652 = vector.shape_cast %get3A_651 : vector<1x16xf32> to vector<16xf32>
        %add3A_653 = arith.addf %add3A_648, %get3A_652 : vector<16xf32>
        %swap3A_654 = arith.index_cast %scan3A_32 : i32 to index
        %swap3A_655 = arith.constant 512 : index
        %swap3A_656 = tpu.vector_load %arg9[%swap3A_654, %swap3A_655] {strides = array<i32>} : memref<32x768xf32, #tpu.memory_space<vmem>>, vector<1x16xf32>,
        %swap3A_657 = vector.shape_cast %swap3A_656 : vector<1x16xf32> to vector<16xf32>
        %swap3A_658 = vector.shape_cast %add3A_653 : vector<16xf32> to vector<1x16xf32>
        tpu.vector_store %arg9[%swap3A_654, %swap3A_655], %swap3A_658 {strides = array<i32>} : memref<32x768xf32, #tpu.memory_space<vmem>>, vector<1x16xf32>,
        %get3A_659 = arith.index_cast %scan3A_32 : i32 to index
        %get3A_660 = arith.constant 528 : index
        %get3A_661 = tpu.vector_load %arg9[%get3A_659, %get3A_660] {strides = array<i32>} : memref<32x768xf32, #tpu.memory_space<vmem>>, vector<1x16xf32>,
        %get3A_662 = vector.shape_cast %get3A_661 : vector<1x16xf32> to vector<16xf32>
        %get3A_663 = arith.index_cast %scan3A_32 : i32 to index
        %get3A_664 = arith.constant 528 : index
        %get3A_665 = tpu.vector_load %arg10[%get3A_663, %get3A_664] {strides = array<i32>} : memref<32x768xf32, #tpu.memory_space<vmem>>, vector<1x16xf32>,
        %get3A_666 = vector.shape_cast %get3A_665 : vector<1x16xf32> to vector<16xf32>
        %add3A_667 = arith.addf %get3A_662, %get3A_666 : vector<16xf32>
        %get3A_668 = arith.index_cast %scan3A_32 : i32 to index
        %get3A_669 = arith.constant 528 : index
        %get3A_670 = tpu.vector_load %arg11[%get3A_668, %get3A_669] {strides = array<i32>} : memref<32x768xf32, #tpu.memory_space<vmem>>, vector<1x16xf32>,
        %get3A_671 = vector.shape_cast %get3A_670 : vector<1x16xf32> to vector<16xf32>
        %add3A_672 = arith.addf %add3A_667, %get3A_671 : vector<16xf32>
        %swap3A_673 = arith.index_cast %scan3A_32 : i32 to index
        %swap3A_674 = arith.constant 528 : index
        %swap3A_675 = tpu.vector_load %arg9[%swap3A_673, %swap3A_674] {strides = array<i32>} : memref<32x768xf32, #tpu.memory_space<vmem>>, vector<1x16xf32>,
        %swap3A_676 = vector.shape_cast %swap3A_675 : vector<1x16xf32> to vector<16xf32>
        %swap3A_677 = vector.shape_cast %add3A_672 : vector<16xf32> to vector<1x16xf32>
        tpu.vector_store %arg9[%swap3A_673, %swap3A_674], %swap3A_677 {strides = array<i32>} : memref<32x768xf32, #tpu.memory_space<vmem>>, vector<1x16xf32>,
        %get3A_678 = arith.index_cast %scan3A_32 : i32 to index
        %get3A_679 = arith.constant 544 : index
        %get3A_680 = tpu.vector_load %arg9[%get3A_678, %get3A_679] {strides = array<i32>} : memref<32x768xf32, #tpu.memory_space<vmem>>, vector<1x16xf32>,
        %get3A_681 = vector.shape_cast %get3A_680 : vector<1x16xf32> to vector<16xf32>
        %get3A_682 = arith.index_cast %scan3A_32 : i32 to index
        %get3A_683 = arith.constant 544 : index
        %get3A_684 = tpu.vector_load %arg10[%get3A_682, %get3A_683] {strides = array<i32>} : memref<32x768xf32, #tpu.memory_space<vmem>>, vector<1x16xf32>,
        %get3A_685 = vector.shape_cast %get3A_684 : vector<1x16xf32> to vector<16xf32>
        %add3A_686 = arith.addf %get3A_681, %get3A_685 : vector<16xf32>
        %get3A_687 = arith.index_cast %scan3A_32 : i32 to index
        %get3A_688 = arith.constant 544 : index
        %get3A_689 = tpu.vector_load %arg11[%get3A_687, %get3A_688] {strides = array<i32>} : memref<32x768xf32, #tpu.memory_space<vmem>>, vector<1x16xf32>,
        %get3A_690 = vector.shape_cast %get3A_689 : vector<1x16xf32> to vector<16xf32>
        %add3A_691 = arith.addf %add3A_686, %get3A_690 : vector<16xf32>
        %swap3A_692 = arith.index_cast %scan3A_32 : i32 to index
        %swap3A_693 = arith.constant 544 : index
        %swap3A_694 = tpu.vector_load %arg9[%swap3A_692, %swap3A_693] {strides = array<i32>} : memref<32x768xf32, #tpu.memory_space<vmem>>, vector<1x16xf32>,
        %swap3A_695 = vector.shape_cast %swap3A_694 : vector<1x16xf32> to vector<16xf32>
        %swap3A_696 = vector.shape_cast %add3A_691 : vector<16xf32> to vector<1x16xf32>
        tpu.vector_store %arg9[%swap3A_692, %swap3A_693], %swap3A_696 {strides = array<i32>} : memref<32x768xf32, #tpu.memory_space<vmem>>, vector<1x16xf32>,
        %get3A_697 = arith.index_cast %scan3A_32 : i32 to index
        %get3A_698 = arith.constant 560 : index
        %get3A_699 = tpu.vector_load %arg9[%get3A_697, %get3A_698] {strides = array<i32>} : memref<32x768xf32, #tpu.memory_space<vmem>>, vector<1x16xf32>,
        %get3A_700 = vector.shape_cast %get3A_699 : vector<1x16xf32> to vector<16xf32>
        %get3A_701 = arith.index_cast %scan3A_32 : i32 to index
        %get3A_702 = arith.constant 560 : index
        %get3A_703 = tpu.vector_load %arg10[%get3A_701, %get3A_702] {strides = array<i32>} : memref<32x768xf32, #tpu.memory_space<vmem>>, vector<1x16xf32>,
        %get3A_704 = vector.shape_cast %get3A_703 : vector<1x16xf32> to vector<16xf32>
        %add3A_705 = arith.addf %get3A_700, %get3A_704 : vector<16xf32>
        %get3A_706 = arith.index_cast %scan3A_32 : i32 to index
        %get3A_707 = arith.constant 560 : index
        %get3A_708 = tpu.vector_load %arg11[%get3A_706, %get3A_707] {strides = array<i32>} : memref<32x768xf32, #tpu.memory_space<vmem>>, vector<1x16xf32>,
        %get3A_709 = vector.shape_cast %get3A_708 : vector<1x16xf32> to vector<16xf32>
        %add3A_710 = arith.addf %add3A_705, %get3A_709 : vector<16xf32>
        %swap3A_711 = arith.index_cast %scan3A_32 : i32 to index
        %swap3A_712 = arith.constant 560 : index
        %swap3A_713 = tpu.vector_load %arg9[%swap3A_711, %swap3A_712] {strides = array<i32>} : memref<32x768xf32, #tpu.memory_space<vmem>>, vector<1x16xf32>,
        %swap3A_714 = vector.shape_cast %swap3A_713 : vector<1x16xf32> to vector<16xf32>
        %swap3A_715 = vector.shape_cast %add3A_710 : vector<16xf32> to vector<1x16xf32>
        tpu.vector_store %arg9[%swap3A_711, %swap3A_712], %swap3A_715 {strides = array<i32>} : memref<32x768xf32, #tpu.memory_space<vmem>>, vector<1x16xf32>,
        %get3A_716 = arith.index_cast %scan3A_32 : i32 to index
        %get3A_717 = arith.constant 576 : index
        %get3A_718 = tpu.vector_load %arg9[%get3A_716, %get3A_717] {strides = array<i32>} : memref<32x768xf32, #tpu.memory_space<vmem>>, vector<1x16xf32>,
        %get3A_719 = vector.shape_cast %get3A_718 : vector<1x16xf32> to vector<16xf32>
        %get3A_720 = arith.index_cast %scan3A_32 : i32 to index
        %get3A_721 = arith.constant 576 : index
        %get3A_722 = tpu.vector_load %arg10[%get3A_720, %get3A_721] {strides = array<i32>} : memref<32x768xf32, #tpu.memory_space<vmem>>, vector<1x16xf32>,
        %get3A_723 = vector.shape_cast %get3A_722 : vector<1x16xf32> to vector<16xf32>
        %add3A_724 = arith.addf %get3A_719, %get3A_723 : vector<16xf32>
        %get3A_725 = arith.index_cast %scan3A_32 : i32 to index
        %get3A_726 = arith.constant 576 : index
        %get3A_727 = tpu.vector_load %arg11[%get3A_725, %get3A_726] {strides = array<i32>} : memref<32x768xf32, #tpu.memory_space<vmem>>, vector<1x16xf32>,
        %get3A_728 = vector.shape_cast %get3A_727 : vector<1x16xf32> to vector<16xf32>
        %add3A_729 = arith.addf %add3A_724, %get3A_728 : vector<16xf32>
        %swap3A_730 = arith.index_cast %scan3A_32 : i32 to index
        %swap3A_731 = arith.constant 576 : index
        %swap3A_732 = tpu.vector_load %arg9[%swap3A_730, %swap3A_731] {strides = array<i32>} : memref<32x768xf32, #tpu.memory_space<vmem>>, vector<1x16xf32>,
        %swap3A_733 = vector.shape_cast %swap3A_732 : vector<1x16xf32> to vector<16xf32>
        %swap3A_734 = vector.shape_cast %add3A_729 : vector<16xf32> to vector<1x16xf32>
        tpu.vector_store %arg9[%swap3A_730, %swap3A_731], %swap3A_734 {strides = array<i32>} : memref<32x768xf32, #tpu.memory_space<vmem>>, vector<1x16xf32>,
        %get3A_735 = arith.index_cast %scan3A_32 : i32 to index
        %get3A_736 = arith.constant 592 : index
        %get3A_737 = tpu.vector_load %arg9[%get3A_735, %get3A_736] {strides = array<i32>} : memref<32x768xf32, #tpu.memory_space<vmem>>, vector<1x16xf32>,
        %get3A_738 = vector.shape_cast %get3A_737 : vector<1x16xf32> to vector<16xf32>
        %get3A_739 = arith.index_cast %scan3A_32 : i32 to index
        %get3A_740 = arith.constant 592 : index
        %get3A_741 = tpu.vector_load %arg10[%get3A_739, %get3A_740] {strides = array<i32>} : memref<32x768xf32, #tpu.memory_space<vmem>>, vector<1x16xf32>,
        %get3A_742 = vector.shape_cast %get3A_741 : vector<1x16xf32> to vector<16xf32>
        %add3A_743 = arith.addf %get3A_738, %get3A_742 : vector<16xf32>
        %get3A_744 = arith.index_cast %scan3A_32 : i32 to index
        %get3A_745 = arith.constant 592 : index
        %get3A_746 = tpu.vector_load %arg11[%get3A_744, %get3A_745] {strides = array<i32>} : memref<32x768xf32, #tpu.memory_space<vmem>>, vector<1x16xf32>,
        %get3A_747 = vector.shape_cast %get3A_746 : vector<1x16xf32> to vector<16xf32>
        %add3A_748 = arith.addf %add3A_743, %get3A_747 : vector<16xf32>
        %swap3A_749 = arith.index_cast %scan3A_32 : i32 to index
        %swap3A_750 = arith.constant 592 : index
        %swap3A_751 = tpu.vector_load %arg9[%swap3A_749, %swap3A_750] {strides = array<i32>} : memref<32x768xf32, #tpu.memory_space<vmem>>, vector<1x16xf32>,
        %swap3A_752 = vector.shape_cast %swap3A_751 : vector<1x16xf32> to vector<16xf32>
        %swap3A_753 = vector.shape_cast %add3A_748 : vector<16xf32> to vector<1x16xf32>
        tpu.vector_store %arg9[%swap3A_749, %swap3A_750], %swap3A_753 {strides = array<i32>} : memref<32x768xf32, #tpu.memory_space<vmem>>, vector<1x16xf32>,
        %get3A_754 = arith.index_cast %scan3A_32 : i32 to index
        %get3A_755 = arith.constant 608 : index
        %get3A_756 = tpu.vector_load %arg9[%get3A_754, %get3A_755] {strides = array<i32>} : memref<32x768xf32, #tpu.memory_space<vmem>>, vector<1x16xf32>,
        %get3A_757 = vector.shape_cast %get3A_756 : vector<1x16xf32> to vector<16xf32>
        %get3A_758 = arith.index_cast %scan3A_32 : i32 to index
        %get3A_759 = arith.constant 608 : index
        %get3A_760 = tpu.vector_load %arg10[%get3A_758, %get3A_759] {strides = array<i32>} : memref<32x768xf32, #tpu.memory_space<vmem>>, vector<1x16xf32>,
        %get3A_761 = vector.shape_cast %get3A_760 : vector<1x16xf32> to vector<16xf32>
        %add3A_762 = arith.addf %get3A_757, %get3A_761 : vector<16xf32>
        %get3A_763 = arith.index_cast %scan3A_32 : i32 to index
        %get3A_764 = arith.constant 608 : index
        %get3A_765 = tpu.vector_load %arg11[%get3A_763, %get3A_764] {strides = array<i32>} : memref<32x768xf32, #tpu.memory_space<vmem>>, vector<1x16xf32>,
        %get3A_766 = vector.shape_cast %get3A_765 : vector<1x16xf32> to vector<16xf32>
        %add3A_767 = arith.addf %add3A_762, %get3A_766 : vector<16xf32>
        %swap3A_768 = arith.index_cast %scan3A_32 : i32 to index
        %swap3A_769 = arith.constant 608 : index
        %swap3A_770 = tpu.vector_load %arg9[%swap3A_768, %swap3A_769] {strides = array<i32>} : memref<32x768xf32, #tpu.memory_space<vmem>>, vector<1x16xf32>,
        %swap3A_771 = vector.shape_cast %swap3A_770 : vector<1x16xf32> to vector<16xf32>
        %swap3A_772 = vector.shape_cast %add3A_767 : vector<16xf32> to vector<1x16xf32>
        tpu.vector_store %arg9[%swap3A_768, %swap3A_769], %swap3A_772 {strides = array<i32>} : memref<32x768xf32, #tpu.memory_space<vmem>>, vector<1x16xf32>,
        %get3A_773 = arith.index_cast %scan3A_32 : i32 to index
        %get3A_774 = arith.constant 624 : index
        %get3A_775 = tpu.vector_load %arg9[%get3A_773, %get3A_774] {strides = array<i32>} : memref<32x768xf32, #tpu.memory_space<vmem>>, vector<1x16xf32>,
        %get3A_776 = vector.shape_cast %get3A_775 : vector<1x16xf32> to vector<16xf32>
        %get3A_777 = arith.index_cast %scan3A_32 : i32 to index
        %get3A_778 = arith.constant 624 : index
        %get3A_779 = tpu.vector_load %arg10[%get3A_777, %get3A_778] {strides = array<i32>} : memref<32x768xf32, #tpu.memory_space<vmem>>, vector<1x16xf32>,
        %get3A_780 = vector.shape_cast %get3A_779 : vector<1x16xf32> to vector<16xf32>
        %add3A_781 = arith.addf %get3A_776, %get3A_780 : vector<16xf32>
        %get3A_782 = arith.index_cast %scan3A_32 : i32 to index
        %get3A_783 = arith.constant 624 : index
        %get3A_784 = tpu.vector_load %arg11[%get3A_782, %get3A_783] {strides = array<i32>} : memref<32x768xf32, #tpu.memory_space<vmem>>, vector<1x16xf32>,
        %get3A_785 = vector.shape_cast %get3A_784 : vector<1x16xf32> to vector<16xf32>
        %add3A_786 = arith.addf %add3A_781, %get3A_785 : vector<16xf32>
        %swap3A_787 = arith.index_cast %scan3A_32 : i32 to index
        %swap3A_788 = arith.constant 624 : index
        %swap3A_789 = tpu.vector_load %arg9[%swap3A_787, %swap3A_788] {strides = array<i32>} : memref<32x768xf32, #tpu.memory_space<vmem>>, vector<1x16xf32>,
        %swap3A_790 = vector.shape_cast %swap3A_789 : vector<1x16xf32> to vector<16xf32>
        %swap3A_791 = vector.shape_cast %add3A_786 : vector<16xf32> to vector<1x16xf32>
        tpu.vector_store %arg9[%swap3A_787, %swap3A_788], %swap3A_791 {strides = array<i32>} : memref<32x768xf32, #tpu.memory_space<vmem>>, vector<1x16xf32>,
        %get3A_792 = arith.index_cast %scan3A_32 : i32 to index
        %get3A_793 = arith.constant 640 : index
        %get3A_794 = tpu.vector_load %arg9[%get3A_792, %get3A_793] {strides = array<i32>} : memref<32x768xf32, #tpu.memory_space<vmem>>, vector<1x16xf32>,
        %get3A_795 = vector.shape_cast %get3A_794 : vector<1x16xf32> to vector<16xf32>
        %get3A_796 = arith.index_cast %scan3A_32 : i32 to index
        %get3A_797 = arith.constant 640 : index
        %get3A_798 = tpu.vector_load %arg10[%get3A_796, %get3A_797] {strides = array<i32>} : memref<32x768xf32, #tpu.memory_space<vmem>>, vector<1x16xf32>,
        %get3A_799 = vector.shape_cast %get3A_798 : vector<1x16xf32> to vector<16xf32>
        %add3A_800 = arith.addf %get3A_795, %get3A_799 : vector<16xf32>
        %get3A_801 = arith.index_cast %scan3A_32 : i32 to index
        %get3A_802 = arith.constant 640 : index
        %get3A_803 = tpu.vector_load %arg11[%get3A_801, %get3A_802] {strides = array<i32>} : memref<32x768xf32, #tpu.memory_space<vmem>>, vector<1x16xf32>,
        %get3A_804 = vector.shape_cast %get3A_803 : vector<1x16xf32> to vector<16xf32>
        %add3A_805 = arith.addf %add3A_800, %get3A_804 : vector<16xf32>
        %swap3A_806 = arith.index_cast %scan3A_32 : i32 to index
        %swap3A_807 = arith.constant 640 : index
        %swap3A_808 = tpu.vector_load %arg9[%swap3A_806, %swap3A_807] {strides = array<i32>} : memref<32x768xf32, #tpu.memory_space<vmem>>, vector<1x16xf32>,
        %swap3A_809 = vector.shape_cast %swap3A_808 : vector<1x16xf32> to vector<16xf32>
        %swap3A_810 = vector.shape_cast %add3A_805 : vector<16xf32> to vector<1x16xf32>
        tpu.vector_store %arg9[%swap3A_806, %swap3A_807], %swap3A_810 {strides = array<i32>} : memref<32x768xf32, #tpu.memory_space<vmem>>, vector<1x16xf32>,
        %get3A_811 = arith.index_cast %scan3A_32 : i32 to index
        %get3A_812 = arith.constant 656 : index
        %get3A_813 = tpu.vector_load %arg9[%get3A_811, %get3A_812] {strides = array<i32>} : memref<32x768xf32, #tpu.memory_space<vmem>>, vector<1x16xf32>,
        %get3A_814 = vector.shape_cast %get3A_813 : vector<1x16xf32> to vector<16xf32>
        %get3A_815 = arith.index_cast %scan3A_32 : i32 to index
        %get3A_816 = arith.constant 656 : index
        %get3A_817 = tpu.vector_load %arg10[%get3A_815, %get3A_816] {strides = array<i32>} : memref<32x768xf32, #tpu.memory_space<vmem>>, vector<1x16xf32>,
        %get3A_818 = vector.shape_cast %get3A_817 : vector<1x16xf32> to vector<16xf32>
        %add3A_819 = arith.addf %get3A_814, %get3A_818 : vector<16xf32>
        %get3A_820 = arith.index_cast %scan3A_32 : i32 to index
        %get3A_821 = arith.constant 656 : index
        %get3A_822 = tpu.vector_load %arg11[%get3A_820, %get3A_821] {strides = array<i32>} : memref<32x768xf32, #tpu.memory_space<vmem>>, vector<1x16xf32>,
        %get3A_823 = vector.shape_cast %get3A_822 : vector<1x16xf32> to vector<16xf32>
        %add3A_824 = arith.addf %add3A_819, %get3A_823 : vector<16xf32>
        %swap3A_825 = arith.index_cast %scan3A_32 : i32 to index
        %swap3A_826 = arith.constant 656 : index
        %swap3A_827 = tpu.vector_load %arg9[%swap3A_825, %swap3A_826] {strides = array<i32>} : memref<32x768xf32, #tpu.memory_space<vmem>>, vector<1x16xf32>,
        %swap3A_828 = vector.shape_cast %swap3A_827 : vector<1x16xf32> to vector<16xf32>
        %swap3A_829 = vector.shape_cast %add3A_824 : vector<16xf32> to vector<1x16xf32>
        tpu.vector_store %arg9[%swap3A_825, %swap3A_826], %swap3A_829 {strides = array<i32>} : memref<32x768xf32, #tpu.memory_space<vmem>>, vector<1x16xf32>,
        %get3A_830 = arith.index_cast %scan3A_32 : i32 to index
        %get3A_831 = arith.constant 672 : index
        %get3A_832 = tpu.vector_load %arg9[%get3A_830, %get3A_831] {strides = array<i32>} : memref<32x768xf32, #tpu.memory_space<vmem>>, vector<1x16xf32>,
        %get3A_833 = vector.shape_cast %get3A_832 : vector<1x16xf32> to vector<16xf32>
        %get3A_834 = arith.index_cast %scan3A_32 : i32 to index
        %get3A_835 = arith.constant 672 : index
        %get3A_836 = tpu.vector_load %arg10[%get3A_834, %get3A_835] {strides = array<i32>} : memref<32x768xf32, #tpu.memory_space<vmem>>, vector<1x16xf32>,
        %get3A_837 = vector.shape_cast %get3A_836 : vector<1x16xf32> to vector<16xf32>
        %add3A_838 = arith.addf %get3A_833, %get3A_837 : vector<16xf32>
        %get3A_839 = arith.index_cast %scan3A_32 : i32 to index
        %get3A_840 = arith.constant 672 : index
        %get3A_841 = tpu.vector_load %arg11[%get3A_839, %get3A_840] {strides = array<i32>} : memref<32x768xf32, #tpu.memory_space<vmem>>, vector<1x16xf32>,
        %get3A_842 = vector.shape_cast %get3A_841 : vector<1x16xf32> to vector<16xf32>
        %add3A_843 = arith.addf %add3A_838, %get3A_842 : vector<16xf32>
        %swap3A_844 = arith.index_cast %scan3A_32 : i32 to index
        %swap3A_845 = arith.constant 672 : index
        %swap3A_846 = tpu.vector_load %arg9[%swap3A_844, %swap3A_845] {strides = array<i32>} : memref<32x768xf32, #tpu.memory_space<vmem>>, vector<1x16xf32>,
        %swap3A_847 = vector.shape_cast %swap3A_846 : vector<1x16xf32> to vector<16xf32>
        %swap3A_848 = vector.shape_cast %add3A_843 : vector<16xf32> to vector<1x16xf32>
        tpu.vector_store %arg9[%swap3A_844, %swap3A_845], %swap3A_848 {strides = array<i32>} : memref<32x768xf32, #tpu.memory_space<vmem>>, vector<1x16xf32>,
        %get3A_849 = arith.index_cast %scan3A_32 : i32 to index
        %get3A_850 = arith.constant 688 : index
        %get3A_851 = tpu.vector_load %arg9[%get3A_849, %get3A_850] {strides = array<i32>} : memref<32x768xf32, #tpu.memory_space<vmem>>, vector<1x16xf32>,
        %get3A_852 = vector.shape_cast %get3A_851 : vector<1x16xf32> to vector<16xf32>
        %get3A_853 = arith.index_cast %scan3A_32 : i32 to index
        %get3A_854 = arith.constant 688 : index
        %get3A_855 = tpu.vector_load %arg10[%get3A_853, %get3A_854] {strides = array<i32>} : memref<32x768xf32, #tpu.memory_space<vmem>>, vector<1x16xf32>,
        %get3A_856 = vector.shape_cast %get3A_855 : vector<1x16xf32> to vector<16xf32>
        %add3A_857 = arith.addf %get3A_852, %get3A_856 : vector<16xf32>
        %get3A_858 = arith.index_cast %scan3A_32 : i32 to index
        %get3A_859 = arith.constant 688 : index
        %get3A_860 = tpu.vector_load %arg11[%get3A_858, %get3A_859] {strides = array<i32>} : memref<32x768xf32, #tpu.memory_space<vmem>>, vector<1x16xf32>,
        %get3A_861 = vector.shape_cast %get3A_860 : vector<1x16xf32> to vector<16xf32>
        %add3A_862 = arith.addf %add3A_857, %get3A_861 : vector<16xf32>
        %swap3A_863 = arith.index_cast %scan3A_32 : i32 to index
        %swap3A_864 = arith.constant 688 : index
        %swap3A_865 = tpu.vector_load %arg9[%swap3A_863, %swap3A_864] {strides = array<i32>} : memref<32x768xf32, #tpu.memory_space<vmem>>, vector<1x16xf32>,
        %swap3A_866 = vector.shape_cast %swap3A_865 : vector<1x16xf32> to vector<16xf32>
        %swap3A_867 = vector.shape_cast %add3A_862 : vector<16xf32> to vector<1x16xf32>
        tpu.vector_store %arg9[%swap3A_863, %swap3A_864], %swap3A_867 {strides = array<i32>} : memref<32x768xf32, #tpu.memory_space<vmem>>, vector<1x16xf32>,
        %get3A_868 = arith.index_cast %scan3A_32 : i32 to index
        %get3A_869 = arith.constant 704 : index
        %get3A_870 = tpu.vector_load %arg9[%get3A_868, %get3A_869] {strides = array<i32>} : memref<32x768xf32, #tpu.memory_space<vmem>>, vector<1x16xf32>,
        %get3A_871 = vector.shape_cast %get3A_870 : vector<1x16xf32> to vector<16xf32>
        %get3A_872 = arith.index_cast %scan3A_32 : i32 to index
        %get3A_873 = arith.constant 704 : index
        %get3A_874 = tpu.vector_load %arg10[%get3A_872, %get3A_873] {strides = array<i32>} : memref<32x768xf32, #tpu.memory_space<vmem>>, vector<1x16xf32>,
        %get3A_875 = vector.shape_cast %get3A_874 : vector<1x16xf32> to vector<16xf32>
        %add3A_876 = arith.addf %get3A_871, %get3A_875 : vector<16xf32>
        %get3A_877 = arith.index_cast %scan3A_32 : i32 to index
        %get3A_878 = arith.constant 704 : index
        %get3A_879 = tpu.vector_load %arg11[%get3A_877, %get3A_878] {strides = array<i32>} : memref<32x768xf32, #tpu.memory_space<vmem>>, vector<1x16xf32>,
        %get3A_880 = vector.shape_cast %get3A_879 : vector<1x16xf32> to vector<16xf32>
        %add3A_881 = arith.addf %add3A_876, %get3A_880 : vector<16xf32>
        %swap3A_882 = arith.index_cast %scan3A_32 : i32 to index
        %swap3A_883 = arith.constant 704 : index
        %swap3A_884 = tpu.vector_load %arg9[%swap3A_882, %swap3A_883] {strides = array<i32>} : memref<32x768xf32, #tpu.memory_space<vmem>>, vector<1x16xf32>,
        %swap3A_885 = vector.shape_cast %swap3A_884 : vector<1x16xf32> to vector<16xf32>
        %swap3A_886 = vector.shape_cast %add3A_881 : vector<16xf32> to vector<1x16xf32>
        tpu.vector_store %arg9[%swap3A_882, %swap3A_883], %swap3A_886 {strides = array<i32>} : memref<32x768xf32, #tpu.memory_space<vmem>>, vector<1x16xf32>,
        %get3A_887 = arith.index_cast %scan3A_32 : i32 to index
        %get3A_888 = arith.constant 720 : index
        %get3A_889 = tpu.vector_load %arg9[%get3A_887, %get3A_888] {strides = array<i32>} : memref<32x768xf32, #tpu.memory_space<vmem>>, vector<1x16xf32>,
        %get3A_890 = vector.shape_cast %get3A_889 : vector<1x16xf32> to vector<16xf32>
        %get3A_891 = arith.index_cast %scan3A_32 : i32 to index
        %get3A_892 = arith.constant 720 : index
        %get3A_893 = tpu.vector_load %arg10[%get3A_891, %get3A_892] {strides = array<i32>} : memref<32x768xf32, #tpu.memory_space<vmem>>, vector<1x16xf32>,
        %get3A_894 = vector.shape_cast %get3A_893 : vector<1x16xf32> to vector<16xf32>
        %add3A_895 = arith.addf %get3A_890, %get3A_894 : vector<16xf32>
        %get3A_896 = arith.index_cast %scan3A_32 : i32 to index
        %get3A_897 = arith.constant 720 : index
        %get3A_898 = tpu.vector_load %arg11[%get3A_896, %get3A_897] {strides = array<i32>} : memref<32x768xf32, #tpu.memory_space<vmem>>, vector<1x16xf32>,
        %get3A_899 = vector.shape_cast %get3A_898 : vector<1x16xf32> to vector<16xf32>
        %add3A_900 = arith.addf %add3A_895, %get3A_899 : vector<16xf32>
        %swap3A_901 = arith.index_cast %scan3A_32 : i32 to index
        %swap3A_902 = arith.constant 720 : index
        %swap3A_903 = tpu.vector_load %arg9[%swap3A_901, %swap3A_902] {strides = array<i32>} : memref<32x768xf32, #tpu.memory_space<vmem>>, vector<1x16xf32>,
        %swap3A_904 = vector.shape_cast %swap3A_903 : vector<1x16xf32> to vector<16xf32>
        %swap3A_905 = vector.shape_cast %add3A_900 : vector<16xf32> to vector<1x16xf32>
        tpu.vector_store %arg9[%swap3A_901, %swap3A_902], %swap3A_905 {strides = array<i32>} : memref<32x768xf32, #tpu.memory_space<vmem>>, vector<1x16xf32>,
        %get3A_906 = arith.index_cast %scan3A_32 : i32 to index
        %get3A_907 = arith.constant 736 : index
        %get3A_908 = tpu.vector_load %arg9[%get3A_906, %get3A_907] {strides = array<i32>} : memref<32x768xf32, #tpu.memory_space<vmem>>, vector<1x16xf32>,
        %get3A_909 = vector.shape_cast %get3A_908 : vector<1x16xf32> to vector<16xf32>
        %get3A_910 = arith.index_cast %scan3A_32 : i32 to index
        %get3A_911 = arith.constant 736 : index
        %get3A_912 = tpu.vector_load %arg10[%get3A_910, %get3A_911] {strides = array<i32>} : memref<32x768xf32, #tpu.memory_space<vmem>>, vector<1x16xf32>,
        %get3A_913 = vector.shape_cast %get3A_912 : vector<1x16xf32> to vector<16xf32>
        %add3A_914 = arith.addf %get3A_909, %get3A_913 : vector<16xf32>
        %get3A_915 = arith.index_cast %scan3A_32 : i32 to index
        %get3A_916 = arith.constant 736 : index
        %get3A_917 = tpu.vector_load %arg11[%get3A_915, %get3A_916] {strides = array<i32>} : memref<32x768xf32, #tpu.memory_space<vmem>>, vector<1x16xf32>,
        %get3A_918 = vector.shape_cast %get3A_917 : vector<1x16xf32> to vector<16xf32>
        %add3A_919 = arith.addf %add3A_914, %get3A_918 : vector<16xf32>
        %swap3A_920 = arith.index_cast %scan3A_32 : i32 to index
        %swap3A_921 = arith.constant 736 : index
        %swap3A_922 = tpu.vector_load %arg9[%swap3A_920, %swap3A_921] {strides = array<i32>} : memref<32x768xf32, #tpu.memory_space<vmem>>, vector<1x16xf32>,
        %swap3A_923 = vector.shape_cast %swap3A_922 : vector<1x16xf32> to vector<16xf32>
        %swap3A_924 = vector.shape_cast %add3A_919 : vector<16xf32> to vector<1x16xf32>
        tpu.vector_store %arg9[%swap3A_920, %swap3A_921], %swap3A_924 {strides = array<i32>} : memref<32x768xf32, #tpu.memory_space<vmem>>, vector<1x16xf32>,
        %get3A_925 = arith.index_cast %scan3A_32 : i32 to index
        %get3A_926 = arith.constant 752 : index
        %get3A_927 = tpu.vector_load %arg9[%get3A_925, %get3A_926] {strides = array<i32>} : memref<32x768xf32, #tpu.memory_space<vmem>>, vector<1x16xf32>,
        %get3A_928 = vector.shape_cast %get3A_927 : vector<1x16xf32> to vector<16xf32>
        %get3A_929 = arith.index_cast %scan3A_32 : i32 to index
        %get3A_930 = arith.constant 752 : index
        %get3A_931 = tpu.vector_load %arg10[%get3A_929, %get3A_930] {strides = array<i32>} : memref<32x768xf32, #tpu.memory_space<vmem>>, vector<1x16xf32>,
        %get3A_932 = vector.shape_cast %get3A_931 : vector<1x16xf32> to vector<16xf32>
        %add3A_933 = arith.addf %get3A_928, %get3A_932 : vector<16xf32>
        %get3A_934 = arith.index_cast %scan3A_32 : i32 to index
        %get3A_935 = arith.constant 752 : index
        %get3A_936 = tpu.vector_load %arg11[%get3A_934, %get3A_935] {strides = array<i32>} : memref<32x768xf32, #tpu.memory_space<vmem>>, vector<1x16xf32>,
        %get3A_937 = vector.shape_cast %get3A_936 : vector<1x16xf32> to vector<16xf32>
        %add3A_938 = arith.addf %add3A_933, %get3A_937 : vector<16xf32>
        %swap3A_939 = arith.index_cast %scan3A_32 : i32 to index
        %swap3A_940 = arith.constant 752 : index
        %swap3A_941 = tpu.vector_load %arg9[%swap3A_939, %swap3A_940] {strides = array<i32>} : memref<32x768xf32, #tpu.memory_space<vmem>>, vector<1x16xf32>,
        %swap3A_942 = vector.shape_cast %swap3A_941 : vector<1x16xf32> to vector<16xf32>
        %swap3A_943 = vector.shape_cast %add3A_938 : vector<16xf32> to vector<1x16xf32>
        tpu.vector_store %arg9[%swap3A_939, %swap3A_940], %swap3A_943 {strides = array<i32>} : memref<32x768xf32, #tpu.memory_space<vmem>>, vector<1x16xf32>,
        %scan3A_944 = arith.constant 0 : i32
        scf.yield %scan3A_944 : i32
      }
      %scan3A_30 = arith.constant 32 : i32
      "tpu.region"() ({
        %run_scoped3A = tpu.sem_alloc : memref<!tpu.dma_semaphore, #tpu.memory_space<semaphore_mem>>
        %dma_start3A_32 = arith.constant 0 : i32
        %dma_start3A_33 = tpu.memref_slice %arg6[%add3A_13, %dma_start3A_32] : memref<2048x768xf32, #tpu.memory_space<hbm>> -> memref<32x768xf32, #tpu.memory_space<hbm>>
        %dma_start3A_34 = arith.constant 0 : i32
        %dma_start3A_35 = tpu.memref_slice %arg6[%add3A_13, %dma_start3A_34] : memref<2048x768xf32, #tpu.memory_space<hbm>> -> memref<32x768xf32, #tpu.memory_space<hbm>>
        tpu.enqueue_dma source(%arg9 : memref<32x768xf32, #tpu.memory_space<vmem>>) target(%dma_start3A_35 : memref<32x768xf32, #tpu.memory_space<hbm>>) target_semaphore(%run_scoped3A : memref<!tpu.dma_semaphore, #tpu.memory_space<semaphore_mem>>)
        %dma_wait3A_36 = arith.constant 0 : i32
        %dma_wait3A_37 = tpu.memref_slice %arg6[%add3A_13, %dma_wait3A_36] : memref<2048x768xf32, #tpu.memory_space<hbm>> -> memref<32x768xf32, #tpu.memory_space<hbm>>
        %dma_wait3A_38 = arith.constant 0 : i32
        %dma_wait3A_39 = tpu.memref_slice %arg6[%add3A_13, %dma_wait3A_38] : memref<2048x768xf32, #tpu.memory_space<hbm>> -> memref<32x768xf32, #tpu.memory_space<hbm>>
        tpu.wait_dma2 semaphore(%run_scoped3A : memref<!tpu.dma_semaphore, #tpu.memory_space<semaphore_mem>>) src(%arg9 : memref<32x768xf32, #tpu.memory_space<vmem>>) dst(%dma_wait3A_39 : memref<32x768xf32, #tpu.memory_space<hbm>>)
        tpu.yield
      }) : () -> ()
      %scan3A_31 = arith.constant 0 : i32
      scf.yield %scan3A_31 : i32
    }
    %scan3A_8 = arith.constant 2 : i32
    return
  }
}

module attributes {stable_mosaic.version = 14 : i64} {
  func.func @_attn_router_kernel(%arg0: i32, %arg1: memref<256x768xf32, #tpu.memory_space<vmem>>, %arg2: memref<256x768xf32, #tpu.memory_space<vmem>>, %arg3: memref<768x768xf32, #tpu.memory_space<vmem>>, %arg4: memref<1x768xf32, #tpu.memory_space<vmem>>, %arg5: memref<768x128xf32, #tpu.memory_space<vmem>>, %arg6: memref<256x768xf32, #tpu.memory_space<vmem>>, %arg7: memref<256x2xi32, #tpu.memory_space<vmem>>, %arg8: memref<256x2xf32, #tpu.memory_space<vmem>>) attributes {dimension_semantics = [#tpu.dimension_semantics<arbitrary>], iteration_bounds = array<i64: 8>, scalar_prefetch = 0 : i64, scratch_operands = 0 : i64, tpu.core_type = #tpu.core_type<tc>, window_params = [{transform_indices = @transform_0, window_bounds = array<i64: 256, 768>}, {transform_indices = @transform_1, window_bounds = array<i64: 256, 768>}, {pipeline_mode = #tpu.pipeline_mode<synchronous>, transform_indices = @transform_2, window_bounds = array<i64: 768, 768>}, {pipeline_mode = #tpu.pipeline_mode<synchronous>, transform_indices = @transform_3, window_bounds = array<i64: 1, 768>}, {pipeline_mode = #tpu.pipeline_mode<synchronous>, transform_indices = @transform_4, window_bounds = array<i64: 768, 128>}, {transform_indices = @transform_5, window_bounds = array<i64: 256, 768>}, {transform_indices = @transform_6, window_bounds = array<i64: 256, 2>}, {transform_indices = @transform_7, window_bounds = array<i64: 256, 2>}]} {
    %get3A = arith.constant 0 : index
    %get3A_0 = arith.constant 0 : index
    %get3A_1 = vector.load %arg1[%get3A, %get3A_0] : memref<256x768xf32, #tpu.memory_space<vmem>>, vector<256x768xf32>
    %get3A_2 = arith.constant 0 : index
    %get3A_3 = arith.constant 0 : index
    %get3A_4 = vector.load %arg3[%get3A_2, %get3A_3] : memref<768x768xf32, #tpu.memory_space<vmem>>, vector<768x768xf32>
    %dot_general3A = arith.constant dense<0.000000e+00> : vector<256x768xf32>
    %dot_general3A_5 = tpu.matmul %get3A_1, %get3A_4, %dot_general3A {dimension_numbers = #tpu.dot_dimension_numbers<[1], [0], [0], [1], [0, 0, 1, 1], [], []>, transpose_lhs_hint = false} : vector<256x768xf32>, vector<768x768xf32>, vector<256x768xf32> -> vector<256x768xf32>
    %get3A_6 = arith.constant 0 : index
    %get3A_7 = arith.constant 0 : index
    %get3A_8 = vector.load %arg4[%get3A_6, %get3A_7] : memref<1x768xf32, #tpu.memory_space<vmem>>, vector<1x768xf32>
    %add3A = vector.broadcast %get3A_8 : vector<1x768xf32> to vector<256x768xf32>
    %add3A_9 = arith.addf %dot_general3A_5, %add3A : vector<256x768xf32>
    %get3A_10 = arith.constant 0 : index
    %get3A_11 = arith.constant 0 : index
    %get3A_12 = vector.load %arg2[%get3A_10, %get3A_11] : memref<256x768xf32, #tpu.memory_space<vmem>>, vector<256x768xf32>
    %add3A_13 = arith.addf %add3A_9, %get3A_12 : vector<256x768xf32>
    %add3A_14 = arith.addf %get3A_1, %add3A_13 : vector<256x768xf32>
    %swap3A = arith.constant 0 : index
    %swap3A_15 = arith.constant 0 : index
    %swap3A_16 = vector.load %arg6[%swap3A, %swap3A_15] : memref<256x768xf32, #tpu.memory_space<vmem>>, vector<256x768xf32>
    tpu.vector_store %arg6[%swap3A, %swap3A_15], %add3A_14 {strides = array<i32>} : memref<256x768xf32, #tpu.memory_space<vmem>>, vector<256x768xf32>,
    %get3A_17 = arith.constant 0 : index
    %get3A_18 = arith.constant 0 : index
    %get3A_19 = vector.load %arg5[%get3A_17, %get3A_18] : memref<768x128xf32, #tpu.memory_space<vmem>>, vector<768x128xf32>
    %dot_general3A_20 = arith.constant dense<0.000000e+00> : vector<256x128xf32>
    %dot_general3A_21 = tpu.matmul %add3A_14, %get3A_19, %dot_general3A_20 {dimension_numbers = #tpu.dot_dimension_numbers<[1], [0], [0], [1], [0, 0, 1, 1], [], []>, transpose_lhs_hint = false} : vector<256x768xf32>, vector<768x128xf32>, vector<256x128xf32> -> vector<256x128xf32>
    %iota3A = tpu.iota {dimensions = array<i32: 1>} : vector<256x128xi32>
    %lt3A = arith.constant 8 : i32
    %lt3A_22 = vector.broadcast %lt3A : i32 to vector<256x128xi32>
    %lt3A_23 = arith.cmpi slt, %iota3A, %lt3A_22 : vector<256x128xi32>
    %jit3A = arith.constant -1.000000e+30 : f32
    %broadcast_in_dim3A = vector.broadcast %jit3A : f32 to vector<256x128xf32>
    %select_n3A = arith.select %lt3A_23, %dot_general3A_21, %broadcast_in_dim3A : vector<256x128xi1>, vector<256x128xf32>
    %reduce_max3A = arith.constant dense<0xFF800000> : vector<256xf32>
    %reduce_max3A_24 = vector.multi_reduction <maximumf>, %select_n3A, %reduce_max3A [1] : vector<256x128xf32> to vector<256xf32>
    %broadcast_in_dim3A_25 = vector.shape_cast %reduce_max3A_24 : vector<256xf32> to vector<256x1xf32>
    %eq3A = vector.broadcast %broadcast_in_dim3A_25 : vector<256x1xf32> to vector<256x128xf32>
    %eq3A_26 = arith.cmpf oeq, %select_n3A, %eq3A : vector<256x128xf32>
    %jit3A_27 = arith.constant 128 : i32
    %broadcast_in_dim3A_28 = vector.broadcast %jit3A_27 : i32 to vector<256x128xi32>
    %select_n3A_29 = arith.select %eq3A_26, %iota3A, %broadcast_in_dim3A_28 : vector<256x128xi1>, vector<256x128xi32>
    %reduce_min3A = arith.constant dense<2147483647> : vector<256xi32>
    %reduce_min3A_30 = vector.multi_reduction <minsi>, %select_n3A_29, %reduce_min3A [1] : vector<256x128xi32> to vector<256xi32>
    %broadcast_in_dim3A_31 = vector.shape_cast %reduce_min3A_30 : vector<256xi32> to vector<256x1xi32>
    %eq3A_32 = vector.broadcast %broadcast_in_dim3A_31 : vector<256x1xi32> to vector<256x128xi32>
    %eq3A_33 = arith.cmpi eq, %iota3A, %eq3A_32 : vector<256x128xi32>
    %jit3A_34 = arith.constant -1.000000e+30 : f32
    %broadcast_in_dim3A_35 = vector.broadcast %jit3A_34 : f32 to vector<256x128xf32>
    %select_n3A_36 = arith.select %eq3A_33, %broadcast_in_dim3A_35, %select_n3A : vector<256x128xi1>, vector<256x128xf32>
    %reduce_max3A_37 = arith.constant dense<0xFF800000> : vector<256xf32>
    %reduce_max3A_38 = vector.multi_reduction <maximumf>, %select_n3A_36, %reduce_max3A_37 [1] : vector<256x128xf32> to vector<256xf32>
    %broadcast_in_dim3A_39 = vector.shape_cast %reduce_max3A_38 : vector<256xf32> to vector<256x1xf32>
    %eq3A_40 = vector.broadcast %broadcast_in_dim3A_39 : vector<256x1xf32> to vector<256x128xf32>
    %eq3A_41 = arith.cmpf oeq, %select_n3A_36, %eq3A_40 : vector<256x128xf32>
    %jit3A_42 = arith.constant 128 : i32
    %broadcast_in_dim3A_43 = vector.broadcast %jit3A_42 : i32 to vector<256x128xi32>
    %select_n3A_44 = arith.select %eq3A_41, %iota3A, %broadcast_in_dim3A_43 : vector<256x128xi1>, vector<256x128xi32>
    %reduce_min3A_45 = arith.constant dense<2147483647> : vector<256xi32>
    %reduce_min3A_46 = vector.multi_reduction <minsi>, %select_n3A_44, %reduce_min3A_45 [1] : vector<256x128xi32> to vector<256xi32>
    %broadcast_in_dim3A_47 = vector.shape_cast %reduce_min3A_46 : vector<256xi32> to vector<256x1xi32>
    %concatenate3A = tpu.concatenate %broadcast_in_dim3A_31, %broadcast_in_dim3A_47 in 1 : vector<256x1xi32>, vector<256x1xi32> -> vector<256x2xi32>
    %swap3A_48 = arith.constant 0 : index
    %swap3A_49 = arith.constant 0 : index
    %swap3A_50 = vector.load %arg7[%swap3A_48, %swap3A_49] : memref<256x2xi32, #tpu.memory_space<vmem>>, vector<256x2xi32>
    tpu.vector_store %arg7[%swap3A_48, %swap3A_49], %concatenate3A {strides = array<i32>} : memref<256x2xi32, #tpu.memory_space<vmem>>, vector<256x2xi32>,
    %sub3A = arith.subf %broadcast_in_dim3A_25, %broadcast_in_dim3A_39 : vector<256x1xf32>
    %logistic3A = arith.negf %sub3A : vector<256x1xf32>
    %logistic3A_51 = math.exp %logistic3A : vector<256x1xf32>
    %logistic3A_52 = arith.constant 1.000000e+00 : f32
    %logistic3A_53 = vector.broadcast %logistic3A_52 : f32 to vector<256x1xf32>
    %logistic3A_54 = arith.addf %logistic3A_53, %logistic3A_51 : vector<256x1xf32>
    %logistic3A_55 = arith.divf %logistic3A_53, %logistic3A_54 : vector<256x1xf32>
    %sub3A_56 = arith.subf %broadcast_in_dim3A_39, %broadcast_in_dim3A_25 : vector<256x1xf32>
    %logistic3A_57 = arith.negf %sub3A_56 : vector<256x1xf32>
    %logistic3A_58 = math.exp %logistic3A_57 : vector<256x1xf32>
    %logistic3A_59 = arith.constant 1.000000e+00 : f32
    %logistic3A_60 = vector.broadcast %logistic3A_59 : f32 to vector<256x1xf32>
    %logistic3A_61 = arith.addf %logistic3A_60, %logistic3A_58 : vector<256x1xf32>
    %logistic3A_62 = arith.divf %logistic3A_60, %logistic3A_61 : vector<256x1xf32>
    %concatenate3A_63 = tpu.concatenate %logistic3A_55, %logistic3A_62 in 1 : vector<256x1xf32>, vector<256x1xf32> -> vector<256x2xf32>
    %swap3A_64 = arith.constant 0 : index
    %swap3A_65 = arith.constant 0 : index
    %swap3A_66 = vector.load %arg8[%swap3A_64, %swap3A_65] : memref<256x2xf32, #tpu.memory_space<vmem>>, vector<256x2xf32>
    tpu.vector_store %arg8[%swap3A_64, %swap3A_65], %concatenate3A_63 {strides = array<i32>} : memref<256x2xf32, #tpu.memory_space<vmem>>, vector<256x2xf32>,
    return
  }
  func.func @transform_0(%arg0: i32) -> (i32, i32) {
    %c0_i32 = arith.constant 0 : i32
    %c0_i32_0 = arith.constant 0 : i32
    return %arg0, %c0_i32 : i32, i32
  }
  func.func @transform_1(%arg0: i32) -> (i32, i32) {
    %c0_i32 = arith.constant 0 : i32
    %c0_i32_0 = arith.constant 0 : i32
    return %arg0, %c0_i32 : i32, i32
  }
  func.func @transform_2(%arg0: i32) -> (i32, i32) {
    %c0_i32 = arith.constant 0 : i32
    %c0_i32_0 = arith.constant 0 : i32
    %c0_i32_1 = arith.constant 0 : i32
    return %c0_i32, %c0_i32_0 : i32, i32
  }
  func.func @transform_3(%arg0: i32) -> (i32, i32) {
    %c0_i32 = arith.constant 0 : i32
    %c0_i32_0 = arith.constant 0 : i32
    %c0_i32_1 = arith.constant 0 : i32
    return %c0_i32, %c0_i32_0 : i32, i32
  }
  func.func @transform_4(%arg0: i32) -> (i32, i32) {
    %c0_i32 = arith.constant 0 : i32
    %c0_i32_0 = arith.constant 0 : i32
    %c0_i32_1 = arith.constant 0 : i32
    return %c0_i32, %c0_i32_0 : i32, i32
  }
  func.func @transform_5(%arg0: i32) -> (i32, i32) {
    %c0_i32 = arith.constant 0 : i32
    %c0_i32_0 = arith.constant 0 : i32
    return %arg0, %c0_i32 : i32, i32
  }
  func.func @transform_6(%arg0: i32) -> (i32, i32) {
    %c0_i32 = arith.constant 0 : i32
    %c0_i32_0 = arith.constant 0 : i32
    return %arg0, %c0_i32 : i32, i32
  }
  func.func @transform_7(%arg0: i32) -> (i32, i32) {
    %c0_i32 = arith.constant 0 : i32
    %c0_i32_0 = arith.constant 0 : i32
    return %arg0, %c0_i32 : i32, i32
  }
}

module attributes {stable_mosaic.version = 14 : i64} {
  func.func @_ffn_kernel(%arg0: i32, %arg1: memref<40xi32, #tpu.memory_space<smem>>, %arg2: memref<128x768xf32, #tpu.memory_space<vmem>>, %arg3: memref<1x768x1536xbf16, #tpu.memory_space<vmem>>, %arg4: memref<1x1536x768xbf16, #tpu.memory_space<vmem>>, %arg5: memref<1x128x1xf32, #tpu.memory_space<vmem>>, %arg6: memref<128x768xf32, #tpu.memory_space<vmem>>) attributes {dimension_semantics = [#tpu.dimension_semantics<arbitrary>], iteration_bounds = array<i64: 40>, scalar_prefetch = 1 : i64, scratch_operands = 0 : i64, tpu.core_type = #tpu.core_type<tc>, window_params = [{transform_indices = @transform_0, window_bounds = array<i64: 128, 768>}, {transform_indices = @transform_1, window_bounds = array<i64: 1, 768, 1536>}, {transform_indices = @transform_2, window_bounds = array<i64: 1, 1536, 768>}, {transform_indices = @transform_3, window_bounds = array<i64: 1, 128, 1>}, {transform_indices = @transform_4, window_bounds = array<i64: 128, 768>}]} {
    %get3A = arith.constant 0 : index
    %get3A_0 = arith.constant 0 : index
    %get3A_1 = vector.load %arg2[%get3A, %get3A_0] : memref<128x768xf32, #tpu.memory_space<vmem>>, vector<128x768xf32>
    %convert_element_type3A = arith.truncf %get3A_1 : vector<128x768xf32> to vector<128x768xbf16>
    %get3A_2 = arith.constant 0 : index
    %get3A_3 = arith.constant 0 : index
    %get3A_4 = arith.constant 0 : index
    %get3A_5 = vector.load %arg3[%get3A_2, %get3A_3, %get3A_4] : memref<1x768x1536xbf16, #tpu.memory_space<vmem>>, vector<1x768x1536xbf16>
    %get3A_6 = vector.shape_cast %get3A_5 : vector<1x768x1536xbf16> to vector<768x1536xbf16>
    %dot_general3A = arith.constant dense<0.000000e+00> : vector<128x1536xf32>
    %dot_general3A_7 = tpu.matmul %convert_element_type3A, %get3A_6, %dot_general3A {dimension_numbers = #tpu.dot_dimension_numbers<[1], [0], [0], [1], [0, 0, 1, 1], [], []>, transpose_lhs_hint = false} : vector<128x768xbf16>, vector<768x1536xbf16>, vector<128x1536xf32> -> vector<128x1536xf32>
    %logistic3A = arith.negf %dot_general3A_7 : vector<128x1536xf32>
    %logistic3A_8 = math.exp %logistic3A : vector<128x1536xf32>
    %logistic3A_9 = arith.constant 1.000000e+00 : f32
    %logistic3A_10 = vector.broadcast %logistic3A_9 : f32 to vector<128x1536xf32>
    %logistic3A_11 = arith.addf %logistic3A_10, %logistic3A_8 : vector<128x1536xf32>
    %logistic3A_12 = arith.divf %logistic3A_10, %logistic3A_11 : vector<128x1536xf32>
    %mul3A = arith.mulf %dot_general3A_7, %logistic3A_12 : vector<128x1536xf32>
    %convert_element_type3A_13 = arith.truncf %mul3A : vector<128x1536xf32> to vector<128x1536xbf16>
    %get3A_14 = arith.constant 0 : index
    %get3A_15 = arith.constant 0 : index
    %get3A_16 = arith.constant 0 : index
    %get3A_17 = vector.load %arg4[%get3A_14, %get3A_15, %get3A_16] : memref<1x1536x768xbf16, #tpu.memory_space<vmem>>, vector<1x1536x768xbf16>
    %get3A_18 = vector.shape_cast %get3A_17 : vector<1x1536x768xbf16> to vector<1536x768xbf16>
    %dot_general3A_19 = arith.constant dense<0.000000e+00> : vector<128x768xf32>
    %dot_general3A_20 = tpu.matmul %convert_element_type3A_13, %get3A_18, %dot_general3A_19 {dimension_numbers = #tpu.dot_dimension_numbers<[1], [0], [0], [1], [0, 0, 1, 1], [], []>, transpose_lhs_hint = false} : vector<128x1536xbf16>, vector<1536x768xbf16>, vector<128x768xf32> -> vector<128x768xf32>
    %get3A_21 = arith.constant 0 : index
    %get3A_22 = arith.constant 0 : index
    %get3A_23 = arith.constant 0 : index
    %get3A_24 = vector.load %arg5[%get3A_21, %get3A_22, %get3A_23] : memref<1x128x1xf32, #tpu.memory_space<vmem>>, vector<1x128x1xf32>
    %get3A_25 = vector.shape_cast %get3A_24 : vector<1x128x1xf32> to vector<128x1xf32>
    %mul3A_26 = vector.broadcast %get3A_25 : vector<128x1xf32> to vector<128x768xf32>
    %mul3A_27 = arith.mulf %dot_general3A_20, %mul3A_26 : vector<128x768xf32>
    %swap3A = arith.constant 0 : index
    %swap3A_28 = arith.constant 0 : index
    %swap3A_29 = vector.load %arg6[%swap3A, %swap3A_28] : memref<128x768xf32, #tpu.memory_space<vmem>>, vector<128x768xf32>
    tpu.vector_store %arg6[%swap3A, %swap3A_28], %mul3A_27 {strides = array<i32>} : memref<128x768xf32, #tpu.memory_space<vmem>>, vector<128x768xf32>,
    return
  }
  func.func @transform_0(%arg0: i32, %arg1: memref<40xi32, #tpu.memory_space<smem>>) -> (i32, i32) {
    %c0_i32 = arith.constant 0 : i32
    %c0_i32_0 = arith.constant 0 : i32
    return %arg0, %c0_i32 : i32, i32
  }
  func.func @transform_1(%arg0: i32, %arg1: memref<40xi32, #tpu.memory_space<smem>>) -> (i32, i32, i32) {
    %get3A = arith.index_cast %arg0 : i32 to index
    %get3A_0 = memref.load %arg1[%get3A] : memref<40xi32, #tpu.memory_space<smem>>
    %max3A = arith.constant 0 : i32
    %max3A_1 = arith.maxsi %get3A_0, %max3A : i32
    %c0_i32 = arith.constant 0 : i32
    %c0_i32_2 = arith.constant 0 : i32
    %c0_i32_3 = arith.constant 0 : i32
    return %max3A_1, %c0_i32, %c0_i32_2 : i32, i32, i32
  }
  func.func @transform_2(%arg0: i32, %arg1: memref<40xi32, #tpu.memory_space<smem>>) -> (i32, i32, i32) {
    %get3A = arith.index_cast %arg0 : i32 to index
    %get3A_0 = memref.load %arg1[%get3A] : memref<40xi32, #tpu.memory_space<smem>>
    %max3A = arith.constant 0 : i32
    %max3A_1 = arith.maxsi %get3A_0, %max3A : i32
    %c0_i32 = arith.constant 0 : i32
    %c0_i32_2 = arith.constant 0 : i32
    %c0_i32_3 = arith.constant 0 : i32
    return %max3A_1, %c0_i32, %c0_i32_2 : i32, i32, i32
  }
  func.func @transform_3(%arg0: i32, %arg1: memref<40xi32, #tpu.memory_space<smem>>) -> (i32, i32, i32) {
    %c0_i32 = arith.constant 0 : i32
    %c0_i32_0 = arith.constant 0 : i32
    %c0_i32_1 = arith.constant 0 : i32
    return %arg0, %c0_i32, %c0_i32_0 : i32, i32, i32
  }
  func.func @transform_4(%arg0: i32, %arg1: memref<40xi32, #tpu.memory_space<smem>>) -> (i32, i32) {
    %c0_i32 = arith.constant 0 : i32
    %c0_i32_0 = arith.constant 0 : i32
    return %arg0, %c0_i32 : i32, i32
  }
}

</mosaic_0001>

<sc_bundles>
// kernel: gather_offload_async_start
scs
__scs_entry_jumppad:
0x0: {  	(pc) =	sbr.rel $0x88, $3  }
0x1: {  	(tag) =	ssettag $0x0;
	lr =	simm.s32 $0x1  }
0x2: {  	[smem:$0x3F9B] =	sst lr;
	_ =	strace $0xD0000000  }
0x3: {  	_ = 	snop  }
0x4: {  	_ = 	snop  }
0x5: {  	_ = 	snop  }
0x6: {  	_ = 	snop  }
0x7: {  	_ = 	snop  }
__scs_overlays_trampoline_lowered:
0x8: {  	[smem:$0x3FAA] =	sst s0  }
0x9: {  	[smem:$0x3FAB] =	sst s1  }
0xa: {  	[smem:$0x3FAC] =	sst s2  }
0xb: {  	[smem:$0x3FAD] =	sst s3  }
0xc: {  	[smem:$0x3FAE] =	sst s4  }
0xd: {  	[smem:$0x3FAF] =	sst s5  }
0xe: {  	[smem:$0x3FB0] =	sst s6  }
0xf: {  	[smem:$0x3FB1] =	sst s7  }
0x10: {  	[smem:$0x3FB2] =	sst s8  }
0x11: {  	[smem:$0x3FB3] =	sst s9;
	s0 =	simm.s32 @!p0 $0x0  }
0x12: {  	s1 =	sld [smem:$0x3F99];
	s0 =	simm.s32 @p0 $0x1  }
0x13: {  	[smem:$0x3FB4] =	sst s0;
	s0 =	simm.s32 @!p1 $0x0  }
0x14: {  	s2 =	sld [smem:$0x3F98];
	s0 =	simm.s32 @p1 $0x1  }
0x15: {  	[smem:$0x3FB5] =	sst s0;
	s0 =	simm.s32 @!p2 $0x0  }
0x16: {  	s3 =	sld [smem:$0x3FDB];
	s0 =	simm.s32 @p2 $0x1  }
0x17: {  	s4 =	simm.s32 $0x1BF5;
	[smem:$0x3FB7] =	sst s0  }
0x18: {  	s0 =	sld [smem:$0x3F9A];
	_ =	swait.ge [sflag:s4], $0x0  }
0x19: {  	s7 =	sld [smem:$0x3F9B]  }
0x1a: {  	s8 =	sadd.s32 $0xFFFFE003, lr  }
0x1b: {  	s9 =	sadd.s32 $0xFFFFFEF7, lr;
	s5 =	simm.s32 $0xFFFFFFFF;
	p2 =	slt.u32 s8, $0xFFFFF086  }
0x1c: {  	p1 =	slt.u32 s9, $0xF7A;
	s5 =	simm.s32 @!p2 $0x0  }
0x1d: {  	s5 =	simm.s32 @p1 $0x1;
	p0 =	seq.s32 s7, s2  }
0x1e: {  	s7 =	smul.u32 @!p0 $0xF7A, s2;
	p2 =	seq.s32 @!p0 s5, $0x0  }
0x1f: {  	s9 =	smul.u32 $0xF7A, s1;
	s8 =	simm.s32 @!p0 $0x1BF5;
	p2 =	por !p2, p0  }
0x20: {  	[sflag:s8] =	ssyncset.s32 @!p0 $0xFFFFF086;
	s6 =	sadd.s32 @!p0 s3, s7;
	s7 =	simm.s32 @!p0 $0x108  }
0x21: {  	s3 =	sadd.s32 s3, s9;
	s6 =	sadd.s32 @!p0 $0x88, s6;
	s7 =	simm.s32 @p2 $0x1082  }
0x22: {  	[simem:s7], [sflag:s8] =	dma.local @!p0 [hbm:s6], $0xF7A  }
0x23: {  	s9 =	sor.u32 $0xD0000000, s2;
	s6 =	simm.s32 $0x108;
	_ =	swait.ge @!p0 [sflag:s8], $0x0  }
0x24: {  	s3 =	sadd.s32 $0x88, s3;
	s6 =	simm.s32 @!p1 $0x1082;
	[sflag:s4] =	ssyncset.s32 $0xFFFFF086  }
0x25: {  	[simem:s6], [sflag:s4] =	dma.local [hbm:s3], $0xF7A  }
0x26: {  	[smem:$0x3F9B] =	sst s1;
	(tag) =	ssettag s2;
	_ =	strace s9  }
0x27: {  	s1 =	sld [smem:$0x3FAB]  }
0x28: {  	s2 =	sld [smem:$0x3FAC]  }
0x29: {  	s4 =	sld [smem:$0x3FAE]  }
0x2a: {  	p0 =	seq.s32 s5, $0x0;
	s5 =	sld [smem:$0x3FAF]  }
0x2b: {  	s6 =	sld [smem:$0x3FB0]  }
0x2c: {  	s7 =	sld [smem:$0x3FB1]  }
0x2d: {  	s3 =	simm.s32 $0x108;
	s8 =	sld [smem:$0x3FB2]  }
0x2e: {  	s3 =	simm.s32 @!p0 $0x1082;
	s9 =	sld [smem:$0x3FB3]  }
0x2f: {  	lr =	sadd.s32 s0, s3;
	s0 =	sld [smem:$0x3FAA]  }
0x30: {  	s3 =	sld [smem:$0x3FAD]  }
0x31: {  	[smem:$0x3FB6] =	sst s10  }
0x32: {  	s10 =	sld [smem:$0x3FB4];
	_ =	sdelay $0x3  }
0x33: {  	p0 =	seq.s32 s10, $0x1;
	s10 =	sld [smem:$0x3FB6];
	_ =	sdelay $0x3  }
0x34: {  	[smem:$0x3FB6] =	sst s10  }
0x35: {  	s10 =	sld [smem:$0x3FB5];
	_ =	sdelay $0x3  }
0x36: {  	p1 =	seq.s32 s10, $0x1;
	s10 =	sld [smem:$0x3FB6];
	_ =	sdelay $0x3  }
0x37: {  	[smem:$0x3FB6] =	sst s10  }
0x38: {  	s10 =	sld [smem:$0x3FB7]  }
0x39: {  	_ = 	snop;
	(pc) =	sbr.ind lr, $3  }
0x3a: {  	_ = 	snop  }
0x3b: {  	_ = 	snop  }
0x3c: {  	p2 =	seq.s32 s10, $0x1;
	s10 =	sld [smem:$0x3FB6]  }
0x3d: {  	_ =	shalt  }
0x3e: {  	_ =	shalt  }
0x3f: {  	_ =	shalt  }
0x40: {  	_ =	shalt  }
0x41: {  	_ =	shalt  }
0x42: {  	_ =	shalt  }
0x43: {  	_ =	shalt  }
0x44: {  	_ =	shalt  }
0x45: {  	_ =	shalt  }
0x46: {  	_ =	shalt  }
0x47: {  	_ =	shalt  }
0x48: {  	_ =	shalt  }
0x49: {  	_ =	shalt  }
0x4a: {  	_ =	shalt  }
0x4b: {  	_ =	shalt  }
0x4c: {  	_ =	shalt  }
0x4d: {  	_ =	shalt  }
0x4e: {  	_ =	shalt  }
0x4f: {  	_ =	shalt  }
0x50: {  	_ =	shalt  }
0x51: {  	_ =	shalt  }
0x52: {  	_ =	shalt  }
0x53: {  	_ =	shalt  }
0x54: {  	_ =	shalt  }
0x55: {  	_ =	shalt  }
0x56: {  	_ =	shalt  }
0x57: {  	_ =	shalt  }
0x58: {  	_ =	shalt  }
0x59: {  	_ =	shalt  }
0x5a: {  	_ =	shalt  }
0x5b: {  	_ =	shalt  }
0x5c: {  	_ =	shalt  }
0x5d: {  	_ =	shalt  }
0x5e: {  	_ =	shalt  }
0x5f: {  	_ =	shalt  }
0x60: {  	_ =	shalt  }
0x61: {  	_ =	shalt  }
0x62: {  	_ =	shalt  }
0x63: {  	_ =	shalt  }
0x64: {  	_ =	shalt  }
0x65: {  	_ =	shalt  }
0x66: {  	_ =	shalt  }
0x67: {  	_ =	shalt  }
0x68: {  	_ =	shalt  }
0x69: {  	_ =	shalt  }
0x6a: {  	_ =	shalt  }
0x6b: {  	_ =	shalt  }
0x6c: {  	_ =	shalt  }
0x6d: {  	_ =	shalt  }
0x6e: {  	_ =	shalt  }
0x6f: {  	_ =	shalt  }
0x70: {  	_ =	shalt  }
0x71: {  	_ =	shalt  }
0x72: {  	_ =	shalt  }
0x73: {  	_ =	shalt  }
0x74: {  	_ =	shalt  }
0x75: {  	_ =	shalt  }
0x76: {  	_ =	shalt  }
0x77: {  	_ =	shalt  }
0x78: {  	_ =	shalt  }
0x79: {  	_ =	shalt  }
0x7a: {  	_ =	shalt  }
0x7b: {  	_ =	shalt  }
0x7c: {  	_ =	shalt  }
0x7d: {  	_ =	shalt  }
0x7e: {  	_ =	shalt  }
0x7f: {  	_ =	shalt  }
0x80: {  	_ =	shalt  }
0x81: {  	_ =	shalt  }
0x82: {  	_ =	shalt  }
0x83: {  	_ =	shalt  }
0x84: {  	_ =	shalt  }
0x85: {  	_ =	shalt  }
0x86: {  	_ =	shalt  }
0x87: {  	_ =	shalt  }
.Lfunc_end0:
.L_simem_size_0:
called_computation_lowered:
.L_overlay_start_0:
0x88: {  	s2 =	sld [smem:$0x3FD9]  }
0x89: {  	s3 =	sld [smem:$0x3FFE];
	_ =	sdelay $0x1  }
0x8a: {  	s1 =	srdreg.scid  }
0x8b: {  	s0 =	sand.u32 $0x1, s1  }
0x8c: {  	s17 =	sshll.u32 s0, $0xA;
	s2 =	sadd.s32 s3, s2  }
0x8d: {  	s2 =	sadd.s32 s2, s17  }
0x8e: {  	[smem:$0x3FC2] =	sst s2  }
0x8f: {  	_ = 	snop  }
0x90: {  	s2 =	sld [smem:$0x3FD0];
	(tm) =	ssettm $0x1  }
0x91: {  	s18 =	sld [smem:$0x3FFB];
	_ =	sdelay $0x3  }
0x92: {  	_ =	strace s18  }
0x93: {  	s3 =	sld [smem:$0x3FFC];
	_ =	sdelay $0x3  }
0x94: {  	_ =	strace s3  }
0x95: {  	s3 =	sld [smem:$0x3FFD];
	_ =	sdelay $0x3  }
0x96: {  	_ =	strace s3  }
0x97: {  	_ =	strace $0x8FFFFFFF  }
0x98: {  	s19 =	sld [smem:$0x3FDB];
	_ =	sdelay $0x1  }
0x99: {  	s4 =	simm.s32 $_scs_section_size  }
0x9a: {  	s5 =	simm.s32 $_size__tile_overlayer_lowered;
	s6 =	simm.s32 $_tile_overlayer_lowered  }
0x9b: {  	s22 =	simm.s32 $0x1BFF;
	s21 =	sshll.u32 s6, $0x1;
	s3 =	sadd.s32 s4, s19  }
0x9c: {  	s7 =	simm.s32 $0x0;
	s20 =	sshll.u32 s5, $0x1;
	s5 =	sadd.s32 s21, s3  }
0x9d: {  	[timem:s7], [sflag:s22] =	dma.local [hbm:s5], s20  }
0x9e: {  	_ =	swait.ge [sflag:s22], s20  }
0x9f: {  	s4 =	ssub.s32 $0x0, s20;
	[sflag:s22] =	ssyncset.done $0x0  }
0xa0: {  	[sflag:s22] =	ssyncadd.s32 s4;
	_ =	sdelay $0x1  }
0xa1: {  	s23 =	simm.s32 $0x1B8B  }
0xa2: {  	_ =	swait.ge [sflag:s23], $0x1  }
0xa3: {  	[sflag:s23] =	ssyncset.done $0x0  }
0xa4: {  	s25 =	simm.s32 $0x1B8E;
	s24 =	sld [smem:$0x3FFE];
	[sflag:s23] =	ssyncadd.s32 $0xFFFFFFFF  }
0xa5: {  	s26 =	simm.s32 $execute0_lowered;
	[smem:$0x3FD2] =	sst s25  }
0xa6: {  	s5 =	sshll.u32 s26, $0x1;
	_ =	strace $0x80000046;
	[dreg:$0x1] =	wrdreg $0xFFFFFFFF  }
0xa7: {  	s28 =	simm.s32 $_size_execute0_lowered;
	s3 =	sadd.s32 s3, s5;
	[dreg:$0x0] =	wrdreg $0x0  }
0xa8: {  	s5 =	sshll.u32 s28, $0x1;
	[dreg:$0x2] =	wrdreg s3  }
0xa9: {  	[dreg:$0x3] =	wrdreg s5  }
0xaa: {  	[dreg:$0x4] =	wrdreg $0xC0  }
0xab: {  	_ =	task [dreg:s7], $0x5FFFF  }
0xac: {  	[dreg:$0x1] =	wrdreg $0xFFFFFFFF  }
0xad: {  	[dreg:$0x0] =	wrdreg $0x60  }
0xae: {  	[dreg:$0x2] =	wrdreg s2  }
0xaf: {  	[dreg:$0x3] =	wrdreg s24  }
0xb0: {  	[dreg:$0x4] =	wrdreg $0x9  }
0xb1: {  	_ =	task.clear_ibuf [dreg:s7], $0x5FFFF;
	_ =	strace $0x90000046  }
0xb2: {  	s29 =	simm.s32 $0x9;
	_ =	strace $0x80000048  }
0xb3: {  	_ =	swait.ge [sflag:s29], $0x1  }
0xb4: {  	[sflag:s29] =	ssyncadd.s32 $0xFFFFFFFF  }
0xb5: {  	_ =	strace $0x90000048  }
0xb6: {  	_ =	sfence  }
0xb7: {  	s30 =	sld [smem:$0x0];
	_ =	sdelay $0x2  }
0xb8: {  	s31 =	sshll.u32 s1, $0xD;
	s1 =	sshrl.u32 s1, $0x2  }
0xb9: {  	s3 =	sand.u32 $0x4000, s31;
	s1 =	sadd.s32 s1, s30  }
0xba: {  	s0 =	sor.u32 s3, s0;
	s1 =	sshll.u32 s1, $0x11  }
0xbb: {  	s0 =	sor.u32 s1, s0  }
0xbc: {  	s0 =	sadd.s32 $0x8F2B, s0  }
0xbd: {  	[sflag:s0] =	ssyncadd.remote.s32 $0x1  }
0xbe: {  	_ =	sfence.sel $0xFFFF  }
0xbf: {  	[dreg:$0x0] =	wrdreg $0xFFFFFFFF;
	(pc) =	sbr.abs _section_cstart, $3  }
0xc0: {  	[dreg:$0x1] =	wrdreg $0xFFFFFFFF  }
0xc1: {  	_ =	task.clear_ibuf [dreg:s7], $0x2FFFF;
	_ =	strace $0x9FFFFFFF  }
0xc2: {  	(tm) =	ssettm $0x7FFFFFFF  }
0xc3: {  	_ =	shalt  }
tec
execute0_lowered:
.L_overlay_start_1:
0x0: {  	(tag) =	ssettag $0x1  }
0x1: {  	s1 =	srdreg.scid;
	s2 =	rddreg [dreg:$0x0]  }
0x2: {  	s0 =	stileid.u32;
	s5 =	rddreg [dreg:$0x1];
	s6 =	simm.s32 $0x1  }
0x3: {  	s9 =	simm.s32 $0x1;
	s10 =	simm.s32 $0x3;
	s1 =	sshll.u32 s1, $0x6  }
0x4: {  	s13 =	simm.s32 $0x0;
	s3 =	sshll.u32 s0, $0x7;
	s4 =	sand.u32 $0x40, s1  }
0x5: {  	s12 =	simm.s32 $0x0;
	s1 =	rddreg [dreg:$0x2];
	s3 =	sor.u32 s3, s4  }
0x6: {  	_ =	strace $0x80000047;
	s4 =	sadd.s32 $0x31800, s5;
	s8 =	ssub.s32 $0x1000, s3  }
.Ltmp0:
0x7: {  	s5 =	sadd.s32 $0x31A00, s5;
	s7 =	sand.u32 $0x7C0, s8;
	(pc) =	sbr.rel .LBB2_1-.Ltmp0, $4  }
0x8: {  	[sflag:s6] =	ssyncpa.u1 $0x0;
	s11 =	smov.u32 s3;
	p0 =	sne.s32 s7, $0x0  }
0x9: {  	s8 =	sshrl.u32 s8, $0xB;
	s7 =	simm.s32 $0x2;
	s9 =	simm.s32 @!p0 $0x0  }
0xa: {  	[sflag:s7] =	ssyncpa.u1 $0x0;
	p0 =	por $0x0, $0x0;
	s8 =	sadd.s32 s9, s8  }
0xb: {  	vm0 =	vmmov $0xffff;
	[sflag:s10] =	ssyncpa.u1 $0x0;
	s10 =	simm.s32 $0x0;
	s9 =	sadd.s32 $0x1, s8  }
.LBB2_4:
0xc: {  	v5 =	vshrl.u32 v1, $0xC;
	v6 =	vshll.u32 v1, $0x7  }
0xd: {  	vm1 =	veq.s32 v1, $0x80000000;
	v58 =	vand.u32 $0x7, v5;
	v59 =	vand.u32 $0x7FF80, v6  }
0xe: {  	v1 =	vsel vm1, $0xFFFFFFFF, v58;
	v5 =	vsel vm1, $0xFFFFFF80, v59  }
0xf: {  	v3 =	vor.u32 v4, v3;
	v60 =	vand.u32 $0xFFFFFC00, v5;
	v61 =	vand.u32 $0xFFFFFC00, v1  }
0x10: {  	v2 =	vor.u32 v2, v3;
	v63 =	vand.u32 $0x380, v5;
	v62 =	vadd.s32 v61, v60  }
0x11: {  	v1 =	vand.u32 $0x7F, v1;
	v3 =	vor.u32 v63, v62  }
0x12: {  	v1 =	vor.u32 v1, v3  }
0x13: {  	[tilespmem:s15], [sflag:$0x1] =	stream.indirect_vreg.gather [hbm4b:s2+s10], $0x1, v0, vm0, $0x4038;
	[tilespmem:$0x100] =	vst v63  }
0x14: {  	(ifvalue) =	ssetifvalue $0x7FFFFFFF  }
0x15: {  	[tilespmem:s16], [sflag:$0x1] =	stream.indirect_vreg.gather [hbm4b:s2+s10], $0x1, v2, vm0, $0x4038;
	[tilespmem:$0x100] =	vst v63  }
0x16: {  	s29 =	sadd.s32 $0x10, s16;
	(ifvalue) =	ssetifvalue $0x7FFFFFFF  }
0x17: {  	[tilespmem:s29], [sflag:$0x1] =	stream.indirect_vreg.gather [hbm4b:s2+s10], $0x1, v1, vm0, $0x4038;
	[tilespmem:$0x100] =	vst v63  }
0x18: {  	_ =	swait.ge [sflag:s6], $0x40  }
0x19: {  	s30 =	sshrl.u32 s13, $0x3;
	[sflag:s6] =	ssyncset.done $0x0  }
0x1a: {  	s31 =	sand.u32 $0x7, s13;
	s15 =	sadd.s32 s5, s30;
	[sflag:s6] =	ssyncadd.s32 $0xFFFFFFC0  }
0x1b: {  	[hbm4b:s15+s31] =	stream.linear.scatter [tilespmem:s14], [sflag:$0x3], $0x40, $0x38;
	[tilespmem:$0x100] =	vst v63  }
.LBB2_5:
0x1c: {  	s15 =	sadd.s32 $0x800, s11  }
0x1d: {  	p2 =	sgt.s32 s15, $0xFFF  }
0x1e: {  	s15 =	smov.u32 @p2 s3;
	p2 =	sne.s32 s12, s9  }
.Ltmp1:
0x1f: {  	p1 =	slt.u32 s12, $0x2;
	(pc) =	sbr.rel @!p2 .LBB2_6-.Ltmp1, $4  }
0x20: {  	s14 =	simm.s32 @!p1 $0x3  }
0x21: {  	s16 =	sadd.s32 $0x1, s12;
	_ =	swait.ge @!p1 [sflag:s14], $0x40  }
0x22: {  	s13 =	smov.u32 s11;
	p0 =	por !p0, !p0;
	[sflag:s14] =	ssyncset.done @!p1 $0x0  }
0x23: {  	s12 =	smov.u32 s16;
	s11 =	smov.u32 s15;
	[sflag:s14] =	ssyncadd.s32 @!p1 $0xFFFFFFC0  }
.LBB2_1:
0x24: {  	p1 =	sge.u32 s12, s8  }
0x25: {  	s14 =	sxor.u32 @!p1 $0xFFFFFFFF, s12  }
0x26: {  	s31 =	sadd.s32 $0xFFFFFFFF, s12;
	s15 =	sshrl.u32 @!p1 s11, $0x3;
	s14 =	sshll.u32 @!p1 s14, $0x6  }
0x27: {  	s16 =	sand.u32 @!p1 $0x7, s11;
	s15 =	sadd.s32 @!p1 s4, s15;
	s14 =	sand.u32 @!p1 $0x40, s14  }
0x28: {  	[tilespmem:s14], [sflag:$0x2] =	stream.linear.gather @!p1 [hbm4b:s15+s16], $0x40, $0x38;
	[tilespmem:$0x100] =	vst v63  }
0x29: {  	p1 =	sge.u32 s31, s8  }
.Ltmp2:
0x2a: {  	_ = 	snop;
	(pc) =	sbr.rel @p1 .LBB2_5-.Ltmp2, $1  }
0x2b: {  	_ =	sdelay $0x3  }
0x2c: {  	s14 =	simm.s32 $0x1  }
0x2d: {  	_ =	swait.ge [sflag:s7], $0x40;
	s14 =	simm.s32 @!p0 $0x0  }
0x2e: {  	[sflag:s7] =	ssyncset.done $0x0;
	s14 =	sshll.u32 s14, $0x6  }
0x2f: {  	[sflag:s7] =	ssyncadd.s32 $0xFFFFFFC0;
	(ifvalue) =	ssetifvalue $0x7FFFFFFF;
	v0 =	vld.msk [tilespmem:s14+$0x0 ss:$0x1], $0xffff;
	_ =	sdelay $0x4  }
0x30: {  	s15 =	sadd.s32 $0x10, s14;
	v2 =	vshrl.u32 v0, $0xC;
	v3 =	vshll.u32 v0, $0x7  }
0x31: {  	v1 =	vld.msk [tilespmem:s15+$0x0 ss:$0x1], $0xffff;
	vm1 =	veq.s32 v0, $0x80000000;
	v0 =	vand.u32 $0x7, v2;
	v2 =	vand.u32 $0x7FF80, v3  }
0x32: {  	v0 =	vsel vm1, $0xFFFFFFFF, v0;
	v2 =	vsel vm1, $0xFFFFFF80, v2  }
0x33: {  	v3 =	vand.u32 $0xFFFFFC00, v2;
	v4 =	vand.u32 $0xFFFFFC00, v0  }
0x34: {  	v2 =	vand.u32 $0x380, v2;
	v3 =	vadd.s32 v4, v3  }
0x35: {  	v0 =	vand.u32 $0x7F, v0;
	v2 =	vor.u32 v2, v3  }
0x36: {  	v5 =	vshll.u32 v1, $0x7;
	v4 =	vshrl.u32 v1, $0xC;
	v0 =	vor.u32 v0, v2  }
0x37: {  	s16 =	sshll.u32 s12, $0x6;
	vm1 =	veq.s32 v1, $0x80000000;
	v1 =	vand.u32 $0x7, v4;
	v4 =	vand.u32 $0x7FF80, v5  }
0x38: {  	s16 =	sand.u32 $0x40, s16;
	s18 =	sadd.s32 $0x10, s15;
	v3 =	vsel vm1, $0xFFFFFFFF, v1;
	v4 =	vsel vm1, $0xFFFFFF80, v4  }
0x39: {  	s17 =	simm.s32 $0x20;
	s15 =	sor.u32 $0x80, s14;
	s14 =	sor.u32 $0x80, s16;
	v1 =	vld.msk [tilespmem:s18+$0x0 ss:$0x1], $0xffff;
	v5 =	vand.u32 $0xFFFFFC00, v4;
	v6 =	vand.u32 $0xFFFFFC00, v3  }
0x3a: {  	s16 =	sadd.s32 $0x10, s15;
	s18 =	sadd.s32 $0x10, s18;
	(ifvalue) =	ssetifvalue $0x7FFFFFFF;
	v2 =	vand.u32 $0x7F, v3;
	v4 =	vand.u32 $0x380, v4;
	v3 =	vadd.s32 v6, v5  }
.LBB2_3:
0x3b: {  	[tilespmem:s15], [sflag:$0x1] =	stream.indirect_vreg.gather [hbm4b:s2+s10], $0x1, v0, vm0, $0x4038;
	[tilespmem:$0x100] =	vst v63  }
0x3c: {  	s17 =	sadd.s32 $0x10, s17  }
0x3d: {  	v3 =	vor.u32 v4, v3;
	p1 =	slt.u32 s17, $0x30  }
.Ltmp3:
0x3e: {  	v4 =	vshrl.u32 v1, $0xC;
	v5 =	vshll.u32 v1, $0x7;
	s15 =	smov.u32 s16;
	v0 =	vor.u32 v2, v3;
	v2 =	vmovc v1;
	v1 =	vld.msk [tilespmem:s18+$0x0 ss:$0x1], $0xffff;
	(pc) =	sbr.rel @p1 .LBB2_3-.Ltmp3, $4  }
0x3f: {  	v3 =	vand.u32 $0x7FF80, v5;
	vm1 =	veq.s32 v2, $0x80000000;
	v2 =	vand.u32 $0x7, v4  }
0x40: {  	v4 =	vsel vm1, $0xFFFFFFFF, v2;
	v5 =	vsel vm1, $0xFFFFFF80, v3  }
0x41: {  	v2 =	vand.u32 $0x7F, v4;
	v3 =	vand.u32 $0xFFFFFC00, v5;
	v4 =	vand.u32 $0xFFFFFC00, v4  }
0x42: {  	s16 =	sadd.s32 $0x10, s16;
	s18 =	sadd.s32 $0x10, s18;
	v3 =	vadd.s32 v4, v3;
	v4 =	vand.u32 $0x380, v5;
	(ifvalue) =	ssetifvalue $0x7FFFFFFF  }
.Ltmp4:
0x43: {  	_ = 	snop;
	(pc) =	sbr.rel .LBB2_4-.Ltmp4, $1  }
0x44: {  	_ =	sdelay $0x3  }
.LBB2_6:
0x45: {  	_ =	sfence.sel $0x180000  }
0x46: {  	s2 =	simm.s32 $0x2;
	[bflag:$0x0] =	sbarrier.arrive $0xFFFF  }
0x47: {  	s30 =	simm.s32 $0x3;
	[sflag:s2] =	ssyncpa.u1 $0x1  }
0x48: {  	s31 =	simm.s32 $0x1;
	[sflag:s30] =	ssyncpa.u1 $0x1  }
0x49: {  	[sflag:s31] =	ssyncpa.u1 $0x1  }
0x4a: {  	p0 =	sne.s32 s0, $0x0;
	_ =	strace $0x90000047  }
0x4b: {  	s0 =	sadd.s32 @!p0 $0x100000, s1;
	[bflag:$0x2] =	sbarrier.arrive $0xFFFF  }
0x4c: {  	[sflag:s0] =	ssyncadd.tile.s32 @!p0 $0x1;
	_ =	shalt  }
.Lfunc_end2:
_tile_overlayer_lowered:
.L_overlay_start_2:
0x4d: {  	(tag) =	ssettag $0x2  }
0x4e: {  	s0 =	rddreg [dreg:$0x0];
	s2 =	stileid.u32  }
0x4f: {  	s1 =	rddreg [dreg:$0x1];
	p0 =	sne.s32 s2, $0x0  }
0x50: {  	s3 =	rddreg [dreg:$0x2];
	[bflag:$0x3] =	sbarrier.arrive $0xFFFF;
	s2 =	simm.s32 @!p0 $0x1C01  }
0x51: {  	[timem:s3], [sflag:s2] =	dma.local @!p0 [hbm:s0], s1  }
0x52: {  	s0 =	simm.s32 @!p0 $0x1  }
0x53: {  	_ =	swait.ge @!p0 [sflag:s0], s1  }
0x54: {  	s1 =	ssub.s32 @!p0 $0x0, s1;
	[sflag:s0] =	ssyncset.done @!p0 $0x0  }
0x55: {  	[sflag:s0] =	ssyncadd.s32 @!p0 s1  }
0x56: {  	[bflag:$0x3] =	sbarrier.arrive $0xFFFF  }
0x57: {  	_ =	shalt  }

// kernel: kernel.6.cloned.1.call-start
scs
__scs_entry_jumppad:
0x0: {  	(pc) =	sbr.rel $0x88, $3  }
0x1: {  	(tag) =	ssettag $0x0;
	lr =	simm.s32 $0x1  }
0x2: {  	[smem:$0x3F9B] =	sst lr;
	_ =	strace $0xD0000000  }
0x3: {  	_ = 	snop  }
0x4: {  	_ = 	snop  }
0x5: {  	_ = 	snop  }
0x6: {  	_ = 	snop  }
0x7: {  	_ = 	snop  }
__scs_overlays_trampoline_lowered:
0x8: {  	[smem:$0x3FAA] =	sst s0  }
0x9: {  	[smem:$0x3FAB] =	sst s1  }
0xa: {  	[smem:$0x3FAC] =	sst s2  }
0xb: {  	[smem:$0x3FAD] =	sst s3  }
0xc: {  	[smem:$0x3FAE] =	sst s4  }
0xd: {  	[smem:$0x3FAF] =	sst s5  }
0xe: {  	[smem:$0x3FB0] =	sst s6  }
0xf: {  	[smem:$0x3FB1] =	sst s7  }
0x10: {  	[smem:$0x3FB2] =	sst s8  }
0x11: {  	[smem:$0x3FB3] =	sst s9;
	s0 =	simm.s32 @!p0 $0x0  }
0x12: {  	s1 =	sld [smem:$0x3F99];
	s0 =	simm.s32 @p0 $0x1  }
0x13: {  	[smem:$0x3FB4] =	sst s0;
	s0 =	simm.s32 @!p1 $0x0  }
0x14: {  	s2 =	sld [smem:$0x3F98];
	s0 =	simm.s32 @p1 $0x1  }
0x15: {  	[smem:$0x3FB5] =	sst s0;
	s0 =	simm.s32 @!p2 $0x0  }
0x16: {  	s3 =	sld [smem:$0x3FDB];
	s0 =	simm.s32 @p2 $0x1  }
0x17: {  	s4 =	simm.s32 $0x1BF5;
	[smem:$0x3FB7] =	sst s0  }
0x18: {  	s0 =	sld [smem:$0x3F9A];
	_ =	swait.ge [sflag:s4], $0x0  }
0x19: {  	s7 =	sld [smem:$0x3F9B]  }
0x1a: {  	s8 =	sadd.s32 $0xFFFFE003, lr  }
0x1b: {  	s9 =	sadd.s32 $0xFFFFFEF7, lr;
	s5 =	simm.s32 $0xFFFFFFFF;
	p2 =	slt.u32 s8, $0xFFFFF086  }
0x1c: {  	p1 =	slt.u32 s9, $0xF7A;
	s5 =	simm.s32 @!p2 $0x0  }
0x1d: {  	s5 =	simm.s32 @p1 $0x1;
	p0 =	seq.s32 s7, s2  }
0x1e: {  	s7 =	smul.u32 @!p0 $0xF7A, s2;
	p2 =	seq.s32 @!p0 s5, $0x0  }
0x1f: {  	s9 =	smul.u32 $0xF7A, s1;
	s8 =	simm.s32 @!p0 $0x1BF5;
	p2 =	por !p2, p0  }
0x20: {  	[sflag:s8] =	ssyncset.s32 @!p0 $0xFFFFF086;
	s6 =	sadd.s32 @!p0 s3, s7;
	s7 =	simm.s32 @!p0 $0x108  }
0x21: {  	s3 =	sadd.s32 s3, s9;
	s6 =	sadd.s32 @!p0 $0x88, s6;
	s7 =	simm.s32 @p2 $0x1082  }
0x22: {  	[simem:s7], [sflag:s8] =	dma.local @!p0 [hbm:s6], $0xF7A  }
0x23: {  	s9 =	sor.u32 $0xD0000000, s2;
	s6 =	simm.s32 $0x108;
	_ =	swait.ge @!p0 [sflag:s8], $0x0  }
0x24: {  	s3 =	sadd.s32 $0x88, s3;
	s6 =	simm.s32 @!p1 $0x1082;
	[sflag:s4] =	ssyncset.s32 $0xFFFFF086  }
0x25: {  	[simem:s6], [sflag:s4] =	dma.local [hbm:s3], $0xF7A  }
0x26: {  	[smem:$0x3F9B] =	sst s1;
	(tag) =	ssettag s2;
	_ =	strace s9  }
0x27: {  	s1 =	sld [smem:$0x3FAB]  }
0x28: {  	s2 =	sld [smem:$0x3FAC]  }
0x29: {  	s4 =	sld [smem:$0x3FAE]  }
0x2a: {  	p0 =	seq.s32 s5, $0x0;
	s5 =	sld [smem:$0x3FAF]  }
0x2b: {  	s6 =	sld [smem:$0x3FB0]  }
0x2c: {  	s7 =	sld [smem:$0x3FB1]  }
0x2d: {  	s3 =	simm.s32 $0x108;
	s8 =	sld [smem:$0x3FB2]  }
0x2e: {  	s3 =	simm.s32 @!p0 $0x1082;
	s9 =	sld [smem:$0x3FB3]  }
0x2f: {  	lr =	sadd.s32 s0, s3;
	s0 =	sld [smem:$0x3FAA]  }
0x30: {  	s3 =	sld [smem:$0x3FAD]  }
0x31: {  	[smem:$0x3FB6] =	sst s10  }
0x32: {  	s10 =	sld [smem:$0x3FB4];
	_ =	sdelay $0x3  }
0x33: {  	p0 =	seq.s32 s10, $0x1;
	s10 =	sld [smem:$0x3FB6];
	_ =	sdelay $0x3  }
0x34: {  	[smem:$0x3FB6] =	sst s10  }
0x35: {  	s10 =	sld [smem:$0x3FB5];
	_ =	sdelay $0x3  }
0x36: {  	p1 =	seq.s32 s10, $0x1;
	s10 =	sld [smem:$0x3FB6];
	_ =	sdelay $0x3  }
0x37: {  	[smem:$0x3FB6] =	sst s10  }
0x38: {  	s10 =	sld [smem:$0x3FB7]  }
0x39: {  	_ = 	snop;
	(pc) =	sbr.ind lr, $3  }
0x3a: {  	_ = 	snop  }
0x3b: {  	_ = 	snop  }
0x3c: {  	p2 =	seq.s32 s10, $0x1;
	s10 =	sld [smem:$0x3FB6]  }
0x3d: {  	_ =	shalt  }
0x3e: {  	_ =	shalt  }
0x3f: {  	_ =	shalt  }
0x40: {  	_ =	shalt  }
0x41: {  	_ =	shalt  }
0x42: {  	_ =	shalt  }
0x43: {  	_ =	shalt  }
0x44: {  	_ =	shalt  }
0x45: {  	_ =	shalt  }
0x46: {  	_ =	shalt  }
0x47: {  	_ =	shalt  }
0x48: {  	_ =	shalt  }
0x49: {  	_ =	shalt  }
0x4a: {  	_ =	shalt  }
0x4b: {  	_ =	shalt  }
0x4c: {  	_ =	shalt  }
0x4d: {  	_ =	shalt  }
0x4e: {  	_ =	shalt  }
0x4f: {  	_ =	shalt  }
0x50: {  	_ =	shalt  }
0x51: {  	_ =	shalt  }
0x52: {  	_ =	shalt  }
0x53: {  	_ =	shalt  }
0x54: {  	_ =	shalt  }
0x55: {  	_ =	shalt  }
0x56: {  	_ =	shalt  }
0x57: {  	_ =	shalt  }
0x58: {  	_ =	shalt  }
0x59: {  	_ =	shalt  }
0x5a: {  	_ =	shalt  }
0x5b: {  	_ =	shalt  }
0x5c: {  	_ =	shalt  }
0x5d: {  	_ =	shalt  }
0x5e: {  	_ =	shalt  }
0x5f: {  	_ =	shalt  }
0x60: {  	_ =	shalt  }
0x61: {  	_ =	shalt  }
0x62: {  	_ =	shalt  }
0x63: {  	_ =	shalt  }
0x64: {  	_ =	shalt  }
0x65: {  	_ =	shalt  }
0x66: {  	_ =	shalt  }
0x67: {  	_ =	shalt  }
0x68: {  	_ =	shalt  }
0x69: {  	_ =	shalt  }
0x6a: {  	_ =	shalt  }
0x6b: {  	_ =	shalt  }
0x6c: {  	_ =	shalt  }
0x6d: {  	_ =	shalt  }
0x6e: {  	_ =	shalt  }
0x6f: {  	_ =	shalt  }
0x70: {  	_ =	shalt  }
0x71: {  	_ =	shalt  }
0x72: {  	_ =	shalt  }
0x73: {  	_ =	shalt  }
0x74: {  	_ =	shalt  }
0x75: {  	_ =	shalt  }
0x76: {  	_ =	shalt  }
0x77: {  	_ =	shalt  }
0x78: {  	_ =	shalt  }
0x79: {  	_ =	shalt  }
0x7a: {  	_ =	shalt  }
0x7b: {  	_ =	shalt  }
0x7c: {  	_ =	shalt  }
0x7d: {  	_ =	shalt  }
0x7e: {  	_ =	shalt  }
0x7f: {  	_ =	shalt  }
0x80: {  	_ =	shalt  }
0x81: {  	_ =	shalt  }
0x82: {  	_ =	shalt  }
0x83: {  	_ =	shalt  }
0x84: {  	_ =	shalt  }
0x85: {  	_ =	shalt  }
0x86: {  	_ =	shalt  }
0x87: {  	_ =	shalt  }
.Lfunc_end0:
.L_simem_size_0:
called_computation.1_lowered:
.L_overlay_start_0:
0x88: {  	s2 =	sld [smem:$0x3FD9]  }
0x89: {  	s3 =	sld [smem:$0x3FFE];
	_ =	sdelay $0x1  }
0x8a: {  	s1 =	srdreg.scid  }
0x8b: {  	s0 =	sand.u32 $0x1, s1  }
0x8c: {  	s16 =	sshll.u32 s0, $0xA;
	s2 =	sadd.s32 s3, s2  }
0x8d: {  	s2 =	sadd.s32 s2, s16  }
0x8e: {  	[smem:$0x3FC2] =	sst s2  }
0x8f: {  	_ = 	snop  }
0x90: {  	(tm) =	ssettm $0x1  }
0x91: {  	s17 =	sld [smem:$0x3FFB];
	_ =	sdelay $0x3  }
0x92: {  	_ =	strace s17  }
0x93: {  	s2 =	sld [smem:$0x3FFC];
	_ =	sdelay $0x3  }
0x94: {  	_ =	strace s2  }
0x95: {  	s2 =	sld [smem:$0x3FFD];
	_ =	sdelay $0x3  }
0x96: {  	_ =	strace s2  }
0x97: {  	_ =	strace $0x8FFFFFFF  }
0x98: {  	s18 =	sld [smem:$0x3FDB];
	_ =	sdelay $0x1  }
0x99: {  	s19 =	simm.s32 $_scs_section_size  }
0x9a: {  	s4 =	simm.s32 $_size__tile_overlayer_lowered;
	s5 =	simm.s32 $_tile_overlayer_lowered  }
0x9b: {  	s22 =	simm.s32 $0x1BFF;
	s21 =	sshll.u32 s5, $0x1;
	s2 =	sadd.s32 s19, s18  }
0x9c: {  	s6 =	simm.s32 $0x0;
	s20 =	sshll.u32 s4, $0x1;
	s4 =	sadd.s32 s21, s2  }
0x9d: {  	[timem:s6], [sflag:s22] =	dma.local [hbm:s4], s20  }
0x9e: {  	_ =	swait.ge [sflag:s22], s20  }
0x9f: {  	s3 =	ssub.s32 $0x0, s20;
	[sflag:s22] =	ssyncset.done $0x0  }
0xa0: {  	[sflag:s22] =	ssyncadd.s32 s3;
	_ =	sdelay $0x1  }
0xa1: {  	s23 =	simm.s32 $0x1B8B  }
0xa2: {  	_ =	swait.ge [sflag:s23], $0x1  }
0xa3: {  	[sflag:s23] =	ssyncset.done $0x0  }
0xa4: {  	s25 =	simm.s32 $0x1B8E;
	s24 =	sld [smem:$0x3FFE];
	[sflag:s23] =	ssyncadd.s32 $0xFFFFFFFF  }
0xa5: {  	s26 =	simm.s32 $execute0_lowered;
	[smem:$0x3FD2] =	sst s25  }
0xa6: {  	s4 =	sshll.u32 s26, $0x1;
	_ =	strace $0x80000049;
	[dreg:$0x1] =	wrdreg $0xFFFFFFFF  }
0xa7: {  	s28 =	simm.s32 $_size_execute0_lowered;
	s2 =	sadd.s32 s2, s4;
	[dreg:$0x0] =	wrdreg $0x0  }
0xa8: {  	s4 =	sshll.u32 s28, $0x1;
	[dreg:$0x2] =	wrdreg s2  }
0xa9: {  	[dreg:$0x3] =	wrdreg s4  }
0xaa: {  	[dreg:$0x4] =	wrdreg $0xC0  }
0xab: {  	_ =	task [dreg:s6], $0x5FFFF  }
0xac: {  	[dreg:$0x1] =	wrdreg $0xFFFFFFFF  }
0xad: {  	[dreg:$0x0] =	wrdreg $0x60  }
0xae: {  	[dreg:$0x2] =	wrdreg s24  }
0xaf: {  	[dreg:$0x3] =	wrdreg $0x9  }
0xb0: {  	_ =	task.clear_ibuf [dreg:s6], $0x4FFFF;
	_ =	strace $0x90000049  }
0xb1: {  	s29 =	simm.s32 $0x9;
	_ =	strace $0x8000004B  }
0xb2: {  	_ =	swait.ge [sflag:s29], $0x1  }
0xb3: {  	[sflag:s29] =	ssyncadd.s32 $0xFFFFFFFF  }
0xb4: {  	_ =	strace $0x9000004B  }
0xb5: {  	_ =	sfence  }
0xb6: {  	s30 =	sld [smem:$0x0];
	_ =	sdelay $0x2  }
0xb7: {  	s31 =	sshll.u32 s1, $0xD;
	s1 =	sshrl.u32 s1, $0x2  }
0xb8: {  	s3 =	sand.u32 $0x4000, s31;
	s1 =	sadd.s32 s1, s30  }
0xb9: {  	s0 =	sor.u32 s3, s0;
	s1 =	sshll.u32 s1, $0x11  }
0xba: {  	s0 =	sor.u32 s1, s0  }
0xbb: {  	s0 =	sadd.s32 $0x8F2B, s0  }
0xbc: {  	[sflag:s0] =	ssyncadd.remote.s32 $0x1  }
0xbd: {  	_ =	sfence.sel $0xFFFF  }
0xbe: {  	[dreg:$0x0] =	wrdreg $0xFFFFFFFF;
	(pc) =	sbr.abs _section_cstart, $3  }
0xbf: {  	[dreg:$0x1] =	wrdreg $0xFFFFFFFF  }
0xc0: {  	_ =	task.clear_ibuf [dreg:s6], $0x2FFFF;
	_ =	strace $0x9FFFFFFF  }
0xc1: {  	(tm) =	ssettm $0x7FFFFFFF  }
tec
execute0_lowered:
.L_overlay_start_1:
0x0: {  	(tag) =	ssettag $0x1  }
0x1: {  	s0 =	srdreg.scid  }
0x2: {  	s2 =	stileid.u32;
	s5 =	rddreg [dreg:$0x0]  }
0x3: {  	s26 =	simm.s32 $0x80;
	s9 =	simm.s32 $0x2;
	s12 =	simm.s32 $0x1900  }
0x4: {  	s13 =	simm.s32 $0x2100;
	s14 =	simm.s32 $0x2900;
	s15 =	simm.s32 $0x3100  }
0x5: {  	s16 =	simm.s32 $0x3900;
	s17 =	simm.s32 $0x4100;
	s18 =	simm.s32 $0x4900  }
0x6: {  	s19 =	simm.s32 $0x5100;
	s20 =	simm.s32 $0x5900;
	s21 =	simm.s32 $0x6100  }
0x7: {  	s22 =	simm.s32 $0x6900;
	s23 =	simm.s32 $0x7100;
	s24 =	simm.s32 $0x7900  }
0x8: {  	s28 =	simm.s32 $0x9100;
	s29 =	simm.s32 $0x9900;
	s30 =	simm.s32 $0xA100  }
0x9: {  	s31 =	simm.s32 $0xA900;
	s8 =	simm.s32 $0xB900;
	s0 =	sand.u32 $0x1, s0  }
0xa: {  	s2 =	sshll.u32 s2, $0x3;
	s1 =	sshll.u32 s0, $0x7;
	s0 =	ssub.s32 $0x2, s0  }
0xb: {  	s1 =	sor.u32 s2, s1;
	s2 =	simm.s32 $0x0;
	s7 =	sshrl.u32 s0, $0x1  }
0xc: {  	s3 =	smul.u32 $0x300, s1;
	[smem:$0x7FF] =	sst s2;
	s1 =	sadd.s32 s1, s5  }
0xd: {  	s0 =	ssub.s32 s0, s7;
	s7 =	simm.s32 $0x3;
	_ =	strace $0x8000004A  }
0xe: {  	s6 =	sadd.s32 $0x31C00, s1;
	s1 =	sadd.s32 $0x31800, s1;
	[dreg:$0x5] =	wrdreg s26  }
0xf: {  	s26 =	simm.s32 $0x8900;
	s4 =	sadd.s32 s3, s5;
	[dreg:$0x2] =	wrdreg s6  }
0x10: {  	v2 =	vlaneseq.u32;
	s3 =	sadd.s32 $0x31E00, s5;
	[dreg:$0x3] =	wrdreg s1;
	s6 =	smax.u32 s0, $0x1  }
0x11: {  	vm0 =	vmmov $0xffff;
	v1 =	vshrl.u32 v2, $0x3;
	s1 =	simm.s32 $0xB100;
	s25 =	sadd.s32 $0x1800, s4;
	s4 =	sadd.s32 $0x31F00, s5  }
0x12: {  	v0 =	vand.u32 $0x7, v2;
	v2 =	vor.u32 $0x8, v2;
	v1 =	vmul.u32 $0x8, v1;
	s5 =	sadd.s32 $0x32000, s5;
	[dreg:$0x4] =	wrdreg s25;
	s25 =	simm.s32 $0x8100  }
.LBB2_1:
0x13: {  	s10 =	rddreg [dreg:$0x2]  }
0x14: {  	[tilespmem:s2], [sflag:$0x3] =	stream.linear.gather [hbm4b:s10+s2], $0x40, $0x38;
	[tilespmem:$0xC100] =	vst v63  }
0x15: {  	_ =	swait.ge [sflag:s7], $0x40  }
0x16: {  	s0 =	rddreg [dreg:$0x3];
	[sflag:s7] =	ssyncset.done $0x0  }
0x17: {  	s11 =	rddreg [dreg:$0x5];
	[sflag:s7] =	ssyncadd.s32 $0xFFFFFFC0  }
0x18: {  	[tilespmem:s11], [sflag:$0x3] =	stream.linear.gather [hbm4b:s0+s2], $0x40, $0x38;
	[tilespmem:$0xC100] =	vst v63  }
0x19: {  	_ =	swait.ge [sflag:s7], $0x40  }
0x1a: {  	[sflag:s7] =	ssyncset.done $0x0  }
0x1b: {  	s0 =	simm.s32 $0x100;
	s11 =	rddreg [dreg:$0x4];
	[sflag:s7] =	ssyncadd.s32 $0xFFFFFFC0  }
0x1c: {  	[tilespmem:s0], [sflag:$0x3] =	stream.linear.gather [hbm4b:s11+s2], $0xC000, $0x38;
	[tilespmem:$0xC100] =	vst v63  }
0x1d: {  	_ =	swait.ge [sflag:s7], $0xC000  }
0x1e: {  	[sflag:s7] =	ssyncset.done $0x0  }
0x1f: {  	[sflag:s7] =	ssyncadd.s32 $0xFFFF4000  }
0x20: {  	v3 =	vld [tilespmem:$0x0];
	_ =	sdelay $0x4  }
0x21: {  	v4 =	vshrl.u32 v3, $0x3  }
0x22: {  	v4 =	vmul.u32 $0x30, v4  }
0x23: {  	v3 =	vand.u32 $0x7, v3  }
0x24: {  	v3 =	vor.u32 v3, v4  }
0x25: {  	v4 =	vperm.xlane v3, v0;
	_ =	sdelay $0x1  }
0x26: {  	v4 =	vadd.s32 v1, v4;
	_ =	sdelay $0x3  }
0x27: {  	v3 =	vperm.xlane v3, v2  }
0x28: {  	[hbm4b:s3+s2] =	stream.indirect_vreg.scatter [tilespmem:s0], [sflag:$0x1], $0x80, v4, vm0, $0xb8;
	[tilespmem:$0xC100] =	vst v63  }
0x29: {  	s10 =	simm.s32 $0x900;
	v3 =	vadd.s32 v1, v3  }
0x2a: {  	[hbm4b:s4+s2] =	stream.indirect_vreg.scatter [tilespmem:s10], [sflag:$0x1], $0x80, v4, vm0, $0xb8;
	[tilespmem:$0xC100] =	vst v63  }
0x2b: {  	s11 =	simm.s32 $0x1100  }
0x2c: {  	[hbm4b:s5+s2] =	stream.indirect_vreg.scatter [tilespmem:s11], [sflag:$0x1], $0x80, v4, vm0, $0xb8;
	[tilespmem:$0xC100] =	vst v63  }
0x2d: {  	_ = 	snop  }
0x2e: {  	[hbm4b:s3+s2] =	stream.indirect_vreg.scatter [tilespmem:s12], [sflag:$0x1], $0x80, v3, vm0, $0xb8;
	[tilespmem:$0xC100] =	vst v63  }
0x2f: {  	_ = 	snop  }
0x30: {  	[hbm4b:s4+s2] =	stream.indirect_vreg.scatter [tilespmem:s13], [sflag:$0x1], $0x80, v3, vm0, $0xb8;
	[tilespmem:$0xC100] =	vst v63  }
0x31: {  	_ = 	snop  }
0x32: {  	[hbm4b:s5+s2] =	stream.indirect_vreg.scatter [tilespmem:s14], [sflag:$0x1], $0x80, v3, vm0, $0xb8;
	[tilespmem:$0xC100] =	vst v63  }
0x33: {  	v3 =	vld [tilespmem:$0x10];
	_ =	sdelay $0x4  }
0x34: {  	v57 =	vshrl.u32 v3, $0x3  }
0x35: {  	v4 =	vmul.u32 $0x30, v57  }
0x36: {  	v3 =	vand.u32 $0x7, v3  }
0x37: {  	v3 =	vor.u32 v3, v4  }
0x38: {  	v4 =	vperm.xlane v3, v0;
	_ =	sdelay $0x1  }
0x39: {  	v4 =	vadd.s32 v1, v4;
	_ =	sdelay $0x3  }
0x3a: {  	v3 =	vperm.xlane v3, v2  }
0x3b: {  	[hbm4b:s3+s2] =	stream.indirect_vreg.scatter [tilespmem:s15], [sflag:$0x1], $0x80, v4, vm0, $0xb8;
	[tilespmem:$0xC100] =	vst v63  }
0x3c: {  	v3 =	vadd.s32 v1, v3  }
0x3d: {  	[hbm4b:s4+s2] =	stream.indirect_vreg.scatter [tilespmem:s16], [sflag:$0x1], $0x80, v4, vm0, $0xb8;
	[tilespmem:$0xC100] =	vst v63  }
0x3e: {  	_ = 	snop  }
0x3f: {  	[hbm4b:s5+s2] =	stream.indirect_vreg.scatter [tilespmem:s17], [sflag:$0x1], $0x80, v4, vm0, $0xb8;
	[tilespmem:$0xC100] =	vst v63  }
0x40: {  	_ = 	snop  }
0x41: {  	[hbm4b:s3+s2] =	stream.indirect_vreg.scatter [tilespmem:s18], [sflag:$0x1], $0x80, v3, vm0, $0xb8;
	[tilespmem:$0xC100] =	vst v63  }
0x42: {  	_ = 	snop  }
0x43: {  	[hbm4b:s4+s2] =	stream.indirect_vreg.scatter [tilespmem:s19], [sflag:$0x1], $0x80, v3, vm0, $0xb8;
	[tilespmem:$0xC100] =	vst v63  }
0x44: {  	_ = 	snop  }
0x45: {  	[hbm4b:s5+s2] =	stream.indirect_vreg.scatter [tilespmem:s20], [sflag:$0x1], $0x80, v3, vm0, $0xb8;
	[tilespmem:$0xC100] =	vst v63  }
0x46: {  	v3 =	vld [tilespmem:$0x20];
	_ =	sdelay $0x4  }
0x47: {  	v58 =	vshrl.u32 v3, $0x3  }
0x48: {  	v4 =	vmul.u32 $0x30, v58  }
0x49: {  	v3 =	vand.u32 $0x7, v3  }
0x4a: {  	v3 =	vor.u32 v3, v4  }
0x4b: {  	v4 =	vperm.xlane v3, v0;
	_ =	sdelay $0x1  }
0x4c: {  	v4 =	vadd.s32 v1, v4;
	_ =	sdelay $0x3  }
0x4d: {  	v3 =	vperm.xlane v3, v2  }
0x4e: {  	[hbm4b:s3+s2] =	stream.indirect_vreg.scatter [tilespmem:s21], [sflag:$0x1], $0x80, v4, vm0, $0xb8;
	[tilespmem:$0xC100] =	vst v63  }
0x4f: {  	v3 =	vadd.s32 v1, v3  }
0x50: {  	[hbm4b:s4+s2] =	stream.indirect_vreg.scatter [tilespmem:s22], [sflag:$0x1], $0x80, v4, vm0, $0xb8;
	[tilespmem:$0xC100] =	vst v63  }
0x51: {  	_ = 	snop  }
0x52: {  	[hbm4b:s5+s2] =	stream.indirect_vreg.scatter [tilespmem:s23], [sflag:$0x1], $0x80, v4, vm0, $0xb8;
	[tilespmem:$0xC100] =	vst v63  }
0x53: {  	_ = 	snop  }
0x54: {  	[hbm4b:s3+s2] =	stream.indirect_vreg.scatter [tilespmem:s24], [sflag:$0x1], $0x80, v3, vm0, $0xb8;
	[tilespmem:$0xC100] =	vst v63  }
0x55: {  	_ = 	snop  }
0x56: {  	[hbm4b:s4+s2] =	stream.indirect_vreg.scatter [tilespmem:s25], [sflag:$0x1], $0x80, v3, vm0, $0xb8;
	[tilespmem:$0xC100] =	vst v63  }
0x57: {  	_ = 	snop  }
0x58: {  	[hbm4b:s5+s2] =	stream.indirect_vreg.scatter [tilespmem:s26], [sflag:$0x1], $0x80, v3, vm0, $0xb8;
	[tilespmem:$0xC100] =	vst v63  }
0x59: {  	v3 =	vld [tilespmem:$0x30];
	_ =	sdelay $0x4  }
0x5a: {  	v59 =	vshrl.u32 v3, $0x3  }
0x5b: {  	v4 =	vmul.u32 $0x30, v59  }
0x5c: {  	v3 =	vand.u32 $0x7, v3  }
0x5d: {  	v3 =	vor.u32 v3, v4  }
0x5e: {  	v4 =	vperm.xlane v3, v0;
	_ =	sdelay $0x1  }
0x5f: {  	v4 =	vadd.s32 v1, v4;
	_ =	sdelay $0x3  }
0x60: {  	v3 =	vperm.xlane v3, v2  }
0x61: {  	[hbm4b:s3+s2] =	stream.indirect_vreg.scatter [tilespmem:s28], [sflag:$0x1], $0x80, v4, vm0, $0xb8;
	[tilespmem:$0xC100] =	vst v63  }
0x62: {  	v3 =	vadd.s32 v1, v3  }
0x63: {  	[hbm4b:s4+s2] =	stream.indirect_vreg.scatter [tilespmem:s29], [sflag:$0x1], $0x80, v4, vm0, $0xb8;
	[tilespmem:$0xC100] =	vst v63  }
0x64: {  	_ = 	snop  }
0x65: {  	[hbm4b:s5+s2] =	stream.indirect_vreg.scatter [tilespmem:s30], [sflag:$0x1], $0x80, v4, vm0, $0xb8;
	[tilespmem:$0xC100] =	vst v63  }
0x66: {  	_ = 	snop  }
0x67: {  	[hbm4b:s3+s2] =	stream.indirect_vreg.scatter [tilespmem:s31], [sflag:$0x1], $0x80, v3, vm0, $0xb8;
	[tilespmem:$0xC100] =	vst v63  }
0x68: {  	_ = 	snop  }
0x69: {  	[hbm4b:s4+s2] =	stream.indirect_vreg.scatter [tilespmem:s1], [sflag:$0x1], $0x80, v3, vm0, $0xb8;
	[tilespmem:$0xC100] =	vst v63  }
0x6a: {  	_ = 	snop  }
0x6b: {  	[hbm4b:s5+s2] =	stream.indirect_vreg.scatter [tilespmem:s8], [sflag:$0x1], $0x80, v3, vm0, $0xb8;
	[tilespmem:$0xC100] =	vst v63  }
0x6c: {  	v3 =	vld [tilespmem:$0x80];
	_ =	sdelay $0x4  }
0x6d: {  	v60 =	vshrl.u32 v3, $0x3  }
0x6e: {  	v4 =	vmul.u32 $0x30, v60  }
0x6f: {  	v3 =	vand.u32 $0x7, v3  }
0x70: {  	v3 =	vor.u32 v3, v4  }
0x71: {  	v4 =	vperm.xlane v3, v0;
	_ =	sdelay $0x1  }
0x72: {  	v4 =	vadd.s32 v1, v4;
	_ =	sdelay $0x3  }
0x73: {  	v3 =	vperm.xlane v3, v2  }
0x74: {  	[hbm4b:s3+s2] =	stream.indirect_vreg.scatter [tilespmem:s0], [sflag:$0x2], $0x80, v4, vm0, $0xb8;
	[tilespmem:$0xC100] =	vst v63  }
0x75: {  	v3 =	vadd.s32 v1, v3  }
0x76: {  	[hbm4b:s4+s2] =	stream.indirect_vreg.scatter [tilespmem:s10], [sflag:$0x2], $0x80, v4, vm0, $0xb8;
	[tilespmem:$0xC100] =	vst v63  }
0x77: {  	_ = 	snop  }
0x78: {  	[hbm4b:s5+s2] =	stream.indirect_vreg.scatter [tilespmem:s11], [sflag:$0x2], $0x80, v4, vm0, $0xb8;
	[tilespmem:$0xC100] =	vst v63  }
0x79: {  	_ = 	snop  }
0x7a: {  	[hbm4b:s3+s2] =	stream.indirect_vreg.scatter [tilespmem:s12], [sflag:$0x2], $0x80, v3, vm0, $0xb8;
	[tilespmem:$0xC100] =	vst v63  }
0x7b: {  	_ = 	snop  }
0x7c: {  	[hbm4b:s4+s2] =	stream.indirect_vreg.scatter [tilespmem:s13], [sflag:$0x2], $0x80, v3, vm0, $0xb8;
	[tilespmem:$0xC100] =	vst v63  }
0x7d: {  	_ = 	snop  }
0x7e: {  	[hbm4b:s5+s2] =	stream.indirect_vreg.scatter [tilespmem:s14], [sflag:$0x2], $0x80, v3, vm0, $0xb8;
	[tilespmem:$0xC100] =	vst v63  }
0x7f: {  	v3 =	vld [tilespmem:$0x90];
	_ =	sdelay $0x4  }
0x80: {  	v61 =	vshrl.u32 v3, $0x3  }
0x81: {  	v4 =	vmul.u32 $0x30, v61  }
0x82: {  	v3 =	vand.u32 $0x7, v3  }
0x83: {  	v3 =	vor.u32 v3, v4  }
0x84: {  	v4 =	vperm.xlane v3, v0;
	_ =	sdelay $0x1  }
0x85: {  	v4 =	vadd.s32 v1, v4;
	_ =	sdelay $0x3  }
0x86: {  	v3 =	vperm.xlane v3, v2  }
0x87: {  	[hbm4b:s3+s2] =	stream.indirect_vreg.scatter [tilespmem:s15], [sflag:$0x2], $0x80, v4, vm0, $0xb8;
	[tilespmem:$0xC100] =	vst v63  }
0x88: {  	v3 =	vadd.s32 v1, v3  }
0x89: {  	[hbm4b:s4+s2] =	stream.indirect_vreg.scatter [tilespmem:s16], [sflag:$0x2], $0x80, v4, vm0, $0xb8;
	[tilespmem:$0xC100] =	vst v63  }
0x8a: {  	_ = 	snop  }
0x8b: {  	[hbm4b:s5+s2] =	stream.indirect_vreg.scatter [tilespmem:s17], [sflag:$0x2], $0x80, v4, vm0, $0xb8;
	[tilespmem:$0xC100] =	vst v63  }
0x8c: {  	_ = 	snop  }
0x8d: {  	[hbm4b:s3+s2] =	stream.indirect_vreg.scatter [tilespmem:s18], [sflag:$0x2], $0x80, v3, vm0, $0xb8;
	[tilespmem:$0xC100] =	vst v63  }
0x8e: {  	_ = 	snop  }
0x8f: {  	[hbm4b:s4+s2] =	stream.indirect_vreg.scatter [tilespmem:s19], [sflag:$0x2], $0x80, v3, vm0, $0xb8;
	[tilespmem:$0xC100] =	vst v63  }
0x90: {  	_ = 	snop  }
0x91: {  	[hbm4b:s5+s2] =	stream.indirect_vreg.scatter [tilespmem:s20], [sflag:$0x2], $0x80, v3, vm0, $0xb8;
	[tilespmem:$0xC100] =	vst v63  }
0x92: {  	v3 =	vld [tilespmem:$0xA0];
	_ =	sdelay $0x4  }
0x93: {  	v62 =	vshrl.u32 v3, $0x3  }
0x94: {  	v4 =	vmul.u32 $0x30, v62  }
0x95: {  	v3 =	vand.u32 $0x7, v3  }
0x96: {  	v3 =	vor.u32 v3, v4  }
0x97: {  	v4 =	vperm.xlane v3, v0;
	_ =	sdelay $0x1  }
0x98: {  	v4 =	vadd.s32 v1, v4;
	_ =	sdelay $0x3  }
0x99: {  	v3 =	vperm.xlane v3, v2  }
0x9a: {  	[hbm4b:s3+s2] =	stream.indirect_vreg.scatter [tilespmem:s21], [sflag:$0x2], $0x80, v4, vm0, $0xb8;
	[tilespmem:$0xC100] =	vst v63  }
0x9b: {  	v3 =	vadd.s32 v1, v3  }
0x9c: {  	[hbm4b:s4+s2] =	stream.indirect_vreg.scatter [tilespmem:s22], [sflag:$0x2], $0x80, v4, vm0, $0xb8;
	[tilespmem:$0xC100] =	vst v63  }
0x9d: {  	_ = 	snop  }
0x9e: {  	[hbm4b:s5+s2] =	stream.indirect_vreg.scatter [tilespmem:s23], [sflag:$0x2], $0x80, v4, vm0, $0xb8;
	[tilespmem:$0xC100] =	vst v63  }
0x9f: {  	_ = 	snop  }
0xa0: {  	[hbm4b:s3+s2] =	stream.indirect_vreg.scatter [tilespmem:s24], [sflag:$0x2], $0x80, v3, vm0, $0xb8;
	[tilespmem:$0xC100] =	vst v63  }
0xa1: {  	_ = 	snop  }
0xa2: {  	[hbm4b:s4+s2] =	stream.indirect_vreg.scatter [tilespmem:s25], [sflag:$0x2], $0x80, v3, vm0, $0xb8;
	[tilespmem:$0xC100] =	vst v63  }
0xa3: {  	_ = 	snop  }
0xa4: {  	[hbm4b:s5+s2] =	stream.indirect_vreg.scatter [tilespmem:s26], [sflag:$0x2], $0x80, v3, vm0, $0xb8;
	[tilespmem:$0xC100] =	vst v63  }
0xa5: {  	v3 =	vld [tilespmem:$0xB0];
	_ =	sdelay $0x4  }
0xa6: {  	v63 =	vshrl.u32 v3, $0x3  }
0xa7: {  	v4 =	vmul.u32 $0x30, v63  }
0xa8: {  	v3 =	vand.u32 $0x7, v3  }
0xa9: {  	v3 =	vor.u32 v3, v4  }
0xaa: {  	v4 =	vperm.xlane v3, v0;
	_ =	sdelay $0x1  }
0xab: {  	v4 =	vadd.s32 v1, v4;
	_ =	sdelay $0x3  }
0xac: {  	v3 =	vperm.xlane v3, v2  }
0xad: {  	[hbm4b:s3+s2] =	stream.indirect_vreg.scatter [tilespmem:s28], [sflag:$0x2], $0x80, v4, vm0, $0xb8;
	[tilespmem:$0xC100] =	vst v63  }
0xae: {  	v3 =	vadd.s32 v1, v3  }
0xaf: {  	[hbm4b:s4+s2] =	stream.indirect_vreg.scatter [tilespmem:s29], [sflag:$0x2], $0x80, v4, vm0, $0xb8;
	[tilespmem:$0xC100] =	vst v63  }
0xb0: {  	_ = 	snop  }
0xb1: {  	[hbm4b:s5+s2] =	stream.indirect_vreg.scatter [tilespmem:s30], [sflag:$0x2], $0x80, v4, vm0, $0xb8;
	[tilespmem:$0xC100] =	vst v63  }
0xb2: {  	_ = 	snop  }
0xb3: {  	[hbm4b:s3+s2] =	stream.indirect_vreg.scatter [tilespmem:s31], [sflag:$0x2], $0x80, v3, vm0, $0xb8;
	[tilespmem:$0xC100] =	vst v63  }
0xb4: {  	_ = 	snop  }
0xb5: {  	[hbm4b:s4+s2] =	stream.indirect_vreg.scatter [tilespmem:s1], [sflag:$0x2], $0x80, v3, vm0, $0xb8;
	[tilespmem:$0xC100] =	vst v63  }
0xb6: {  	s11 =	simm.s32 $0x1  }
0xb7: {  	[hbm4b:s5+s2] =	stream.indirect_vreg.scatter [tilespmem:s8], [sflag:$0x2], $0x80, v3, vm0, $0xb8;
	[tilespmem:$0xC100] =	vst v63  }
0xb8: {  	p0 =	sne.s32 s6, $0x1;
	_ =	swait.ge [sflag:s11], $0xC000  }
.Ltmp0:
0xb9: {  	[sflag:s11] =	ssyncset.done $0x0;
	(pc) =	sbr.rel @p0 .LBB2_1-.Ltmp0, $4  }
0xba: {  	[sflag:s11] =	ssyncadd.s32 $0xFFFF4000  }
0xbb: {  	_ =	swait.ge [sflag:s9], $0xC000  }
0xbc: {  	[sflag:s9] =	ssyncset.done $0x0  }
0xbd: {  	s6 =	sadd.s32 $0xFFFFFFFF, s6;
	[sflag:s9] =	ssyncadd.s32 $0xFFFF4000  }
0xbe: {  	_ =	sfence.sel $0x180000  }
0xbf: {  	[bflag:$0x0] =	sbarrier.arrive $0xFFFF  }
0xc0: {  	_ =	strace $0x9000004A  }
0xc1: {  	s0 =	stileid.u32;
	[bflag:$0x2] =	sbarrier.arrive $0xFFFF  }
0xc2: {  	p0 =	sne.s32 s0, $0x0;
	s0 =	rddreg [dreg:$0x1]  }
0xc3: {  	s0 =	sadd.s32 @!p0 $0x100000, s0  }
0xc4: {  	[sflag:s0] =	ssyncadd.tile.s32 @!p0 $0x1;
	_ =	shalt  }
.Lfunc_end2:
_tile_overlayer_lowered:
.L_overlay_start_2:
0xc5: {  	(tag) =	ssettag $0x2  }
0xc6: {  	s0 =	rddreg [dreg:$0x0];
	s2 =	stileid.u32  }
0xc7: {  	s1 =	rddreg [dreg:$0x1];
	p0 =	sne.s32 s2, $0x0  }
0xc8: {  	s3 =	rddreg [dreg:$0x2];
	[bflag:$0x3] =	sbarrier.arrive $0xFFFF;
	s2 =	simm.s32 @!p0 $0x1C03  }
0xc9: {  	[timem:s3], [sflag:s2] =	dma.local @!p0 [hbm:s0], s1  }
0xca: {  	s0 =	simm.s32 @!p0 $0x3  }
0xcb: {  	_ =	swait.ge @!p0 [sflag:s0], s1  }
0xcc: {  	s1 =	ssub.s32 @!p0 $0x0, s1;
	[sflag:s0] =	ssyncset.done @!p0 $0x0  }
0xcd: {  	[sflag:s0] =	ssyncadd.s32 @!p0 s1  }
0xce: {  	[bflag:$0x3] =	sbarrier.arrive $0xFFFF  }
0xcf: {  	_ =	shalt  }

// kernel: kernel.9.cloned.1.call-start
scs
__scs_entry_jumppad:
0x0: {  	(pc) =	sbr.rel $0x88, $3  }
0x1: {  	(tag) =	ssettag $0x0;
	lr =	simm.s32 $0x1  }
0x2: {  	[smem:$0x3F9B] =	sst lr;
	_ =	strace $0xD0000000  }
0x3: {  	_ = 	snop  }
0x4: {  	_ = 	snop  }
0x5: {  	_ = 	snop  }
0x6: {  	_ = 	snop  }
0x7: {  	_ = 	snop  }
__scs_overlays_trampoline_lowered:
0x8: {  	[smem:$0x3FAA] =	sst s0  }
0x9: {  	[smem:$0x3FAB] =	sst s1  }
0xa: {  	[smem:$0x3FAC] =	sst s2  }
0xb: {  	[smem:$0x3FAD] =	sst s3  }
0xc: {  	[smem:$0x3FAE] =	sst s4  }
0xd: {  	[smem:$0x3FAF] =	sst s5  }
0xe: {  	[smem:$0x3FB0] =	sst s6  }
0xf: {  	[smem:$0x3FB1] =	sst s7  }
0x10: {  	[smem:$0x3FB2] =	sst s8  }
0x11: {  	[smem:$0x3FB3] =	sst s9;
	s0 =	simm.s32 @!p0 $0x0  }
0x12: {  	s1 =	sld [smem:$0x3F99];
	s0 =	simm.s32 @p0 $0x1  }
0x13: {  	[smem:$0x3FB4] =	sst s0;
	s0 =	simm.s32 @!p1 $0x0  }
0x14: {  	s2 =	sld [smem:$0x3F98];
	s0 =	simm.s32 @p1 $0x1  }
0x15: {  	[smem:$0x3FB5] =	sst s0;
	s0 =	simm.s32 @!p2 $0x0  }
0x16: {  	s3 =	sld [smem:$0x3FDB];
	s0 =	simm.s32 @p2 $0x1  }
0x17: {  	s4 =	simm.s32 $0x1BF5;
	[smem:$0x3FB7] =	sst s0  }
0x18: {  	s0 =	sld [smem:$0x3F9A];
	_ =	swait.ge [sflag:s4], $0x0  }
0x19: {  	s7 =	sld [smem:$0x3F9B]  }
0x1a: {  	s8 =	sadd.s32 $0xFFFFE003, lr  }
0x1b: {  	s9 =	sadd.s32 $0xFFFFFEF7, lr;
	s5 =	simm.s32 $0xFFFFFFFF;
	p2 =	slt.u32 s8, $0xFFFFF086  }
0x1c: {  	p1 =	slt.u32 s9, $0xF7A;
	s5 =	simm.s32 @!p2 $0x0  }
0x1d: {  	s5 =	simm.s32 @p1 $0x1;
	p0 =	seq.s32 s7, s2  }
0x1e: {  	s7 =	smul.u32 @!p0 $0xF7A, s2;
	p2 =	seq.s32 @!p0 s5, $0x0  }
0x1f: {  	s9 =	smul.u32 $0xF7A, s1;
	s8 =	simm.s32 @!p0 $0x1BF5;
	p2 =	por !p2, p0  }
0x20: {  	[sflag:s8] =	ssyncset.s32 @!p0 $0xFFFFF086;
	s6 =	sadd.s32 @!p0 s3, s7;
	s7 =	simm.s32 @!p0 $0x108  }
0x21: {  	s3 =	sadd.s32 s3, s9;
	s6 =	sadd.s32 @!p0 $0x88, s6;
	s7 =	simm.s32 @p2 $0x1082  }
0x22: {  	[simem:s7], [sflag:s8] =	dma.local @!p0 [hbm:s6], $0xF7A  }
0x23: {  	s9 =	sor.u32 $0xD0000000, s2;
	s6 =	simm.s32 $0x108;
	_ =	swait.ge @!p0 [sflag:s8], $0x0  }
0x24: {  	s3 =	sadd.s32 $0x88, s3;
	s6 =	simm.s32 @!p1 $0x1082;
	[sflag:s4] =	ssyncset.s32 $0xFFFFF086  }
0x25: {  	[simem:s6], [sflag:s4] =	dma.local [hbm:s3], $0xF7A  }
0x26: {  	[smem:$0x3F9B] =	sst s1;
	(tag) =	ssettag s2;
	_ =	strace s9  }
0x27: {  	s1 =	sld [smem:$0x3FAB]  }
0x28: {  	s2 =	sld [smem:$0x3FAC]  }
0x29: {  	s4 =	sld [smem:$0x3FAE]  }
0x2a: {  	p0 =	seq.s32 s5, $0x0;
	s5 =	sld [smem:$0x3FAF]  }
0x2b: {  	s6 =	sld [smem:$0x3FB0]  }
0x2c: {  	s7 =	sld [smem:$0x3FB1]  }
0x2d: {  	s3 =	simm.s32 $0x108;
	s8 =	sld [smem:$0x3FB2]  }
0x2e: {  	s3 =	simm.s32 @!p0 $0x1082;
	s9 =	sld [smem:$0x3FB3]  }
0x2f: {  	lr =	sadd.s32 s0, s3;
	s0 =	sld [smem:$0x3FAA]  }
0x30: {  	s3 =	sld [smem:$0x3FAD]  }
0x31: {  	[smem:$0x3FB6] =	sst s10  }
0x32: {  	s10 =	sld [smem:$0x3FB4];
	_ =	sdelay $0x3  }
0x33: {  	p0 =	seq.s32 s10, $0x1;
	s10 =	sld [smem:$0x3FB6];
	_ =	sdelay $0x3  }
0x34: {  	[smem:$0x3FB6] =	sst s10  }
0x35: {  	s10 =	sld [smem:$0x3FB5];
	_ =	sdelay $0x3  }
0x36: {  	p1 =	seq.s32 s10, $0x1;
	s10 =	sld [smem:$0x3FB6];
	_ =	sdelay $0x3  }
0x37: {  	[smem:$0x3FB6] =	sst s10  }
0x38: {  	s10 =	sld [smem:$0x3FB7]  }
0x39: {  	_ = 	snop;
	(pc) =	sbr.ind lr, $3  }
0x3a: {  	_ = 	snop  }
0x3b: {  	_ = 	snop  }
0x3c: {  	p2 =	seq.s32 s10, $0x1;
	s10 =	sld [smem:$0x3FB6]  }
0x3d: {  	_ =	shalt  }
0x3e: {  	_ =	shalt  }
0x3f: {  	_ =	shalt  }
0x40: {  	_ =	shalt  }
0x41: {  	_ =	shalt  }
0x42: {  	_ =	shalt  }
0x43: {  	_ =	shalt  }
0x44: {  	_ =	shalt  }
0x45: {  	_ =	shalt  }
0x46: {  	_ =	shalt  }
0x47: {  	_ =	shalt  }
0x48: {  	_ =	shalt  }
0x49: {  	_ =	shalt  }
0x4a: {  	_ =	shalt  }
0x4b: {  	_ =	shalt  }
0x4c: {  	_ =	shalt  }
0x4d: {  	_ =	shalt  }
0x4e: {  	_ =	shalt  }
0x4f: {  	_ =	shalt  }
0x50: {  	_ =	shalt  }
0x51: {  	_ =	shalt  }
0x52: {  	_ =	shalt  }
0x53: {  	_ =	shalt  }
0x54: {  	_ =	shalt  }
0x55: {  	_ =	shalt  }
0x56: {  	_ =	shalt  }
0x57: {  	_ =	shalt  }
0x58: {  	_ =	shalt  }
0x59: {  	_ =	shalt  }
0x5a: {  	_ =	shalt  }
0x5b: {  	_ =	shalt  }
0x5c: {  	_ =	shalt  }
0x5d: {  	_ =	shalt  }
0x5e: {  	_ =	shalt  }
0x5f: {  	_ =	shalt  }
0x60: {  	_ =	shalt  }
0x61: {  	_ =	shalt  }
0x62: {  	_ =	shalt  }
0x63: {  	_ =	shalt  }
0x64: {  	_ =	shalt  }
0x65: {  	_ =	shalt  }
0x66: {  	_ =	shalt  }
0x67: {  	_ =	shalt  }
0x68: {  	_ =	shalt  }
0x69: {  	_ =	shalt  }
0x6a: {  	_ =	shalt  }
0x6b: {  	_ =	shalt  }
0x6c: {  	_ =	shalt  }
0x6d: {  	_ =	shalt  }
0x6e: {  	_ =	shalt  }
0x6f: {  	_ =	shalt  }
0x70: {  	_ =	shalt  }
0x71: {  	_ =	shalt  }
0x72: {  	_ =	shalt  }
0x73: {  	_ =	shalt  }
0x74: {  	_ =	shalt  }
0x75: {  	_ =	shalt  }
0x76: {  	_ =	shalt  }
0x77: {  	_ =	shalt  }
0x78: {  	_ =	shalt  }
0x79: {  	_ =	shalt  }
0x7a: {  	_ =	shalt  }
0x7b: {  	_ =	shalt  }
0x7c: {  	_ =	shalt  }
0x7d: {  	_ =	shalt  }
0x7e: {  	_ =	shalt  }
0x7f: {  	_ =	shalt  }
0x80: {  	_ =	shalt  }
0x81: {  	_ =	shalt  }
0x82: {  	_ =	shalt  }
0x83: {  	_ =	shalt  }
0x84: {  	_ =	shalt  }
0x85: {  	_ =	shalt  }
0x86: {  	_ =	shalt  }
0x87: {  	_ =	shalt  }
.Lfunc_end0:
.L_simem_size_0:
called_computation.2_lowered:
.L_overlay_start_0:
0x88: {  	s2 =	sld [smem:$0x3FD9]  }
0x89: {  	s3 =	sld [smem:$0x3FFE];
	_ =	sdelay $0x1  }
0x8a: {  	s1 =	srdreg.scid  }
0x8b: {  	s0 =	sand.u32 $0x1, s1  }
0x8c: {  	s17 =	sshll.u32 s0, $0xA;
	s2 =	sadd.s32 s3, s2  }
0x8d: {  	s2 =	sadd.s32 s2, s17  }
0x8e: {  	[smem:$0x3FC2] =	sst s2  }
0x8f: {  	_ = 	snop  }
0x90: {  	s2 =	sld [smem:$0x3FD0];
	(tm) =	ssettm $0x1  }
0x91: {  	s18 =	sld [smem:$0x3FFB];
	_ =	sdelay $0x3  }
0x92: {  	_ =	strace s18  }
0x93: {  	s3 =	sld [smem:$0x3FFC];
	_ =	sdelay $0x3  }
0x94: {  	_ =	strace s3  }
0x95: {  	s3 =	sld [smem:$0x3FFD];
	_ =	sdelay $0x3  }
0x96: {  	_ =	strace s3  }
0x97: {  	_ =	strace $0x8FFFFFFF  }
0x98: {  	s19 =	sld [smem:$0x3FDB];
	_ =	sdelay $0x1  }
0x99: {  	s4 =	simm.s32 $_scs_section_size  }
0x9a: {  	s5 =	simm.s32 $_size__tile_overlayer_lowered;
	s6 =	simm.s32 $_tile_overlayer_lowered  }
0x9b: {  	s22 =	simm.s32 $0x1BFF;
	s21 =	sshll.u32 s6, $0x1;
	s3 =	sadd.s32 s4, s19  }
0x9c: {  	s7 =	simm.s32 $0x0;
	s20 =	sshll.u32 s5, $0x1;
	s5 =	sadd.s32 s21, s3  }
0x9d: {  	[timem:s7], [sflag:s22] =	dma.local [hbm:s5], s20  }
0x9e: {  	_ =	swait.ge [sflag:s22], s20  }
0x9f: {  	s4 =	ssub.s32 $0x0, s20;
	[sflag:s22] =	ssyncset.done $0x0  }
0xa0: {  	[sflag:s22] =	ssyncadd.s32 s4;
	_ =	sdelay $0x1  }
0xa1: {  	s23 =	simm.s32 $0x1B8B  }
0xa2: {  	_ =	swait.ge [sflag:s23], $0x1  }
0xa3: {  	[sflag:s23] =	ssyncset.done $0x0  }
0xa4: {  	s25 =	simm.s32 $0x1B8E;
	s24 =	sld [smem:$0x3FFE];
	[sflag:s23] =	ssyncadd.s32 $0xFFFFFFFF  }
0xa5: {  	s26 =	simm.s32 $execute0_lowered;
	[smem:$0x3FD2] =	sst s25  }
0xa6: {  	s5 =	sshll.u32 s26, $0x1;
	_ =	strace $0x8000004C;
	[dreg:$0x1] =	wrdreg $0xFFFFFFFF  }
0xa7: {  	s28 =	simm.s32 $_size_execute0_lowered;
	s3 =	sadd.s32 s3, s5;
	[dreg:$0x0] =	wrdreg $0x0  }
0xa8: {  	s5 =	sshll.u32 s28, $0x1;
	[dreg:$0x2] =	wrdreg s3  }
0xa9: {  	[dreg:$0x3] =	wrdreg s5  }
0xaa: {  	[dreg:$0x4] =	wrdreg $0xC0  }
0xab: {  	_ =	task [dreg:s7], $0x5FFFF  }
0xac: {  	[dreg:$0x1] =	wrdreg $0xFFFFFFFF  }
0xad: {  	[dreg:$0x0] =	wrdreg $0x60  }
0xae: {  	[dreg:$0x2] =	wrdreg s24  }
0xaf: {  	[dreg:$0x3] =	wrdreg s2  }
0xb0: {  	[dreg:$0x4] =	wrdreg $0x9  }
0xb1: {  	_ =	task.clear_ibuf [dreg:s7], $0x5FFFF;
	_ =	strace $0x9000004C  }
0xb2: {  	s29 =	simm.s32 $0x9;
	_ =	strace $0x8000004E  }
0xb3: {  	_ =	swait.ge [sflag:s29], $0x1  }
0xb4: {  	[sflag:s29] =	ssyncadd.s32 $0xFFFFFFFF  }
0xb5: {  	_ =	strace $0x9000004E  }
0xb6: {  	_ =	sfence  }
0xb7: {  	s30 =	sld [smem:$0x0];
	_ =	sdelay $0x2  }
0xb8: {  	s31 =	sshll.u32 s1, $0xD;
	s1 =	sshrl.u32 s1, $0x2  }
0xb9: {  	s3 =	sand.u32 $0x4000, s31;
	s1 =	sadd.s32 s1, s30  }
0xba: {  	s0 =	sor.u32 s3, s0;
	s1 =	sshll.u32 s1, $0x11  }
0xbb: {  	s0 =	sor.u32 s1, s0  }
0xbc: {  	s0 =	sadd.s32 $0x8F2B, s0  }
0xbd: {  	[sflag:s0] =	ssyncadd.remote.s32 $0x1  }
0xbe: {  	_ =	sfence.sel $0xFFFF  }
0xbf: {  	[dreg:$0x0] =	wrdreg $0xFFFFFFFF;
	(pc) =	sbr.abs _section_cstart, $3  }
0xc0: {  	[dreg:$0x1] =	wrdreg $0xFFFFFFFF  }
0xc1: {  	_ =	task.clear_ibuf [dreg:s7], $0x2FFFF;
	_ =	strace $0x9FFFFFFF  }
0xc2: {  	(tm) =	ssettm $0x7FFFFFFF  }
0xc3: {  	_ =	shalt  }
tec
execute0_lowered:
.L_overlay_start_1:
0x0: {  	(tag) =	ssettag $0x1  }
0x1: {  	s0 =	rddreg [dreg:$0x0]  }
0x2: {  	s1 =	simm.s32 $0x0;
	s24 =	srdreg.scid;
	s8 =	stileid.u32  }
0x3: {  	s12 =	simm.s32 $0x2;
	s23 =	simm.s32 $0xB100;
	s28 =	simm.s32 $0xC900  }
0x4: {  	s29 =	simm.s32 $0xD100;
	s30 =	simm.s32 $0xD900;
	s31 =	simm.s32 $0xE100  }
0x5: {  	s11 =	simm.s32 $0xF900;
	s13 =	simm.s32 $0x11100;
	s14 =	simm.s32 $0x11900  }
0x6: {  	s15 =	simm.s32 $0x100;
	s16 =	simm.s32 $0x1;
	s18 =	simm.s32 $0x0  }
0x7: {  	[smem:$0x7FF] =	sst s1;
	s3 =	sadd.s32 $0x1800, s0;
	s1 =	sand.u32 $0x1, s24  }
0x8: {  	s5 =	sadd.s32 $0x31E00, s0;
	s6 =	sadd.s32 $0x31C00, s0;
	s7 =	sadd.s32 $0x31800, s0  }
0x9: {  	s25 =	sshll.u32 s8, $0x3;
	s9 =	sadd.s32 $0x31F00, s0;
	s10 =	sadd.s32 $0x32000, s0  }
0xa: {  	v0 =	vlaneseq.u32;
	s24 =	simm.s32 $0xB900;
	s0 =	simm.s32 $0xE900;
	s2 =	ssub.s32 $0x2, s1  }
0xb: {  	v1 =	vand.u32 $0x7, v0;
	v63 =	vshrl.u32 v0, $0x3;
	_ =	strace $0x8000004D;
	s1 =	sshll.u32 s1, $0x7;
	s4 =	sshrl.u32 s2, $0x1  }
0xc: {  	v0 =	vor.u32 $0x8, v0;
	[tilespmem:$0x1FFD0] =	vst v1;
	v1 =	vmul.u32 $0x8, v63;
	s8 =	sor.u32 s25, s1;
	s25 =	simm.s32 $0x80;
	s2 =	ssub.s32 s2, s4  }
0xd: {  	[tilespmem:$0x1FFF0] =	vst v0;
	s1 =	simm.s32 $0x10100;
	s4 =	simm.s32 $0xF100;
	s26 =	smax.u32 s2, $0x1  }
0xe: {  	vm0 =	vmmov $0xffff;
	[tilespmem:$0x1FFE0] =	vst v1;
	s2 =	simm.s32 $0x10900;
	[dreg:$0x3] =	wrdreg s26;
	s26 =	simm.s32 $0xC100  }
.LBB2_1:
0xf: {  	[dreg:$0x4] =	wrdreg s18;
	p1 =	por $0x1, $0x1;
	s17 =	simm.s32 $0x0  }
.LBB2_2:
0x10: {  	s18 =	sor.u32 s8, s17  }
0x11: {  	s17 =	simm.s32 $0x0;
	s19 =	sadd.s32 s6, s18  }
0x12: {  	[tilespmem:s17], [sflag:$0x2] =	stream.linear.gather [hbm4b:s19+s17], $0x20, $0x38;
	[tilespmem:$0x12100] =	vst v63  }
0x13: {  	_ =	swait.ge [sflag:s12], $0x20  }
0x14: {  	[sflag:s12] =	ssyncset.done $0x0  }
0x15: {  	[sflag:s12] =	ssyncadd.s32 $0xFFFFFFE0  }
0x16: {  	v0 =	vld [tilespmem:$0x0];
	_ =	sdelay $0x3  }
0x17: {  	v2 =	vld [tilespmem:$0x1FFD0]  }
0x18: {  	v1 =	vshrl.u32 v0, $0x3  }
0x19: {  	v3 =	vld [tilespmem:$0x1FFE0];
	v1 =	vmul.u32 $0x30, v1  }
0x1a: {  	v0 =	vand.u32 $0x7, v0  }
0x1b: {  	v0 =	vor.u32 v0, v1  }
0x1c: {  	v1 =	vperm.xlane v0, v2  }
0x1d: {  	v4 =	vld [tilespmem:$0x1FFF0]  }
0x1e: {  	v1 =	vadd.s32 v3, v1;
	_ =	sdelay $0x3  }
0x1f: {  	s22 =	simm.s32 $0x6100;
	v0 =	vperm.xlane v0, v4  }
0x20: {  	[tilespmem:s22], [sflag:$0x1] =	stream.indirect_vreg.gather [hbm4b:s5+s17], $0x80, v1, vm0, $0xb8;
	[tilespmem:$0x12100] =	vst v63  }
0x21: {  	s20 =	simm.s32 $0x6900;
	v0 =	vadd.s32 v3, v0  }
0x22: {  	[tilespmem:s20], [sflag:$0x1] =	stream.indirect_vreg.gather [hbm4b:s9+s17], $0x80, v1, vm0, $0xb8;
	[tilespmem:$0x12100] =	vst v63  }
0x23: {  	s21 =	simm.s32 $0x7100  }
0x24: {  	[tilespmem:s21], [sflag:$0x1] =	stream.indirect_vreg.gather [hbm4b:s10+s17], $0x80, v1, vm0, $0xb8;
	[tilespmem:$0x12100] =	vst v63  }
0x25: {  	s22 =	simm.s32 $0x7900  }
0x26: {  	[tilespmem:s22], [sflag:$0x1] =	stream.indirect_vreg.gather [hbm4b:s5+s17], $0x80, v0, vm0, $0xb8;
	[tilespmem:$0x12100] =	vst v63  }
0x27: {  	s20 =	simm.s32 $0x8100  }
0x28: {  	[tilespmem:s20], [sflag:$0x1] =	stream.indirect_vreg.gather [hbm4b:s9+s17], $0x80, v0, vm0, $0xb8;
	[tilespmem:$0x12100] =	vst v63  }
0x29: {  	s21 =	simm.s32 $0x8900  }
0x2a: {  	[tilespmem:s21], [sflag:$0x1] =	stream.indirect_vreg.gather [hbm4b:s10+s17], $0x80, v0, vm0, $0xb8;
	[tilespmem:$0x12100] =	vst v63  }
0x2b: {  	v0 =	vld [tilespmem:$0x10];
	_ =	sdelay $0x4  }
0x2c: {  	v1 =	vshrl.u32 v0, $0x3  }
0x2d: {  	v1 =	vmul.u32 $0x30, v1  }
0x2e: {  	v0 =	vand.u32 $0x7, v0  }
0x2f: {  	v0 =	vor.u32 v0, v1  }
0x30: {  	v1 =	vperm.xlane v0, v2;
	_ =	sdelay $0x1  }
0x31: {  	v1 =	vadd.s32 v3, v1;
	_ =	sdelay $0x3  }
0x32: {  	s22 =	simm.s32 $0x9100;
	v0 =	vperm.xlane v0, v4  }
0x33: {  	[tilespmem:s22], [sflag:$0x1] =	stream.indirect_vreg.gather [hbm4b:s5+s17], $0x80, v1, vm0, $0xb8;
	[tilespmem:$0x12100] =	vst v63  }
0x34: {  	s20 =	simm.s32 $0x9900;
	v0 =	vadd.s32 v3, v0  }
0x35: {  	[tilespmem:s20], [sflag:$0x1] =	stream.indirect_vreg.gather [hbm4b:s9+s17], $0x80, v1, vm0, $0xb8;
	[tilespmem:$0x12100] =	vst v63  }
0x36: {  	s21 =	simm.s32 $0xA100  }
0x37: {  	[tilespmem:s21], [sflag:$0x1] =	stream.indirect_vreg.gather [hbm4b:s10+s17], $0x80, v1, vm0, $0xb8;
	[tilespmem:$0x12100] =	vst v63  }
0x38: {  	s22 =	simm.s32 $0xA900  }
0x39: {  	[tilespmem:s22], [sflag:$0x1] =	stream.indirect_vreg.gather [hbm4b:s5+s17], $0x80, v0, vm0, $0xb8;
	[tilespmem:$0x12100] =	vst v63  }
0x3a: {  	_ = 	snop  }
0x3b: {  	[tilespmem:s23], [sflag:$0x1] =	stream.indirect_vreg.gather [hbm4b:s9+s17], $0x80, v0, vm0, $0xb8;
	[tilespmem:$0x12100] =	vst v63  }
0x3c: {  	_ = 	snop  }
0x3d: {  	[tilespmem:s24], [sflag:$0x1] =	stream.indirect_vreg.gather [hbm4b:s10+s17], $0x80, v0, vm0, $0xb8;
	[tilespmem:$0x12100] =	vst v63  }
0x3e: {  	s20 =	sadd.s32 s7, s18  }
0x3f: {  	[tilespmem:s25], [sflag:$0x2] =	stream.linear.gather [hbm4b:s20+s17], $0x20, $0x38;
	[tilespmem:$0x12100] =	vst v63  }
0x40: {  	_ =	swait.ge [sflag:s12], $0x20  }
0x41: {  	[sflag:s12] =	ssyncset.done $0x0  }
0x42: {  	[sflag:s12] =	ssyncadd.s32 $0xFFFFFFE0  }
0x43: {  	v0 =	vld [tilespmem:$0x80];
	_ =	sdelay $0x4  }
0x44: {  	v1 =	vshrl.u32 v0, $0x3  }
0x45: {  	v1 =	vmul.u32 $0x30, v1  }
0x46: {  	v0 =	vand.u32 $0x7, v0  }
0x47: {  	v0 =	vor.u32 v0, v1  }
0x48: {  	v1 =	vperm.xlane v0, v2;
	_ =	sdelay $0x1  }
0x49: {  	v1 =	vadd.s32 v3, v1;
	_ =	sdelay $0x3  }
0x4a: {  	v0 =	vperm.xlane v0, v4  }
0x4b: {  	[tilespmem:s26], [sflag:$0x1] =	stream.indirect_vreg.gather [hbm4b:s5+s17], $0x80, v1, vm0, $0xb8;
	[tilespmem:$0x12100] =	vst v63  }
0x4c: {  	v0 =	vadd.s32 v3, v0  }
0x4d: {  	[tilespmem:s28], [sflag:$0x1] =	stream.indirect_vreg.gather [hbm4b:s9+s17], $0x80, v1, vm0, $0xb8;
	[tilespmem:$0x12100] =	vst v63  }
0x4e: {  	_ = 	snop  }
0x4f: {  	[tilespmem:s29], [sflag:$0x1] =	stream.indirect_vreg.gather [hbm4b:s10+s17], $0x80, v1, vm0, $0xb8;
	[tilespmem:$0x12100] =	vst v63  }
0x50: {  	_ = 	snop  }
0x51: {  	[tilespmem:s30], [sflag:$0x1] =	stream.indirect_vreg.gather [hbm4b:s5+s17], $0x80, v0, vm0, $0xb8;
	[tilespmem:$0x12100] =	vst v63  }
0x52: {  	_ = 	snop  }
0x53: {  	[tilespmem:s31], [sflag:$0x1] =	stream.indirect_vreg.gather [hbm4b:s9+s17], $0x80, v0, vm0, $0xb8;
	[tilespmem:$0x12100] =	vst v63  }
0x54: {  	_ = 	snop  }
0x55: {  	[tilespmem:s0], [sflag:$0x1] =	stream.indirect_vreg.gather [hbm4b:s10+s17], $0x80, v0, vm0, $0xb8;
	[tilespmem:$0x12100] =	vst v63  }
0x56: {  	v0 =	vld [tilespmem:$0x90];
	_ =	sdelay $0x4  }
0x57: {  	v1 =	vshrl.u32 v0, $0x3  }
0x58: {  	v1 =	vmul.u32 $0x30, v1  }
0x59: {  	v0 =	vand.u32 $0x7, v0  }
0x5a: {  	v0 =	vor.u32 v0, v1  }
0x5b: {  	v1 =	vperm.xlane v0, v2;
	_ =	sdelay $0x1  }
0x5c: {  	v1 =	vadd.s32 v3, v1;
	_ =	sdelay $0x3  }
0x5d: {  	v0 =	vperm.xlane v0, v4  }
0x5e: {  	[tilespmem:s4], [sflag:$0x1] =	stream.indirect_vreg.gather [hbm4b:s5+s17], $0x80, v1, vm0, $0xb8;
	[tilespmem:$0x12100] =	vst v63  }
0x5f: {  	v0 =	vadd.s32 v3, v0  }
0x60: {  	[tilespmem:s11], [sflag:$0x1] =	stream.indirect_vreg.gather [hbm4b:s9+s17], $0x80, v1, vm0, $0xb8;
	[tilespmem:$0x12100] =	vst v63  }
0x61: {  	_ = 	snop  }
0x62: {  	[tilespmem:s1], [sflag:$0x1] =	stream.indirect_vreg.gather [hbm4b:s10+s17], $0x80, v1, vm0, $0xb8;
	[tilespmem:$0x12100] =	vst v63  }
0x63: {  	_ = 	snop  }
0x64: {  	[tilespmem:s2], [sflag:$0x1] =	stream.indirect_vreg.gather [hbm4b:s5+s17], $0x80, v0, vm0, $0xb8;
	[tilespmem:$0x12100] =	vst v63  }
0x65: {  	_ = 	snop  }
0x66: {  	[tilespmem:s13], [sflag:$0x1] =	stream.indirect_vreg.gather [hbm4b:s9+s17], $0x80, v0, vm0, $0xb8;
	[tilespmem:$0x12100] =	vst v63  }
0x67: {  	s18 =	smul.u32 $0x300, s18  }
0x68: {  	[tilespmem:s14], [sflag:$0x1] =	stream.indirect_vreg.gather [hbm4b:s10+s17], $0x80, v0, vm0, $0xb8;
	[tilespmem:$0x12100] =	vst v63  }
0x69: {  	s21 =	sadd.s32 s3, s18  }
0x6a: {  	[tilespmem:s15], [sflag:$0x2] =	stream.linear.gather [hbm4b:s21+s17], $0x6000, $0x38;
	[tilespmem:$0x12100] =	vst v63  }
0x6b: {  	_ =	swait.ge [sflag:s12], $0x6000  }
0x6c: {  	[sflag:s12] =	ssyncset.done $0x0  }
0x6d: {  	[sflag:s12] =	ssyncadd.s32 $0xFFFFA000  }
0x6e: {  	_ =	swait.ge [sflag:s16], $0x6000  }
0x6f: {  	[sflag:s16] =	ssyncset.done $0x0  }
0x70: {  	s22 =	simm.s32 $0x0;
	[sflag:s16] =	ssyncadd.s32 $0xFFFFA000  }
0x71: {  	s19 =	smul.u32 $0x1800, s22;
	_ =	swait.ge [sflag:s16], $0x6000  }
0x72: {  	s20 =	sand.u32 $0x380, s17;
	[sflag:s16] =	ssyncset.done $0x0  }
0x73: {  	s19 =	sor.u32 s20, s19;
	[sflag:s16] =	ssyncadd.s32 $0xFFFFA000  }
0x74: {  	v0 =	vld [tilespmem:s19+$0xC570];
	_ =	sdelay $0x4  }
0x75: {  	[tilespmem:$0x1FE00] =	vst v0;
	v0 =	vld [tilespmem:s19+$0xC900];
	_ =	sdelay $0x4  }
0x76: {  	[tilespmem:$0x1FE10] =	vst v0;
	v0 =	vld [tilespmem:s19+$0xC910];
	_ =	sdelay $0x4  }
0x77: {  	[tilespmem:$0x1FE20] =	vst v0;
	v0 =	vld [tilespmem:s19+$0xC920];
	_ =	sdelay $0x4  }
0x78: {  	[tilespmem:$0x1FE30] =	vst v0;
	v0 =	vld [tilespmem:s19+$0xC930];
	_ =	sdelay $0x4  }
0x79: {  	[tilespmem:$0x1FE40] =	vst v0;
	v0 =	vld [tilespmem:s19+$0xC940];
	_ =	sdelay $0x4  }
0x7a: {  	[tilespmem:$0x1FE50] =	vst v0;
	v0 =	vld [tilespmem:s19+$0xC950];
	_ =	sdelay $0x4  }
0x7b: {  	[tilespmem:$0x1FE60] =	vst v0;
	v0 =	vld [tilespmem:s19+$0xC960];
	_ =	sdelay $0x4  }
0x7c: {  	[tilespmem:$0x1FE70] =	vst v0;
	v0 =	vld [tilespmem:s19+$0xC970];
	_ =	sdelay $0x4  }
0x7d: {  	[tilespmem:$0x1FE80] =	vst v0;
	v0 =	vld [tilespmem:s19+$0xCD00];
	_ =	sdelay $0x4  }
0x7e: {  	[tilespmem:$0x1FE90] =	vst v0;
	v0 =	vld [tilespmem:s19+$0xCD10];
	_ =	sdelay $0x4  }
0x7f: {  	[tilespmem:$0x1FEA0] =	vst v0;
	v0 =	vld [tilespmem:s19+$0xCD20];
	_ =	sdelay $0x4  }
0x80: {  	[tilespmem:$0x1FEB0] =	vst v0;
	v0 =	vld [tilespmem:s19+$0xCD30];
	_ =	sdelay $0x4  }
0x81: {  	[tilespmem:$0x1FEC0] =	vst v0;
	v0 =	vld [tilespmem:s19+$0xCD40];
	_ =	sdelay $0x4  }
0x82: {  	[tilespmem:$0x1FED0] =	vst v0;
	v0 =	vld [tilespmem:s19+$0xCD50];
	_ =	sdelay $0x4  }
0x83: {  	[tilespmem:$0x1FEE0] =	vst v0;
	v0 =	vld [tilespmem:s19+$0xCD60];
	_ =	sdelay $0x4  }
0x84: {  	[tilespmem:$0x1FEF0] =	vst v0;
	v0 =	vld [tilespmem:s19+$0xCD70];
	_ =	sdelay $0x4  }
0x85: {  	[tilespmem:$0x1FF10] =	vst v0;
	v0 =	vld [tilespmem:s19+$0xD100];
	_ =	sdelay $0x4  }
0x86: {  	[tilespmem:$0x1FF30] =	vst v0;
	v0 =	vld [tilespmem:s19+$0xD110];
	_ =	sdelay $0x4  }
0x87: {  	[tilespmem:$0x1FF50] =	vst v0;
	v0 =	vld [tilespmem:s19+$0xD120];
	_ =	sdelay $0x4  }
0x88: {  	[tilespmem:$0x1FF70] =	vst v0;
	v0 =	vld [tilespmem:s19+$0xD130];
	_ =	sdelay $0x4  }
0x89: {  	[tilespmem:$0x1FF90] =	vst v0;
	v0 =	vld [tilespmem:s19+$0xD140];
	_ =	sdelay $0x4  }
0x8a: {  	[tilespmem:$0x1FFB0] =	vst v0;
	v0 =	vld [tilespmem:s19+$0xD150];
	_ =	sdelay $0x4  }
0x8b: {  	[tilespmem:$0x1FDB0] =	vst v0;
	v0 =	vld [tilespmem:s19+$0xD160];
	_ =	sdelay $0x4  }
0x8c: {  	[tilespmem:$0x1FDC0] =	vst v0;
	v0 =	vld [tilespmem:s19+$0xD170];
	_ =	sdelay $0x4  }
0x8d: {  	[tilespmem:$0x1FDD0] =	vst v0;
	v0 =	vld [tilespmem:s19+$0xD500];
	_ =	sdelay $0x4  }
0x8e: {  	[tilespmem:$0x1FDE0] =	vst v0;
	v0 =	vld [tilespmem:s19+$0xD510];
	_ =	sdelay $0x4  }
0x8f: {  	[tilespmem:$0x1FDF0] =	vst v0;
	v0 =	vld [tilespmem:s19+$0x7100];
	_ =	sdelay $0x4  }
0x90: {  	[tilespmem:$0x1FF00] =	vst v0;
	v0 =	vld [tilespmem:s19+$0x7110];
	_ =	sdelay $0x4  }
0x91: {  	[tilespmem:$0x1FF20] =	vst v0;
	v0 =	vld [tilespmem:s19+$0x7120];
	_ =	sdelay $0x1  }
0x92: {  	v14 =	vld [tilespmem:s19+$0xC100]  }
0x93: {  	v53 =	vld [tilespmem:s19+$0xC110]  }
0x94: {  	v54 =	vld [tilespmem:s19+$0xC120]  }
0x95: {  	[tilespmem:$0x1FF40] =	vst v0;
	v0 =	vld [tilespmem:s19+$0x7130]  }
0x96: {  	v55 =	vld [tilespmem:s19+$0xC130]  }
0x97: {  	v56 =	vld [tilespmem:s19+$0xC140]  }
0x98: {  	v57 =	vld [tilespmem:s19+$0xC150]  }
0x99: {  	v58 =	vld [tilespmem:s19+$0xC160]  }
0x9a: {  	[tilespmem:$0x1FF60] =	vst v0;
	v0 =	vld [tilespmem:s19+$0x7140]  }
0x9b: {  	v59 =	vld [tilespmem:s19+$0xC170]  }
0x9c: {  	v60 =	vld [tilespmem:s19+$0xC500]  }
0x9d: {  	v61 =	vld [tilespmem:s19+$0xC510]  }
0x9e: {  	v51 =	vld [tilespmem:s19+$0xC520]  }
0x9f: {  	[tilespmem:$0x1FF80] =	vst v0;
	v0 =	vld [tilespmem:s19+$0x7150]  }
0xa0: {  	v37 =	vld [tilespmem:s19+$0xC530]  }
0xa1: {  	v38 =	vld [tilespmem:s19+$0xC540]  }
0xa2: {  	v41 =	vld [tilespmem:s19+$0xC550]  }
0xa3: {  	v62 =	vld [tilespmem:s19+$0x6100]  }
0xa4: {  	[tilespmem:$0x1FFA0] =	vst v0;
	v0 =	vld [tilespmem:s19+$0x7160]  }
0xa5: {  	v63 =	vld [tilespmem:s19+$0x6110]  }
0xa6: {  	v5 =	vld [tilespmem:s19+$0x6120]  }
0xa7: {  	v6 =	vld [tilespmem:s19+$0x6130]  }
0xa8: {  	v7 =	vld [tilespmem:s19+$0x6140]  }
0xa9: {  	[tilespmem:$0x1FFC0] =	vst v0;
	v0 =	vld [tilespmem:s19+$0x100]  }
0xaa: {  	v1 =	vld [tilespmem:s19+$0x110]  }
0xab: {  	v2 =	vld [tilespmem:s19+$0x120]  }
0xac: {  	v3 =	vld [tilespmem:s19+$0x130]  }
0xad: {  	v8 =	vld [tilespmem:s19+$0x6150]  }
0xae: {  	v0 =	vadd.f32 v62, v0;
	v62 =	vld [tilespmem:s19+$0x150]  }
0xaf: {  	v22 =	vld [tilespmem:s19+$0x6170];
	v1 =	vadd.f32 v63, v1  }
0xb0: {  	v2 =	vadd.f32 v5, v2;
	v5 =	vld [tilespmem:s19+$0x170]  }
0xb1: {  	v4 =	vld [tilespmem:s19+$0x140];
	v3 =	vadd.f32 v6, v3;
	v1 =	vadd.f32 v53, v1  }
0xb2: {  	v21 =	vld [tilespmem:s19+$0x6160]  }
0xb3: {  	v63 =	vld [tilespmem:s19+$0x160];
	[tilespmem:s19+$0x110] =	vst v1;
	v1 =	vadd.f32 v55, v3;
	v3 =	vadd.f32 v8, v62  }
0xb4: {  	v39 =	vld [tilespmem:s19+$0xC560];
	v0 =	vadd.f32 v14, v0  }
0xb5: {  	v23 =	vld [tilespmem:s19+$0x6500];
	[tilespmem:s19+$0x130] =	vst v1;
	v1 =	vadd.f32 v57, v3;
	v3 =	vadd.f32 v22, v5  }
0xb6: {  	v24 =	vld [tilespmem:s19+$0x6510];
	[tilespmem:s19+$0x100] =	vst v0;
	v0 =	vadd.f32 v54, v2;
	v2 =	vadd.f32 v7, v4  }
0xb7: {  	v25 =	vld [tilespmem:s19+$0x6520];
	[tilespmem:s19+$0x150] =	vst v1;
	v1 =	vadd.f32 v59, v3  }
0xb8: {  	v27 =	vld [tilespmem:s19+$0x6540];
	[tilespmem:s19+$0x120] =	vst v0;
	v0 =	vadd.f32 v56, v2;
	v2 =	vadd.f32 v21, v63  }
0xb9: {  	[tilespmem:s19+$0x170] =	vst v1;
	v1 =	vld [tilespmem:s19+$0x540]  }
0xba: {  	v26 =	vld [tilespmem:s19+$0x6530];
	[tilespmem:s19+$0x140] =	vst v0;
	v0 =	vadd.f32 v58, v2  }
0xbb: {  	v28 =	vld [tilespmem:s19+$0x6550]  }
0xbc: {  	[tilespmem:s19+$0x160] =	vst v0;
	v0 =	vld [tilespmem:s19+$0x530]  }
0xbd: {  	v4 =	vld [tilespmem:s19+$0x500]  }
0xbe: {  	v29 =	vld [tilespmem:s19+$0x6560];
	v1 =	vadd.f32 v27, v1  }
0xbf: {  	v30 =	vld [tilespmem:s19+$0x6570]  }
0xc0: {  	v9 =	vld [tilespmem:s19+$0x6950];
	v1 =	vadd.f32 v38, v1  }
0xc1: {  	v6 =	vld [tilespmem:s19+$0x510];
	v0 =	vadd.f32 v26, v0  }
0xc2: {  	v4 =	vadd.f32 v23, v4;
	[tilespmem:s19+$0x540] =	vst v1;
	v1 =	vld [tilespmem:s19+$0x950]  }
0xc3: {  	v35 =	vld [tilespmem:s19+$0x6940];
	v0 =	vadd.f32 v37, v0  }
0xc4: {  	v2 =	vld [tilespmem:s19+$0x520];
	v4 =	vadd.f32 v60, v4  }
0xc5: {  	[tilespmem:s19+$0x530] =	vst v0;
	v0 =	vld [tilespmem:s19+$0x940]  }
0xc6: {  	[tilespmem:s19+$0x500] =	vst v4;
	v4 =	vld [tilespmem:s19+$0x550]  }
0xc7: {  	v3 =	vadd.f32 v24, v6;
	v1 =	vadd.f32 v9, v1;
	v9 =	vld [tilespmem:$0x1FE50]  }
0xc8: {  	v31 =	vld [tilespmem:s19+$0x6900]  }
0xc9: {  	v32 =	vld [tilespmem:s19+$0x6910];
	v3 =	vadd.f32 v61, v3  }
0xca: {  	v33 =	vld [tilespmem:s19+$0x6920];
	v0 =	vadd.f32 v35, v0  }
0xcb: {  	[tilespmem:s19+$0x510] =	vst v3;
	v3 =	vld [tilespmem:s19+$0x560];
	v4 =	vadd.f32 v28, v4  }
0xcc: {  	v2 =	vadd.f32 v25, v2;
	v0 =	vadd.f32 v9, v0;
	v9 =	vld [tilespmem:$0x1FE60]  }
0xcd: {  	v34 =	vld [tilespmem:s19+$0x6930];
	v4 =	vadd.f32 v41, v4  }
0xce: {  	v10 =	vld [tilespmem:s19+$0x6960];
	v2 =	vadd.f32 v51, v2  }
0xcf: {  	[tilespmem:s19+$0x550] =	vst v4;
	v4 =	vld [tilespmem:s19+$0x960]  }
0xd0: {  	[tilespmem:s19+$0x520] =	vst v2;
	v2 =	vld [tilespmem:s19+$0x570];
	v3 =	vadd.f32 v29, v3  }
0xd1: {  	v1 =	vadd.f32 v9, v1;
	v9 =	vld [tilespmem:$0x1FE70]  }
0xd2: {  	v21 =	vld [tilespmem:$0x1FE00];
	v3 =	vadd.f32 v39, v3  }
0xd3: {  	v11 =	vld [tilespmem:s19+$0x6970]  }
0xd4: {  	[tilespmem:s19+$0x560] =	vst v3;
	v3 =	vld [tilespmem:s19+$0x970];
	v4 =	vadd.f32 v10, v4  }
0xd5: {  	v5 =	vld [tilespmem:s19+$0x900];
	v2 =	vadd.f32 v30, v2  }
0xd6: {  	v4 =	vadd.f32 v9, v4;
	v9 =	vld [tilespmem:$0x1FE80]  }
0xd7: {  	v2 =	vadd.f32 v21, v2;
	v21 =	vld [tilespmem:$0x1FE10]  }
0xd8: {  	v12 =	vld [tilespmem:s19+$0x6D00]  }
0xd9: {  	[tilespmem:s19+$0x570] =	vst v2;
	v2 =	vld [tilespmem:s19+$0xD00];
	v3 =	vadd.f32 v11, v3  }
0xda: {  	v6 =	vld [tilespmem:s19+$0x910];
	v5 =	vadd.f32 v31, v5  }
0xdb: {  	v3 =	vadd.f32 v9, v3;
	v9 =	vld [tilespmem:$0x1FE90]  }
0xdc: {  	v5 =	vadd.f32 v21, v5;
	v21 =	vld [tilespmem:$0x1FE20]  }
0xdd: {  	v36 =	vld [tilespmem:s19+$0x6D10]  }
0xde: {  	[tilespmem:s19+$0x900] =	vst v5;
	v5 =	vld [tilespmem:s19+$0xD10];
	v2 =	vadd.f32 v12, v2  }
0xdf: {  	v7 =	vld [tilespmem:s19+$0x920];
	v6 =	vadd.f32 v32, v6  }
0xe0: {  	v2 =	vadd.f32 v9, v2;
	v9 =	vld [tilespmem:$0x1FEA0]  }
0xe1: {  	v6 =	vadd.f32 v21, v6;
	v21 =	vld [tilespmem:$0x1FE30]  }
0xe2: {  	v52 =	vld [tilespmem:s19+$0x6D20]  }
0xe3: {  	[tilespmem:s19+$0x910] =	vst v6;
	v6 =	vld [tilespmem:s19+$0xD20];
	v5 =	vadd.f32 v36, v5  }
0xe4: {  	v8 =	vld [tilespmem:s19+$0x930];
	v7 =	vadd.f32 v33, v7  }
0xe5: {  	v5 =	vadd.f32 v9, v5;
	v9 =	vld [tilespmem:$0x1FEB0]  }
0xe6: {  	v7 =	vadd.f32 v21, v7;
	v21 =	vld [tilespmem:$0x1FE40]  }
0xe7: {  	v49 =	vld [tilespmem:s19+$0x6D30]  }
0xe8: {  	[tilespmem:s19+$0x920] =	vst v7;
	v7 =	vld [tilespmem:s19+$0xD30];
	v6 =	vadd.f32 v52, v6  }
0xe9: {  	v8 =	vadd.f32 v34, v8  }
0xea: {  	v6 =	vadd.f32 v9, v6;
	v9 =	vld [tilespmem:$0x1FEC0]  }
0xeb: {  	v8 =	vadd.f32 v21, v8  }
0xec: {  	v47 =	vld [tilespmem:s19+$0x6D40]  }
0xed: {  	[tilespmem:s19+$0x930] =	vst v8;
	v8 =	vld [tilespmem:s19+$0xD40];
	v7 =	vadd.f32 v49, v7;
	_ =	sdelay $0x1  }
0xee: {  	v7 =	vadd.f32 v9, v7;
	v9 =	vld [tilespmem:$0x1FED0];
	_ =	sdelay $0x1  }
0xef: {  	v45 =	vld [tilespmem:s19+$0x6D50]  }
0xf0: {  	[tilespmem:s19+$0x940] =	vst v0;
	v0 =	vld [tilespmem:s19+$0xD50];
	v8 =	vadd.f32 v47, v8;
	_ =	sdelay $0x1  }
0xf1: {  	v8 =	vadd.f32 v9, v8;
	v9 =	vld [tilespmem:$0x1FEE0];
	_ =	sdelay $0x2  }
0xf2: {  	v0 =	vadd.f32 v45, v0;
	_ =	sdelay $0x1  }
0xf3: {  	v0 =	vadd.f32 v9, v0  }
0xf4: {  	[tilespmem:s19+$0x970] =	vst v3;
	v3 =	vld [tilespmem:s19+$0x1100]  }
0xf5: {  	[tilespmem:s19+$0xD50] =	vst v0;
	v0 =	vld [tilespmem:$0x1FF00];
	_ =	sdelay $0x1  }
0xf6: {  	v40 =	vld [tilespmem:s19+$0x6D70]  }
0xf7: {  	[tilespmem:s19+$0x960] =	vst v4;
	v4 =	vld [tilespmem:s19+$0xD70];
	_ =	sdelay $0x1  }
0xf8: {  	v0 =	vadd.f32 v0, v3;
	v3 =	vld [tilespmem:$0x1FF10];
	_ =	sdelay $0x2  }
0xf9: {  	v4 =	vadd.f32 v40, v4;
	_ =	sdelay $0x1  }
0xfa: {  	v48 =	vld [tilespmem:s19+$0xD520];
	v3 =	vadd.f32 v3, v4  }
0xfb: {  	[tilespmem:s19+$0xD10] =	vst v5;
	v5 =	vld [tilespmem:s19+$0x1120]  }
0xfc: {  	[tilespmem:s19+$0xD70] =	vst v3;
	v3 =	vld [tilespmem:$0x1FF40]  }
0xfd: {  	v46 =	vld [tilespmem:s19+$0xD530]  }
0xfe: {  	[tilespmem:s19+$0xD00] =	vst v2;
	v2 =	vld [tilespmem:s19+$0x1110]  }
0xff: {  	v4 =	vld [tilespmem:$0x1FF20]  }
0x100: {  	v44 =	vld [tilespmem:s19+$0xD540]  }
0x101: {  	v3 =	vadd.f32 v3, v5;
	v5 =	vld [tilespmem:$0x1FF50]  }
0x102: {  	v42 =	vld [tilespmem:s19+$0xD550]  }
0x103: {  	v43 =	vld [tilespmem:s19+$0x6D60]  }
0x104: {  	v20 =	vld [tilespmem:s19+$0x7170];
	v4 =	vadd.f32 v4, v2  }
0x105: {  	[tilespmem:s19+$0xD20] =	vst v6;
	v6 =	vld [tilespmem:s19+$0x1130]  }
0x106: {  	v4 =	vadd.f32 v5, v4;
	v5 =	vld [tilespmem:$0x1FF60]  }
0x107: {  	v19 =	vld [tilespmem:s19+$0x7500]  }
0x108: {  	v18 =	vld [tilespmem:s19+$0x7510]  }
0x109: {  	[tilespmem:s19+$0xD30] =	vst v7;
	v7 =	vld [tilespmem:s19+$0x1140]  }
0x10a: {  	[tilespmem:s19+$0x1110] =	vst v4;
	v4 =	vld [tilespmem:$0x1FF80]  }
0x10b: {  	v5 =	vadd.f32 v5, v6;
	v6 =	vld [tilespmem:$0x1FF70]  }
0x10c: {  	v17 =	vld [tilespmem:s19+$0x7520]  }
0x10d: {  	v16 =	vld [tilespmem:s19+$0x7530]  }
0x10e: {  	[tilespmem:s19+$0x950] =	vst v1;
	v1 =	vld [tilespmem:s19+$0xD60]  }
0x10f: {  	[tilespmem:s19+$0xD40] =	vst v8;
	v8 =	vld [tilespmem:$0x1FEF0]  }
0x110: {  	v3 =	vadd.f32 v6, v3;
	v6 =	vadd.f32 v4, v7;
	v7 =	vld [tilespmem:$0x1FF90]  }
0x111: {  	v15 =	vld [tilespmem:s19+$0x7540]  }
0x112: {  	v13 =	vld [tilespmem:s19+$0x7550]  }
0x113: {  	v1 =	vadd.f32 v43, v1;
	v21 =	vld [tilespmem:s19+$0x1150]  }
0x114: {  	[tilespmem:s19+$0x1120] =	vst v3;
	v3 =	vld [tilespmem:$0x1FFB0]  }
0x115: {  	v1 =	vadd.f32 v8, v1;
	v8 =	vadd.f32 v7, v5;
	v5 =	vld [tilespmem:$0x1FFA0]  }
0x116: {  	v2 =	vld [tilespmem:$0x1FF30]  }
0x117: {  	v50 =	vld [tilespmem:s19+$0x7560]  }
0x118: {  	v14 =	vld [tilespmem:s19+$0x7570]  }
0x119: {  	v22 =	vld [tilespmem:s19+$0x1160]  }
0x11a: {  	v5 =	vadd.f32 v5, v21;
	v21 =	vadd.f32 v3, v6;
	v3 =	vld [tilespmem:$0x1FFC0]  }
0x11b: {  	[tilespmem:s19+$0xD60] =	vst v1;
	v1 =	vld [tilespmem:s19+$0x1170];
	v0 =	vadd.f32 v2, v0  }
0x11c: {  	v2 =	vld [tilespmem:s19+$0x1500]  }
0x11d: {  	[tilespmem:s19+$0x1100] =	vst v0;
	v0 =	vld [tilespmem:s19+$0x1510]  }
0x11e: {  	v4 =	vld [tilespmem:s19+$0x1520]  }
0x11f: {  	p0 =	por p1, p1;
	s20 =	simm.s32 $0x1;
	v6 =	vadd.f32 v3, v22;
	v3 =	vld [tilespmem:s19+$0x1530]  }
.LBB2_3:
0x120: {  	v7 =	vld [tilespmem:$0x1FDB0];
	_ =	sdelay $0x4  }
0x121: {  	v5 =	vadd.f32 v7, v5  }
0x122: {  	[tilespmem:s19+$0x1130] =	vst v8;
	v8 =	vld [tilespmem:$0x1FDC0]  }
0x123: {  	[tilespmem:s19+$0x1150] =	vst v5;
	v5 =	vld [tilespmem:$0x1FDD0];
	_ =	sdelay $0x2  }
0x124: {  	v1 =	vadd.f32 v20, v1  }
0x125: {  	v6 =	vadd.f32 v8, v6  }
0x126: {  	v1 =	vadd.f32 v5, v1  }
0x127: {  	[tilespmem:s19+$0x1160] =	vst v6;
	v6 =	vld [tilespmem:$0x1FDE0]  }
0x128: {  	[tilespmem:s19+$0x1170] =	vst v1;
	v1 =	vld [tilespmem:$0x1FDF0]  }
0x129: {  	v7 =	vld [tilespmem:s19+$0x1540]  }
0x12a: {  	v2 =	vadd.f32 v19, v2;
	v8 =	vld [tilespmem:s19+$0x1550]  }
0x12b: {  	s21 =	sshrl.u32 s20, $0x3;
	v0 =	vadd.f32 v18, v0;
	v5 =	vld [tilespmem:s19+$0x1560]  }
0x12c: {  	s17 =	sadd.s32 $0x80, s17;
	s21 =	smul.u32 $0x1800, s21;
	v4 =	vadd.f32 v17, v4;
	v2 =	vadd.f32 v6, v2;
	v6 =	vld [tilespmem:s19+$0x1570]  }
0x12d: {  	[tilespmem:s19+$0x1140] =	vst v21;
	s22 =	sand.u32 $0x380, s17;
	v0 =	vadd.f32 v1, v0;
	v1 =	vadd.f32 v16, v3;
	v3 =	vld [tilespmem:s19+$0xD560]  }
0x12e: {  	s21 =	sor.u32 s22, s21;
	[tilespmem:s19+$0x1500] =	vst v2;
	v2 =	vadd.f32 v48, v4;
	v4 =	vadd.f32 v15, v7;
	v7 =	vld [tilespmem:s19+$0xD570]  }
0x12f: {  	v53 =	vld [tilespmem:s21+$0xC100];
	[tilespmem:s19+$0x1510] =	vst v0;
	v0 =	vadd.f32 v46, v1;
	v1 =	vadd.f32 v13, v8  }
0x130: {  	v55 =	vld [tilespmem:s21+$0xC110];
	[tilespmem:s19+$0x1520] =	vst v2;
	v2 =	vadd.f32 v44, v4;
	v4 =	vadd.f32 v50, v5  }
0x131: {  	v56 =	vld [tilespmem:s21+$0xC120];
	[tilespmem:s19+$0x1530] =	vst v0;
	v0 =	vadd.f32 v42, v1;
	v1 =	vadd.f32 v14, v6  }
0x132: {  	v57 =	vld [tilespmem:s21+$0xC130];
	[tilespmem:s19+$0x1540] =	vst v2;
	v2 =	vadd.f32 v3, v4  }
0x133: {  	v54 =	vld [tilespmem:s21+$0xC140];
	[tilespmem:s19+$0x1550] =	vst v0;
	v0 =	vadd.f32 v7, v1  }
0x134: {  	v52 =	vld [tilespmem:s21+$0xC150];
	[tilespmem:s19+$0x1560] =	vst v2  }
0x135: {  	v51 =	vld [tilespmem:s21+$0xC160];
	[tilespmem:s19+$0x1570] =	vst v0;
	s19 =	smov.u32 s21  }
0x136: {  	v0 =	vld [tilespmem:s19+$0xC170];
	_ =	sdelay $0x4  }
0x137: {  	[tilespmem:$0x1FBD0] =	vst v0;
	v0 =	vld [tilespmem:s19+$0xC500];
	_ =	sdelay $0x4  }
0x138: {  	[tilespmem:$0x1FBE0] =	vst v0;
	v0 =	vld [tilespmem:s19+$0xC510];
	_ =	sdelay $0x4  }
0x139: {  	[tilespmem:$0x1FBF0] =	vst v0;
	v0 =	vld [tilespmem:s19+$0xC520];
	_ =	sdelay $0x4  }
0x13a: {  	[tilespmem:$0x1FC00] =	vst v0;
	v0 =	vld [tilespmem:s19+$0xC530];
	_ =	sdelay $0x4  }
0x13b: {  	[tilespmem:$0x1FC10] =	vst v0;
	v0 =	vld [tilespmem:s19+$0xC540];
	_ =	sdelay $0x4  }
0x13c: {  	[tilespmem:$0x1FC20] =	vst v0;
	v0 =	vld [tilespmem:s19+$0xC550];
	_ =	sdelay $0x4  }
0x13d: {  	[tilespmem:$0x1FC30] =	vst v0;
	v0 =	vld [tilespmem:s19+$0xC560];
	_ =	sdelay $0x3  }
0x13e: {  	v49 =	vld [tilespmem:s19+$0xD520]  }
0x13f: {  	[tilespmem:$0x1FC40] =	vst v0;
	v0 =	vld [tilespmem:s19+$0xC570]  }
0x140: {  	v48 =	vld [tilespmem:s19+$0xD530]  }
0x141: {  	v47 =	vld [tilespmem:s19+$0xD540]  }
0x142: {  	v46 =	vld [tilespmem:s19+$0xD550]  }
0x143: {  	v36 =	vld [tilespmem:s19+$0x6100]  }
0x144: {  	[tilespmem:$0x1FC50] =	vst v0;
	v0 =	vld [tilespmem:s19+$0xC900]  }
0x145: {  	v9 =	vld [tilespmem:s19+$0x6110]  }
0x146: {  	v37 =	vld [tilespmem:s19+$0x6120]  }
0x147: {  	v10 =	vld [tilespmem:s19+$0x6130]  }
0x148: {  	v38 =	vld [tilespmem:s19+$0x6140]  }
0x149: {  	[tilespmem:$0x1FC60] =	vst v0;
	v0 =	vld [tilespmem:s19+$0xC910]  }
0x14a: {  	v11 =	vld [tilespmem:s19+$0x6150]  }
0x14b: {  	v39 =	vld [tilespmem:s19+$0x6160]  }
0x14c: {  	v12 =	vld [tilespmem:s19+$0x6170]  }
0x14d: {  	v40 =	vld [tilespmem:s19+$0x6500]  }
0x14e: {  	[tilespmem:$0x1FC70] =	vst v0;
	v0 =	vld [tilespmem:s19+$0xC920]  }
0x14f: {  	v35 =	vld [tilespmem:s19+$0x6510]  }
0x150: {  	v8 =	vld [tilespmem:s19+$0x6520]  }
0x151: {  	v34 =	vld [tilespmem:s19+$0x6530]  }
0x152: {  	v7 =	vld [tilespmem:s19+$0x6540]  }
0x153: {  	[tilespmem:$0x1FC80] =	vst v0;
	v0 =	vld [tilespmem:s19+$0xC930]  }
0x154: {  	v33 =	vld [tilespmem:s19+$0x6550]  }
0x155: {  	v41 =	vld [tilespmem:s19+$0x100]  }
0x156: {  	v42 =	vld [tilespmem:s19+$0x110]  }
0x157: {  	v44 =	vld [tilespmem:s19+$0x130]  }
0x158: {  	[tilespmem:$0x1FC90] =	vst v0;
	v0 =	vld [tilespmem:s19+$0xC940]  }
0x159: {  	v6 =	vld [tilespmem:s19+$0x6560]  }
0x15a: {  	v32 =	vld [tilespmem:s19+$0x6570]  }
0x15b: {  	v36 =	vadd.f32 v36, v41;
	v41 =	vld [tilespmem:s19+$0x150];
	v9 =	vadd.f32 v9, v42  }
0x15c: {  	v43 =	vld [tilespmem:s19+$0x120]  }
0x15d: {  	v10 =	vadd.f32 v10, v44;
	v9 =	vadd.f32 v55, v9;
	[tilespmem:$0x1FCA0] =	vst v0;
	v0 =	vld [tilespmem:s19+$0xC950]  }
0x15e: {  	v5 =	vld [tilespmem:s19+$0x6900]  }
0x15f: {  	v4 =	vld [tilespmem:s19+$0x6910];
	[tilespmem:s19+$0x110] =	vst v9;
	v9 =	vadd.f32 v57, v10  }
0x160: {  	v31 =	vld [tilespmem:s19+$0x6920];
	v10 =	vadd.f32 v11, v41  }
0x161: {  	v37 =	vadd.f32 v37, v43;
	v43 =	vld [tilespmem:s19+$0x170];
	[tilespmem:s19+$0x130] =	vst v9  }
0x162: {  	v9 =	vadd.f32 v52, v10;
	[tilespmem:$0x1FCB0] =	vst v0;
	v0 =	vld [tilespmem:s19+$0xC960]  }
0x163: {  	v30 =	vld [tilespmem:s19+$0x6930]  }
0x164: {  	[tilespmem:s19+$0x150] =	vst v9;
	v9 =	vld [tilespmem:$0x1FBD0]  }
0x165: {  	v29 =	vld [tilespmem:s19+$0x6940]  }
0x166: {  	v28 =	vld [tilespmem:s19+$0x6950]  }
0x167: {  	v10 =	vadd.f32 v12, v43;
	[tilespmem:$0x1FCC0] =	vst v0;
	v0 =	vld [tilespmem:s19+$0xC970]  }
0x168: {  	v27 =	vld [tilespmem:s19+$0x6960]  }
0x169: {  	v26 =	vld [tilespmem:s19+$0x6970];
	v9 =	vadd.f32 v9, v10  }
0x16a: {  	v36 =	vadd.f32 v53, v36;
	v53 =	vld [tilespmem:s19+$0x510]  }
0x16b: {  	[tilespmem:s19+$0x170] =	vst v9;
	v9 =	vld [tilespmem:$0x1FBF0]  }
0x16c: {  	[tilespmem:$0x1FCD0] =	vst v0;
	v0 =	vld [tilespmem:s19+$0xCD00]  }
0x16d: {  	v25 =	vld [tilespmem:s19+$0x6D00]  }
0x16e: {  	v42 =	vld [tilespmem:s19+$0x160]  }
0x16f: {  	v24 =	vld [tilespmem:s19+$0x6D10];
	v10 =	vadd.f32 v35, v53  }
0x170: {  	v56 =	vadd.f32 v56, v37;
	v57 =	vld [tilespmem:s19+$0x530]  }
0x171: {  	v9 =	vadd.f32 v9, v10;
	[tilespmem:$0x1FCE0] =	vst v0;
	v0 =	vld [tilespmem:s19+$0xCD10]  }
0x172: {  	v23 =	vld [tilespmem:s19+$0x6D20];
	[tilespmem:s19+$0x120] =	vst v56  }
0x173: {  	v56 =	vadd.f32 v39, v42;
	[tilespmem:s19+$0x510] =	vst v9;
	v9 =	vld [tilespmem:$0x1FC10]  }
0x174: {  	v11 =	vld [tilespmem:s19+$0x520]  }
0x175: {  	v42 =	vmovc v46;
	v46 =	vmov v48;
	v48 =	vmov v49;
	v49 =	vadd.f32 v51, v56;
	v56 =	vld [tilespmem:$0x1FC00]  }
0x176: {  	v10 =	vadd.f32 v34, v57;
	[tilespmem:$0x1FCF0] =	vst v0;
	v0 =	vld [tilespmem:s19+$0xCD20]  }
0x177: {  	v22 =	vld [tilespmem:s19+$0x6D30]  }
0x178: {  	v12 =	vld [tilespmem:s19+$0x540];
	v9 =	vadd.f32 v9, v10  }
0x179: {  	v52 =	vld [tilespmem:s19+$0x550];
	v8 =	vadd.f32 v8, v11  }
0x17a: {  	[tilespmem:s19+$0x530] =	vst v9;
	v9 =	vld [tilespmem:$0x1FC30]  }
0x17b: {  	v8 =	vadd.f32 v56, v8;
	[tilespmem:$0x1FD00] =	vst v0;
	v0 =	vld [tilespmem:s19+$0xCD30]  }
0x17c: {  	v21 =	vld [tilespmem:s19+$0x6D40]  }
0x17d: {  	[tilespmem:s19+$0x520] =	vst v8;
	v8 =	vld [tilespmem:$0x1FC20]  }
0x17e: {  	v45 =	vld [tilespmem:s19+$0x140];
	v10 =	vadd.f32 v33, v52  }
0x17f: {  	v11 =	vld [tilespmem:s19+$0x570]  }
0x180: {  	v7 =	vadd.f32 v7, v12;
	v9 =	vadd.f32 v9, v10;
	[tilespmem:$0x1FD10] =	vst v0;
	v0 =	vld [tilespmem:s19+$0xCD40]  }
0x181: {  	v3 =	vld [tilespmem:s19+$0x6D50]  }
0x182: {  	v7 =	vadd.f32 v8, v7;
	[tilespmem:s19+$0x550] =	vst v9;
	v9 =	vld [tilespmem:$0x1FC50]  }
0x183: {  	v45 =	vadd.f32 v38, v45;
	v53 =	vld [tilespmem:s19+$0x560]  }
0x184: {  	[tilespmem:s19+$0x540] =	vst v7;
	v7 =	vld [tilespmem:$0x1FC40]  }
0x185: {  	v55 =	vadd.f32 v54, v45;
	v10 =	vadd.f32 v32, v11;
	[tilespmem:$0x1FD20] =	vst v0;
	v0 =	vld [tilespmem:s19+$0xCD50]  }
0x186: {  	v1 =	vld [tilespmem:s19+$0x6D60]  }
0x187: {  	[tilespmem:s19+$0x140] =	vst v55;
	v55 =	vld [tilespmem:s19+$0x900];
	v9 =	vadd.f32 v9, v10  }
0x188: {  	v12 =	vld [tilespmem:s19+$0x910];
	v6 =	vadd.f32 v6, v53  }
0x189: {  	[tilespmem:s19+$0x570] =	vst v9;
	v9 =	vld [tilespmem:$0x1FC70]  }
0x18a: {  	v6 =	vadd.f32 v7, v6;
	[tilespmem:$0x1FD30] =	vst v0;
	v0 =	vld [tilespmem:s19+$0xCD60]  }
0x18b: {  	v2 =	vld [tilespmem:s19+$0x6D70]  }
0x18c: {  	[tilespmem:s19+$0x560] =	vst v6;
	v6 =	vld [tilespmem:$0x1FC60]  }
0x18d: {  	v63 =	vld [tilespmem:s19+$0x7110];
	v4 =	vadd.f32 v4, v12  }
0x18e: {  	v8 =	vld [tilespmem:s19+$0x930]  }
0x18f: {  	v5 =	vadd.f32 v5, v55;
	v4 =	vadd.f32 v9, v4;
	[tilespmem:$0x1FD40] =	vst v0;
	v0 =	vld [tilespmem:s19+$0xCD70]  }
0x190: {  	v62 =	vld [tilespmem:s19+$0x7120]  }
0x191: {  	v5 =	vadd.f32 v6, v5;
	[tilespmem:s19+$0x910] =	vst v4;
	v4 =	vld [tilespmem:$0x1FC90]  }
0x192: {  	v57 =	vld [tilespmem:s19+$0x920]  }
0x193: {  	[tilespmem:s19+$0x900] =	vst v5;
	v5 =	vld [tilespmem:$0x1FC80]  }
0x194: {  	v8 =	vadd.f32 v30, v8;
	[tilespmem:$0x1FD50] =	vst v0;
	v0 =	vld [tilespmem:s19+$0xD100]  }
0x195: {  	v61 =	vld [tilespmem:s19+$0x7130]  }
0x196: {  	v11 =	vld [tilespmem:s19+$0x940];
	v4 =	vadd.f32 v4, v8  }
0x197: {  	v7 =	vld [tilespmem:s19+$0x950];
	v6 =	vadd.f32 v31, v57  }
0x198: {  	[tilespmem:s19+$0x930] =	vst v4;
	v4 =	vld [tilespmem:$0x1FCB0]  }
0x199: {  	v5 =	vadd.f32 v5, v6;
	[tilespmem:$0x1FD60] =	vst v0;
	v0 =	vld [tilespmem:s19+$0xD110]  }
0x19a: {  	v60 =	vld [tilespmem:s19+$0x7140]  }
0x19b: {  	[tilespmem:s19+$0x920] =	vst v5;
	v5 =	vld [tilespmem:$0x1FCA0]  }
0x19c: {  	v59 =	vld [tilespmem:s19+$0x7150];
	v7 =	vadd.f32 v28, v7  }
0x19d: {  	v12 =	vld [tilespmem:s19+$0x970]  }
0x19e: {  	v6 =	vadd.f32 v29, v11;
	v4 =	vadd.f32 v4, v7;
	[tilespmem:$0x1FD70] =	vst v0;
	v0 =	vld [tilespmem:s19+$0xD120]  }
0x19f: {  	v58 =	vld [tilespmem:s19+$0x7160]  }
0x1a0: {  	v5 =	vadd.f32 v5, v6;
	[tilespmem:s19+$0x950] =	vst v4;
	v4 =	vld [tilespmem:$0x1FCD0]  }
0x1a1: {  	v10 =	vld [tilespmem:s19+$0x960]  }
0x1a2: {  	[tilespmem:s19+$0x940] =	vst v5;
	v5 =	vld [tilespmem:$0x1FCC0]  }
0x1a3: {  	v7 =	vadd.f32 v26, v12;
	[tilespmem:$0x1FD80] =	vst v0;
	v0 =	vld [tilespmem:s19+$0xD130]  }
0x1a4: {  	v20 =	vld [tilespmem:s19+$0x7170]  }
0x1a5: {  	v9 =	vld [tilespmem:s19+$0xD00];
	v4 =	vadd.f32 v4, v7  }
0x1a6: {  	v11 =	vld [tilespmem:s19+$0xD10];
	v6 =	vadd.f32 v27, v10  }
0x1a7: {  	[tilespmem:s19+$0x970] =	vst v4;
	v4 =	vld [tilespmem:$0x1FCF0]  }
0x1a8: {  	v5 =	vadd.f32 v5, v6;
	[tilespmem:$0x1FD90] =	vst v0;
	v0 =	vld [tilespmem:s19+$0xD140]  }
0x1a9: {  	v19 =	vld [tilespmem:s19+$0x7500]  }
0x1aa: {  	[tilespmem:s19+$0x960] =	vst v5;
	v5 =	vld [tilespmem:$0x1FCE0]  }
0x1ab: {  	v18 =	vld [tilespmem:s19+$0x7510];
	v7 =	vadd.f32 v24, v11  }
0x1ac: {  	v10 =	vld [tilespmem:s19+$0xD30]  }
0x1ad: {  	v6 =	vadd.f32 v25, v9;
	v4 =	vadd.f32 v4, v7;
	[tilespmem:$0x1FDA0] =	vst v0;
	v0 =	vld [tilespmem:s19+$0xD150]  }
0x1ae: {  	v17 =	vld [tilespmem:s19+$0x7520]  }
0x1af: {  	v5 =	vadd.f32 v5, v6;
	[tilespmem:s19+$0xD10] =	vst v4;
	v4 =	vld [tilespmem:$0x1FD10]  }
0x1b0: {  	v8 =	vld [tilespmem:s19+$0xD20]  }
0x1b1: {  	[tilespmem:s19+$0xD00] =	vst v5;
	v5 =	vld [tilespmem:$0x1FD00]  }
0x1b2: {  	v7 =	vadd.f32 v22, v10;
	[tilespmem:$0x1FDB0] =	vst v0;
	v0 =	vld [tilespmem:s19+$0xD160]  }
0x1b3: {  	v16 =	vld [tilespmem:s19+$0x7530]  }
0x1b4: {  	v9 =	vld [tilespmem:s19+$0xD50];
	v4 =	vadd.f32 v4, v7  }
0x1b5: {  	v12 =	vld [tilespmem:s19+$0xD40];
	v6 =	vadd.f32 v23, v8  }
0x1b6: {  	[tilespmem:s19+$0xD30] =	vst v4;
	v4 =	vld [tilespmem:$0x1FD30]  }
0x1b7: {  	v5 =	vadd.f32 v5, v6;
	[tilespmem:$0x1FDC0] =	vst v0;
	v0 =	vld [tilespmem:s19+$0xD170]  }
0x1b8: {  	v15 =	vld [tilespmem:s19+$0x7540]  }
0x1b9: {  	v3 =	vadd.f32 v3, v9;
	[tilespmem:s19+$0xD20] =	vst v5;
	v5 =	vld [tilespmem:$0x1FD20]  }
0x1ba: {  	v13 =	vld [tilespmem:s19+$0x7550]  }
0x1bb: {  	v8 =	vld [tilespmem:s19+$0xD70];
	v3 =	vadd.f32 v4, v3  }
0x1bc: {  	v6 =	vadd.f32 v21, v12;
	[tilespmem:$0x1FDD0] =	vst v0;
	v0 =	vld [tilespmem:s19+$0xD500]  }
0x1bd: {  	[tilespmem:s19+$0xD50] =	vst v3;
	v3 =	vld [tilespmem:$0x1FD50]  }
0x1be: {  	v50 =	vld [tilespmem:s19+$0x7560];
	v5 =	vadd.f32 v5, v6  }
0x1bf: {  	v11 =	vld [tilespmem:s19+$0xD60]  }
0x1c0: {  	v2 =	vadd.f32 v2, v8;
	[tilespmem:s19+$0xD40] =	vst v5;
	v5 =	vld [tilespmem:$0x1FD40]  }
0x1c1: {  	[tilespmem:$0x1FDE0] =	vst v0;
	v0 =	vld [tilespmem:s19+$0xD510]  }
0x1c2: {  	v12 =	vld [tilespmem:s19+$0x1110];
	v2 =	vadd.f32 v3, v2  }
0x1c3: {  	v14 =	vld [tilespmem:s19+$0x7570]  }
0x1c4: {  	v1 =	vadd.f32 v1, v11;
	[tilespmem:s19+$0xD70] =	vst v2;
	v2 =	vld [tilespmem:$0x1FD70]  }
0x1c5: {  	v10 =	vld [tilespmem:s19+$0x1100]  }
0x1c6: {  	v1 =	vadd.f32 v5, v1;
	[tilespmem:$0x1FDF0] =	vst v0;
	v0 =	vld [tilespmem:s19+$0x7100]  }
0x1c7: {  	v44 =	vld [tilespmem:s19+$0x500];
	v3 =	vadd.f32 v63, v12  }
0x1c8: {  	[tilespmem:s19+$0xD60] =	vst v1;
	v1 =	vld [tilespmem:$0x1FD60]  }
0x1c9: {  	v6 =	vld [tilespmem:s19+$0x1130];
	v3 =	vadd.f32 v2, v3  }
0x1ca: {  	v54 =	vld [tilespmem:$0x1FBE0]  }
0x1cb: {  	[tilespmem:s19+$0x1110] =	vst v3;
	v3 =	vld [tilespmem:$0x1FD90];
	v0 =	vadd.f32 v0, v10  }
0x1cc: {  	v9 =	vld [tilespmem:s19+$0x1160]  }
0x1cd: {  	v7 =	vld [tilespmem:s19+$0x1120];
	v0 =	vadd.f32 v1, v0  }
0x1ce: {  	v4 =	vld [tilespmem:s19+$0x1140];
	v6 =	vadd.f32 v61, v6  }
0x1cf: {  	[tilespmem:s19+$0x1100] =	vst v0;
	v0 =	vld [tilespmem:$0x1FD80]  }
0x1d0: {  	v8 =	vadd.f32 v3, v6;
	v3 =	vld [tilespmem:$0x1FDA0]  }
0x1d1: {  	p1 =	sne.s32 s20, $0x1F;
	v51 =	vadd.f32 v40, v44;
	v5 =	vld [tilespmem:s19+$0x1150]  }
.Ltmp0:
0x1d2: {  	v7 =	vadd.f32 v62, v7;
	v2 =	vld [tilespmem:s19+$0x1500];
	(pc) =	sbr.rel @p1 .LBB2_3-.Ltmp0, $4  }
0x1d3: {  	[tilespmem:s19+$0x100] =	vst v36;
	v36 =	vadd.f32 v54, v51;
	v10 =	vadd.f32 v60, v4;
	v4 =	vld [tilespmem:s19+$0x1520]  }
0x1d4: {  	[tilespmem:s19+$0x160] =	vst v49;
	v1 =	vld [tilespmem:s19+$0x1170];
	v7 =	vadd.f32 v0, v7  }
0x1d5: {  	[tilespmem:s19+$0x500] =	vst v36;
	v21 =	vadd.f32 v3, v10;
	v3 =	vld [tilespmem:s19+$0x1530]  }
0x1d6: {  	s20 =	sadd.s32 $0x1, s20;
	v44 =	vmov v47;
	v5 =	vadd.f32 v59, v5;
	v6 =	vadd.f32 v58, v9;
	v0 =	vld [tilespmem:s19+$0x1510];
	[tilespmem:s19+$0x1120] =	vst v7  }
0x1d7: {  	v40 =	vld [tilespmem:$0x1FDB0]  }
0x1d8: {  	v9 =	vld [tilespmem:$0x1FDC0]  }
0x1d9: {  	v45 =	vld [tilespmem:$0x1FDD0]  }
0x1da: {  	v49 =	vld [tilespmem:$0x1FDE0]  }
0x1db: {  	v7 =	vld [tilespmem:s19+$0x1540]  }
0x1dc: {  	[tilespmem:s19+$0x1130] =	vst v8;
	v53 =	vld [tilespmem:$0x1FDF0];
	v1 =	vadd.f32 v20, v1;
	v5 =	vadd.f32 v40, v5  }
0x1dd: {  	[tilespmem:s19+$0x1140] =	vst v21;
	v41 =	vld [tilespmem:s19+$0x1550];
	v2 =	vadd.f32 v19, v2;
	v6 =	vadd.f32 v9, v6  }
0x1de: {  	v43 =	vld [tilespmem:s19+$0x1560];
	v3 =	vadd.f32 v16, v3;
	v1 =	vadd.f32 v45, v1;
	[tilespmem:s19+$0x1150] =	vst v5  }
0x1df: {  	v47 =	vld [tilespmem:s19+$0x1570];
	v0 =	vadd.f32 v18, v0;
	v2 =	vadd.f32 v49, v2;
	[tilespmem:s19+$0x1160] =	vst v6  }
0x1e0: {  	v52 =	vld [tilespmem:s19+$0xD560];
	v51 =	vadd.f32 v17, v4;
	v56 =	vadd.f32 v46, v3;
	[tilespmem:s19+$0x1170] =	vst v1  }
0x1e1: {  	v55 =	vld [tilespmem:s19+$0xD570];
	v54 =	vadd.f32 v15, v7;
	v0 =	vadd.f32 v53, v0;
	[tilespmem:s19+$0x1500] =	vst v2  }
0x1e2: {  	v57 =	vadd.f32 v13, v41;
	v1 =	vadd.f32 v48, v51;
	[tilespmem:s19+$0x1530] =	vst v56  }
0x1e3: {  	v59 =	vadd.f32 v50, v43;
	v58 =	vadd.f32 v44, v54;
	[tilespmem:s19+$0x1510] =	vst v0  }
0x1e4: {  	v61 =	vadd.f32 v14, v47;
	v60 =	vadd.f32 v42, v57;
	[tilespmem:s19+$0x1520] =	vst v1  }
0x1e5: {  	v62 =	vadd.f32 v52, v59;
	[tilespmem:s19+$0x1540] =	vst v58  }
0x1e6: {  	v63 =	vadd.f32 v55, v61;
	[tilespmem:s19+$0x1550] =	vst v60  }
0x1e7: {  	s17 =	rddreg [dreg:$0x1];
	[tilespmem:s19+$0x1560] =	vst v62  }
.Ltmp1:
0x1e8: {  	s22 =	simm.s32 $0x0;
	s17 =	sadd.s32 s17, s18;
	[tilespmem:s19+$0x1570] =	vst v63;
	(pc) =	sbr.rel @p0 .LBB2_2-.Ltmp1, $4  }
0x1e9: {  	[hbm4b:s17+s22] =	stream.linear.scatter [tilespmem:s15], [sflag:$0x2], $0x6000, $0x38;
	[tilespmem:$0x12100] =	vst v63  }
0x1ea: {  	_ =	swait.ge [sflag:s12], $0x6000  }
0x1eb: {  	[sflag:s12] =	ssyncset.done $0x0  }
0x1ec: {  	p1 =	por $0x0, $0x0;
	s17 =	simm.s32 $0x4;
	[sflag:s12] =	ssyncadd.s32 $0xFFFFA000  }
0x1ed: {  	s18 =	rddreg [dreg:$0x4]  }
0x1ee: {  	s17 =	rddreg [dreg:$0x3];
	s18 =	sadd.s32 $0x1, s18  }
0x1ef: {  	p0 =	sne.s32 s18, s17  }
.Ltmp2:
0x1f0: {  	_ = 	snop;
	(pc) =	sbr.rel @p0 .LBB2_1-.Ltmp2, $1  }
0x1f1: {  	_ =	sdelay $0x3  }
0x1f2: {  	_ =	sfence.sel $0x180000  }
0x1f3: {  	[bflag:$0x0] =	sbarrier.arrive $0xFFFF  }
0x1f4: {  	_ =	strace $0x9000004D  }
0x1f5: {  	s0 =	stileid.u32;
	[bflag:$0x2] =	sbarrier.arrive $0xFFFF  }
0x1f6: {  	p0 =	sne.s32 s0, $0x0;
	s0 =	rddreg [dreg:$0x2]  }
0x1f7: {  	s0 =	sadd.s32 @!p0 $0x100000, s0  }
0x1f8: {  	[sflag:s0] =	ssyncadd.tile.s32 @!p0 $0x1;
	_ =	shalt  }
.Lfunc_end2:
_tile_overlayer_lowered:
.L_overlay_start_2:
0x1f9: {  	(tag) =	ssettag $0x2  }
0x1fa: {  	s0 =	rddreg [dreg:$0x0];
	s2 =	stileid.u32  }
0x1fb: {  	s1 =	rddreg [dreg:$0x1];
	p0 =	sne.s32 s2, $0x0  }
0x1fc: {  	s3 =	rddreg [dreg:$0x2];
	[bflag:$0x3] =	sbarrier.arrive $0xFFFF;
	s2 =	simm.s32 @!p0 $0x1C02  }
0x1fd: {  	[timem:s3], [sflag:s2] =	dma.local @!p0 [hbm:s0], s1  }
0x1fe: {  	s0 =	simm.s32 @!p0 $0x2  }
0x1ff: {  	_ =	swait.ge @!p0 [sflag:s0], s1  }
0x200: {  	s1 =	ssub.s32 @!p0 $0x0, s1;
	[sflag:s0] =	ssyncset.done @!p0 $0x0  }
0x201: {  	[sflag:s0] =	ssyncadd.s32 @!p0 s1  }
0x202: {  	[bflag:$0x3] =	sbarrier.arrive $0xFFFF  }
0x203: {  	_ =	shalt  }

</sc_bundles>
